<compile_context>
chip_gen: v7x
topology: tpu7x:2x2x1
jax: 0.10.2.dev20260603
libtpu: 0.0.44.dev20260713+nightly
codegen_flags: <defaults>
</compile_context>

<pallas_src>
import functools

import jax
import jax.numpy as jnp
from jax import lax
from jax.experimental import pallas as pl
from jax.experimental.pallas import tpu as pltpu
from jax.experimental.pallas import tpu_sc as plsc

N = 10000
E = 320000
D = 128
NORM_FACTOR = 100.0
COORDS_RANGE = 15.0
NORM_CONSTANT = 1.0

NC = 2
NS = 16
NW = NC * NS
EPW = E // NW
C = 80
NCH = EPW // C
RPT = N // NS

EB = 4000
NB = 1000


def _silu(v):
    return v * jax.nn.sigmoid(v)



def _make_gather():
    mesh = plsc.VectorSubcoreMesh(core_axis_name="c", subcore_axis_name="s")

    @functools.partial(
        pl.kernel,
        out_type=[jax.ShapeDtypeStruct((E, D), jnp.uint32),
                  jax.ShapeDtypeStruct((E, D), jnp.uint32)],
        mesh=mesh,
        scratch_types=[pltpu.VMEM((EPW,), jnp.int32),
                       pltpu.VMEM((EPW,), jnp.int32),
                       pltpu.VMEM((C, D), jnp.uint32),
                       pltpu.VMEM((C, D), jnp.uint32),
                       pltpu.VMEM((C, D), jnp.uint32),
                       pltpu.VMEM((C, D), jnp.uint32),
                       pltpu.SemaphoreType.DMA,
                       pltpu.SemaphoreType.DMA],
    )
    def gk(tab, rowi, coli, out_r, out_c, ira, ica, br0, bc0, br1, bc1, g0, g1):
        wid = lax.axis_index("s") * NC + lax.axis_index("c")
        base0 = wid * EPW
        pltpu.sync_copy(rowi.at[pl.ds(base0, EPW)], ira)
        pltpu.sync_copy(coli.at[pl.ds(base0, EPW)], ica)

        def issue(j, br, bc, sem):
            pltpu.async_copy(tab.at[ira.at[pl.ds(j * C, C)]], br, sem)
            pltpu.async_copy(tab.at[ica.at[pl.ds(j * C, C)]], bc, sem)

        def wait(j, br, bc, sem):
            pltpu.make_async_copy(tab.at[ira.at[pl.ds(j * C, C)]], br, sem).wait()
            pltpu.make_async_copy(tab.at[ica.at[pl.ds(j * C, C)]], bc, sem).wait()

        def wb(j, br, bc):
            pltpu.sync_copy(br, out_r.at[pl.ds(base0 + j * C, C)])
            pltpu.sync_copy(bc, out_c.at[pl.ds(base0 + j * C, C)])

        issue(0, br0, bc0, g0)

        def body(i, carry):
            a = 2 * i
            issue(a + 1, br1, bc1, g1)
            wait(a, br0, bc0, g0)
            wb(a, br0, bc0)
            issue(a + 2, br0, bc0, g0)
            wait(a + 1, br1, bc1, g1)
            wb(a + 1, br1, bc1)
            return carry

        lax.fori_loop(0, (NCH - 1) // 2, body, 0)
        wait(NCH - 1, br0, bc0, g0)
        wb(NCH - 1, br0, bc0)

    return gk


def _unpack_lo(g):
    return jax.lax.bitcast_convert_type(g << 16, jnp.float32)


def _unpack_hi(g):
    return jax.lax.bitcast_convert_type(g & jnp.uint32(0xFFFF0000), jnp.float32)


def _pack_pairs(a_f32, b_f32):
    au = jax.lax.bitcast_convert_type(a_f32, jnp.uint32) >> 16
    bu = jax.lax.bitcast_convert_type(b_f32, jnp.uint32) & jnp.uint32(0xFFFF0000)
    return au | bu


def _make_scatter(CH, npass):
    mesh = plsc.VectorSubcoreMesh(core_axis_name="c", subcore_axis_name="s")

    @functools.partial(
        pl.kernel,
        out_type=jax.ShapeDtypeStruct((NC * N, D), jnp.float32),
        mesh=mesh,
        scratch_types=[pltpu.VMEM((C,), jnp.int32),
                       pltpu.VMEM((C,), jnp.int32),
                       pltpu.VMEM((C, CH), jnp.float32),
                       pltpu.VMEM((C, CH), jnp.float32),
                       pltpu.VMEM((RPT, D), jnp.float32),
                       pltpu.VMEM_SHARED((N, CH), jnp.float32),
                       pltpu.SemaphoreType.DMA,
                       pltpu.SemaphoreType.DMA,
                       pltpu.SemaphoreType.DMA,
                       pltpu.SemaphoreType.DMA],
        compiler_params=pltpu.CompilerParams(use_tc_tiling_on_sc=False),
    )
    def sk(vals, rowi, zer, out, ib0, ib1, vb0, vb1, zb, acc, l0, l1, s0, s1):
        cid = lax.axis_index("c")
        sid = lax.axis_index("s")
        wid = cid * NS + sid
        base0 = wid * EPW
        myrows = pl.ds(sid * RPT, RPT)
        for ch in range(npass):
            cols = pl.ds(ch * CH, CH)
            pltpu.sync_copy(zer, zb)
            pltpu.sync_copy(zb.at[:, pl.ds(0, CH)], acc.at[myrows])
            plsc.subcore_barrier()

            def load(j, ib, vb, sem):
                pltpu.async_copy(rowi.at[pl.ds(base0 + j * C, C)], ib, sem)
                pltpu.async_copy(vals.at[pl.ds(base0 + j * C, C), cols], vb, sem)

            def wait_load(j, ib, vb, sem):
                pltpu.make_async_copy(
                    rowi.at[pl.ds(base0 + j * C, C)], ib, sem).wait()
                pltpu.make_async_copy(
                    vals.at[pl.ds(base0 + j * C, C), cols], vb, sem).wait()

            def scat(ib, vb, sem):
                pltpu.async_copy(vb, acc.at[ib], sem, add=True)

            def wait_scat(ib, vb, sem):
                pltpu.make_async_copy(vb, acc.at[ib], sem).wait()

            load(0, ib0, vb0, l0)

            def body(i, carry):
                a = 2 * i
                wait_load(a, ib0, vb0, l0)
                scat(ib0, vb0, s0)

                @pl.when(i > 0)
                def _():
                    wait_scat(ib1, vb1, s1)

                load(a + 1, ib1, vb1, l1)
                wait_load(a + 1, ib1, vb1, l1)
                scat(ib1, vb1, s1)
                wait_scat(ib0, vb0, s0)
                load(a + 2, ib0, vb0, l0)
                return carry

            lax.fori_loop(0, (NCH - 1) // 2, body, 0)
            wait_load(NCH - 1, ib0, vb0, l0)
            scat(ib0, vb0, s0)
            wait_scat(ib1, vb1, s1)
            wait_scat(ib0, vb0, s0)
            plsc.subcore_barrier()
            pltpu.sync_copy(acc.at[myrows], zb.at[:, pl.ds(0, CH)])
            pltpu.sync_copy(zb.at[:, pl.ds(0, CH)],
                            out.at[pl.ds(cid * N + sid * RPT, RPT), cols])

    return sk



def _edge1_body(gr, gc, ea, w1ra, w1rb, w1ca, w1cb, w1e, b1, w2, b2,
                watt, batt, m_out, cdr_out):
    g_r = gr[...]
    g_c = gc[...]
    rA = _unpack_lo(g_r[:, :64])
    rB = _unpack_hi(g_r[:, :64])
    cA = _unpack_lo(g_c[:, :64])
    cB = _unpack_hi(g_c[:, :64])
    rx = jax.lax.bitcast_convert_type(g_r[:, 64:67], jnp.float32)
    cx = jax.lax.bitcast_convert_type(g_c[:, 64:67], jnp.float32)
    cd = rx - cx
    radial = jnp.sum(cd * cd, axis=1, keepdims=True)
    cdn = cd / (jnp.sqrt(radial + 1e-8) + NORM_CONSTANT)
    lane0 = (lax.broadcasted_iota(jnp.int32, (1, 8), 1) == 0).astype(jnp.float32)
    eap = ea[...] + radial * lane0
    pre = (jnp.dot(rA, w1ra[...], preferred_element_type=jnp.float32)
           + jnp.dot(rB, w1rb[...], preferred_element_type=jnp.float32)
           + jnp.dot(cA, w1ca[...], preferred_element_type=jnp.float32)
           + jnp.dot(cB, w1cb[...], preferred_element_type=jnp.float32)
           + jnp.dot(eap, w1e[...], preferred_element_type=jnp.float32)
           + b1[...])
    m = _silu(pre)
    m = _silu(jnp.dot(m, w2[...], preferred_element_type=jnp.float32) + b2[...])
    att = jax.nn.sigmoid(jnp.sum(m * watt[...], axis=1, keepdims=True) + batt[...])
    m_out[...] = m * att
    cdr_out[...] = jnp.concatenate([cdn, radial], axis=1)


def _edge2_body(g2r, g2c, ea, cdr, w1ra, w1rb, w1ca, w1cb, w1e, b1, w2, b2,
                wc3, t_out):
    radial = cdr[:, 3:4]
    cdn = cdr[:, 0:3]
    rA = _unpack_lo(g2r[:, :64])
    rB = _unpack_hi(g2r[:, :64])
    cA = _unpack_lo(g2c[:, :64])
    cB = _unpack_hi(g2c[:, :64])
    lane0 = (lax.broadcasted_iota(jnp.int32, (1, 8), 1) == 0).astype(jnp.float32)
    eap = ea[...] + radial * lane0
    pre = (jnp.dot(rA, w1ra[...], preferred_element_type=jnp.float32)
           + jnp.dot(rB, w1rb[...], preferred_element_type=jnp.float32)
           + jnp.dot(cA, w1ca[...], preferred_element_type=jnp.float32)
           + jnp.dot(cB, w1cb[...], preferred_element_type=jnp.float32)
           + jnp.dot(eap, w1e[...], preferred_element_type=jnp.float32)
           + b1[...])
    s = _silu(pre)
    s = _silu(jnp.dot(s, w2[...], preferred_element_type=jnp.float32) + b2[...])
    t = jnp.sum(s * wc3[...], axis=1, keepdims=True)
    tr = cdn * jnp.tanh(t) * COORDS_RANGE
    t_out[...] = jnp.concatenate(
        [tr, jnp.zeros((tr.shape[0], 125), jnp.float32)], axis=1)


def _node_body(h, p0, p1, wa, wb, b1, w2, b2, out, out_bf):
    agg = (p0[...] + p1[...]) * (1.0 / NORM_FACTOR)
    pre = (jnp.dot(h[...], wa[...], preferred_element_type=jnp.float32)
           + jnp.dot(agg, wb[...], preferred_element_type=jnp.float32)
           + b1[...])
    u = _silu(pre)
    hn = h[...] + jnp.dot(u, w2[...], preferred_element_type=jnp.float32) + b2[...]
    out[...] = hn
    out_bf[...] = jnp.concatenate(
        [_pack_pairs(hn[:, :64], hn[:, 64:]),
         jnp.zeros((hn.shape[0], 64), jnp.uint32)], axis=1)


def _x_body(x, q0, q1, out):
    out[...] = x[...] + (q0[:, 0:3] + q1[:, 0:3]) * (1.0 / NORM_FACTOR)


def _blk(shape, pos=0):
    if pos is None:
        return pl.BlockSpec(shape, lambda i: (0,) * len(shape))
    return pl.BlockSpec(shape, lambda i: (i,) + (0,) * (len(shape) - 1))


def _edge1_call(gr, gc, eap, w1ra, w1rb, w1ca, w1cb, w1e, b1, w2, b2, watt, batt):
    grid = (E // EB,)
    return pl.pallas_call(
        _edge1_body,
        grid=grid,
        in_specs=[_blk((EB, D)), _blk((EB, D)), _blk((EB, 8)),
                  _blk((64, D), None), _blk((64, D), None),
                  _blk((64, D), None), _blk((64, D), None), _blk((8, D), None),
                  _blk((1, D), None), _blk((D, D), None), _blk((1, D), None),
                  _blk((1, D), None), _blk((1, 1), None)],
        out_specs=[_blk((EB, D)), _blk((EB, 4))],
        out_shape=[jax.ShapeDtypeStruct((E, D), jnp.float32),
                   jax.ShapeDtypeStruct((E, 4), jnp.float32)],
    )(gr, gc, eap, w1ra, w1rb, w1ca, w1cb, w1e, b1, w2, b2, watt, batt)


def _edge2_call(g2r, g2c, eap, cdr, w1ra, w1rb, w1ca, w1cb, w1e, b1, w2, b2, wc3):
    grid = (E // EB,)
    return pl.pallas_call(
        _edge2_body,
        grid=grid,
        in_specs=[_blk((EB, D)), _blk((EB, D)), _blk((EB, 8)), _blk((EB, 4)),
                  _blk((64, D), None), _blk((64, D), None),
                  _blk((64, D), None), _blk((64, D), None), _blk((8, D), None),
                  _blk((1, D), None), _blk((D, D), None), _blk((1, D), None),
                  _blk((1, D), None)],
        out_specs=_blk((EB, D)),
        out_shape=jax.ShapeDtypeStruct((E, D), jnp.float32),
    )(g2r, g2c, eap, cdr, w1ra, w1rb, w1ca, w1cb, w1e, b1, w2, b2, wc3)


def _node_call(h, p0, p1, wa, wb, b1, w2, b2):
    grid = (N // NB,)
    return pl.pallas_call(
        _node_body,
        grid=grid,
        in_specs=[_blk((NB, D)), _blk((NB, D)), _blk((NB, D)),
                  _blk((D, D), None), _blk((D, D), None), _blk((1, D), None),
                  _blk((D, D), None), _blk((1, D), None)],
        out_specs=[_blk((NB, D)), _blk((NB, D))],
        out_shape=[jax.ShapeDtypeStruct((N, D), jnp.float32),
                   jax.ShapeDtypeStruct((N, D), jnp.uint32)],
    )(h, p0, p1, wa, wb, b1, w2, b2)


def _x_call(x, q0, q1):
    grid = (N // NB,)
    return pl.pallas_call(
        _x_body,
        grid=grid,
        in_specs=[_blk((NB, 3)), _blk((NB, D)), _blk((NB, D))],
        out_specs=_blk((NB, 3)),
        out_shape=jax.ShapeDtypeStruct((N, 3), jnp.float32),
    )(x, q0, q1)



def kernel(h, x, edge_index, edge_attr,
           W_m1, b_m1, W_m2, b_m2, W_att, b_att, W_u1, b_u1, W_u2, b_u2,
           W_c1, b_c1, W_c2, b_c2, W_c3):
    row = edge_index[0]
    col = edge_index[1]
    eap = jnp.pad(edge_attr, ((0, 0), (1, 3)))
    zer = jnp.zeros((RPT, D), jnp.float32)

    T1 = jnp.concatenate(
        [_pack_pairs(h[:, :64], h[:, 64:]),
         jax.lax.bitcast_convert_type(x, jnp.uint32),
         jnp.zeros((N, 61), jnp.uint32)], axis=1)
    gr, gc = _make_gather()(T1, row, col)
    w1e = jnp.pad(W_m1[2 * D:], ((0, 3), (0, 0)))

    m, cdr = _edge1_call(gr, gc, eap,
                         W_m1[:64], W_m1[64:D],
                         W_m1[D:D + 64], W_m1[D + 64:2 * D],
                         w1e, b_m1.reshape(1, D),
                         W_m2, b_m2.reshape(1, D),
                         W_att.reshape(1, D), b_att.reshape(1, 1))
    part = _make_scatter(64, 2)(m, row, zer)

    hn, hn_pk = _node_call(h, part[:N], part[N:],
                           W_u1[:D], W_u1[D:], b_u1.reshape(1, D),
                           W_u2, b_u2.reshape(1, D))

    g2r, g2c = _make_gather()(hn_pk, row, col)
    wc1e = jnp.pad(W_c1[2 * D:], ((0, 3), (0, 0)))
    trans = _edge2_call(g2r, g2c, eap, cdr,
                        W_c1[:64], W_c1[64:D],
                        W_c1[D:D + 64], W_c1[D + 64:2 * D],
                        wc1e, b_c1.reshape(1, D),
                        W_c2, b_c2.reshape(1, D),
                        W_c3.reshape(1, D))
    q = _make_scatter(16, 1)(trans, row, zer)
    xn = _x_call(x, q[:N], q[N:])
    return (hn, xn)

# --- scband reference (transcript-rebuilt; emitter-appended) ---
"""Pipeline reference for scband-update-block-901943132402 (READ-ONLY COPY).

The authoritative reference and input builder live on the scoring server;
editing this copy changes nothing except your own understanding.
"""

import jax, jax.numpy as jnp
import numpy as np

N = 10000
E = 320000
D = 128
EA = 4
NORM_FACTOR = 100.0
COORDS_RANGE = 15.0
NORM_CONSTANT = 1.0


def silu(v):
    return v * jax.nn.sigmoid(v)


def _lin(k, fan_in, fan_out, scale=None):
    s = scale if scale is not None else 1.0 / np.sqrt(fan_in)
    return jax.random.normal(k, (fan_in, fan_out), jnp.float32) * s


def setup_inputs(seed: int = 0) -> dict:
    key = jax.random.key(seed)
    ks = jax.random.split(key, 24)
    h = jax.random.normal(ks[0], (N, D), jnp.float32)
    x = jax.random.normal(ks[1], (N, 3), jnp.float32)
    edge_index = jax.random.randint(ks[2], (2, E), 0, N, dtype=jnp.int32)
    edge_attr = jax.random.normal(ks[3], (E, EA), jnp.float32)
    in_dim = 2 * D + (EA + 1)
    params = {
        'W_m1': _lin(ks[4], in_dim, D), 'b_m1': jnp.zeros((D,), jnp.float32),
        'W_m2': _lin(ks[5], D, D), 'b_m2': jnp.zeros((D,), jnp.float32),
        'W_att': _lin(ks[6], D, 1), 'b_att': jnp.zeros((1,), jnp.float32),
        'W_u1': _lin(ks[7], 2 * D, D), 'b_u1': jnp.zeros((D,), jnp.float32),
        'W_u2': _lin(ks[8], D, D), 'b_u2': jnp.zeros((D,), jnp.float32),
        'W_c1': _lin(ks[9], in_dim, D), 'b_c1': jnp.zeros((D,), jnp.float32),
        'W_c2': _lin(ks[10], D, D), 'b_c2': jnp.zeros((D,), jnp.float32),
        'W_c3': _lin(ks[11], D, 1, scale=0.001),
    }
    inp = {'h': h, 'x': x, 'edge_index': edge_index, 'edge_attr': edge_attr}
    inp.update(params)
    return inp


def reference(h, x, edge_index, edge_attr,
              W_m1, b_m1, W_m2, b_m2, W_att, b_att, W_u1, b_u1, W_u2, b_u2,
              W_c1, b_c1, W_c2, b_c2, W_c3):
    row, col = edge_index[0], edge_index[1]
    # coord2diff
    coord_diff = x[row] - x[col]
    radial = jnp.sum(coord_diff ** 2, axis=1, keepdims=True)
    norm = jnp.sqrt(radial + 1e-8)
    coord_diff = coord_diff / (norm + NORM_CONSTANT)
    ea = jnp.concatenate([radial, edge_attr], axis=1)
    # FeatUpdate (gcl_0), agg_method='sum', attention=True
    inp = jnp.concatenate([h[row], h[col], ea], axis=1)
    m = silu(inp @ W_m1 + b_m1)
    m = silu(m @ W_m2 + b_m2)
    att = jax.nn.sigmoid(m @ W_att + b_att)
    m = m * att
    agg = jax.ops.segment_sum(m, row, num_segments=N) / NORM_FACTOR
    h = h + (silu(jnp.concatenate([h, agg], axis=1) @ W_u1 + b_u1) @ W_u2 + b_u2)
    # CoordUpdate (gcl_equiv), tanh=True
    inp2 = jnp.concatenate([h[row], h[col], ea], axis=1)
    s = silu(inp2 @ W_c1 + b_c1)
    s = silu(s @ W_c2 + b_c2)
    s = s @ W_c3
    trans = coord_diff * jnp.tanh(s) * COORDS_RANGE
    aggc = jax.ops.segment_sum(trans, row, num_segments=N) / NORM_FACTOR
    x = x + aggc
    return (h, x)

if __name__ == "__main__":
    import jax
    _d = setup_inputs()
    print(jax.jit(kernel)(*tuple(_d.values())))

</pallas_src>

<mosaic_0001>
#map = affine_map<(d0, d1) -> (0, 0)>
#map1 = affine_map<(d0, d1) -> (0)>
module attributes {stable_mosaic.version = 14 : i64} {
  func.func @gk(%arg0: i32, %arg1: i32, %arg2: memref<10000x128xi32, #tpu.memory_space<hbm>>, %arg3: memref<320000xi32, #tpu.memory_space<hbm>>, %arg4: memref<320000xi32, #tpu.memory_space<hbm>>, %arg5: memref<320000x128xi32, #tpu.memory_space<hbm>>, %arg6: memref<320000x128xi32, #tpu.memory_space<hbm>>, %arg7: memref<10000xi32, #tpu.memory_space<vmem>>, %arg8: memref<10000xi32, #tpu.memory_space<vmem>>, %arg9: memref<80x128xi32, #tpu.memory_space<vmem>>, %arg10: memref<80x128xi32, #tpu.memory_space<vmem>>, %arg11: memref<80x128xi32, #tpu.memory_space<vmem>>, %arg12: memref<80x128xi32, #tpu.memory_space<vmem>>, %arg13: memref<!tpu.dma_semaphore, #tpu.memory_space<semaphore_mem>>, %arg14: memref<!tpu.dma_semaphore, #tpu.memory_space<semaphore_mem>>) attributes {dimension_semantics = [#tpu.dimension_semantics<core_parallel>, #tpu.dimension_semantics<subcore_parallel>], iteration_bounds = array<i64: 2, 16>, scalar_prefetch = 0 : i64, scratch_operands = 8 : i64, tpu.core_type = #tpu.core_type<sc_vector_subcore>, window_params = [{transform_indices = #map}, {transform_indices = #map1}, {transform_indices = #map1}, {transform_indices = #map}, {transform_indices = #map}]} {
    %mul3A = arith.constant 2 : i32
    %mul3A_0 = arith.muli %arg1, %mul3A : i32
    %add3A = arith.addi %mul3A_0, %arg0 : i32
    %mul3A_1 = arith.constant 10000 : i32
    %mul3A_2 = arith.muli %add3A, %mul3A_1 : i32
    "tpu.region"() ({
      %run_scoped3A = tpu.sem_alloc : memref<!tpu.dma_semaphore, #tpu.memory_space<semaphore_mem>>
      %dma_start3A_30 = tpu.memref_slice %arg3[%mul3A_2] : memref<320000xi32, #tpu.memory_space<hbm>> -> memref<10000xi32, #tpu.memory_space<hbm>>
      %dma_start3A_31 = tpu.memref_slice %arg3[%mul3A_2] : memref<320000xi32, #tpu.memory_space<hbm>> -> memref<10000xi32, #tpu.memory_space<hbm>>
      tpu.enqueue_dma source(%dma_start3A_31 : memref<10000xi32, #tpu.memory_space<hbm>>) target(%arg7 : memref<10000xi32, #tpu.memory_space<vmem>>) target_semaphore(%run_scoped3A : memref<!tpu.dma_semaphore, #tpu.memory_space<semaphore_mem>>)
      %dma_wait3A_32 = tpu.memref_slice %arg3[%mul3A_2] : memref<320000xi32, #tpu.memory_space<hbm>> -> memref<10000xi32, #tpu.memory_space<hbm>>
      %dma_wait3A_33 = tpu.memref_slice %arg3[%mul3A_2] : memref<320000xi32, #tpu.memory_space<hbm>> -> memref<10000xi32, #tpu.memory_space<hbm>>
      tpu.wait_dma2 semaphore(%run_scoped3A : memref<!tpu.dma_semaphore, #tpu.memory_space<semaphore_mem>>) src(%dma_wait3A_33 : memref<10000xi32, #tpu.memory_space<hbm>>) dst(%arg7 : memref<10000xi32, #tpu.memory_space<vmem>>)
      tpu.yield
    }) : () -> ()
    "tpu.region"() ({
      %run_scoped3A = tpu.sem_alloc : memref<!tpu.dma_semaphore, #tpu.memory_space<semaphore_mem>>
      %dma_start3A_30 = tpu.memref_slice %arg4[%mul3A_2] : memref<320000xi32, #tpu.memory_space<hbm>> -> memref<10000xi32, #tpu.memory_space<hbm>>
      %dma_start3A_31 = tpu.memref_slice %arg4[%mul3A_2] : memref<320000xi32, #tpu.memory_space<hbm>> -> memref<10000xi32, #tpu.memory_space<hbm>>
      tpu.enqueue_dma source(%dma_start3A_31 : memref<10000xi32, #tpu.memory_space<hbm>>) target(%arg8 : memref<10000xi32, #tpu.memory_space<vmem>>) target_semaphore(%run_scoped3A : memref<!tpu.dma_semaphore, #tpu.memory_space<semaphore_mem>>)
      %dma_wait3A_32 = tpu.memref_slice %arg4[%mul3A_2] : memref<320000xi32, #tpu.memory_space<hbm>> -> memref<10000xi32, #tpu.memory_space<hbm>>
      %dma_wait3A_33 = tpu.memref_slice %arg4[%mul3A_2] : memref<320000xi32, #tpu.memory_space<hbm>> -> memref<10000xi32, #tpu.memory_space<hbm>>
      tpu.wait_dma2 semaphore(%run_scoped3A : memref<!tpu.dma_semaphore, #tpu.memory_space<semaphore_mem>>) src(%dma_wait3A_33 : memref<10000xi32, #tpu.memory_space<hbm>>) dst(%arg8 : memref<10000xi32, #tpu.memory_space<vmem>>)
      tpu.yield
    }) : () -> ()
    %dma_start3A = arith.constant 0 : i32
    %dma_start3A_3 = tpu.memref_slice %arg7[%dma_start3A] : memref<10000xi32, #tpu.memory_space<vmem>> -> memref<80xi32, #tpu.memory_space<vmem>>
    %dma_start3A_4 = arith.constant 0 : i32
    %dma_start3A_5 = arith.constant 0 : i32
    %dma_start3A_6 = tpu.memref_slice %arg2[%dma_start3A_4, %dma_start3A_5] : memref<10000x128xi32, #tpu.memory_space<hbm>> -> memref<10000x128xi32, #tpu.memory_space<hbm>>
    tpu.enqueue_indirect_dma source(%dma_start3A_6 : memref<10000x128xi32, #tpu.memory_space<hbm>>) target(%arg9 : memref<80x128xi32, #tpu.memory_space<vmem>>) offsets(%dma_start3A_3 : memref<80xi32, #tpu.memory_space<vmem>>) semaphore(%arg13 : memref<!tpu.dma_semaphore, #tpu.memory_space<semaphore_mem>>)
    %dma_start3A_7 = arith.constant 0 : i32
    %dma_start3A_8 = tpu.memref_slice %arg8[%dma_start3A_7] : memref<10000xi32, #tpu.memory_space<vmem>> -> memref<80xi32, #tpu.memory_space<vmem>>
    %dma_start3A_9 = arith.constant 0 : i32
    %dma_start3A_10 = arith.constant 0 : i32
    %dma_start3A_11 = tpu.memref_slice %arg2[%dma_start3A_9, %dma_start3A_10] : memref<10000x128xi32, #tpu.memory_space<hbm>> -> memref<10000x128xi32, #tpu.memory_space<hbm>>
    tpu.enqueue_indirect_dma source(%dma_start3A_11 : memref<10000x128xi32, #tpu.memory_space<hbm>>) target(%arg10 : memref<80x128xi32, #tpu.memory_space<vmem>>) offsets(%dma_start3A_8 : memref<80xi32, #tpu.memory_space<vmem>>) semaphore(%arg13 : memref<!tpu.dma_semaphore, #tpu.memory_space<semaphore_mem>>)
    %scan3A = arith.constant 0 : i32
    %scan3A_12 = arith.constant 0 : i32
    %scan3A_13 = arith.constant 62 : i32
    %scan3A_14 = arith.addi %scan3A_12, %scan3A_13 : i32
    %scan3A_15 = arith.constant 1 : i32
    scf.for %scan3A_30 = %scan3A_12 to %scan3A_14 step %scan3A_15  : i32 {
      %mul3A_31 = arith.constant 2 : i32
      %mul3A_32 = arith.muli %mul3A_31, %scan3A_30 : i32
      %add3A_33 = arith.constant 1 : i32
      %add3A_34 = arith.addi %mul3A_32, %add3A_33 : i32
      %mul3A_35 = arith.constant 80 : i32
      %mul3A_36 = arith.muli %add3A_34, %mul3A_35 : i32
      %dma_start3A_37 = tpu.memref_slice %arg7[%mul3A_36] : memref<10000xi32, #tpu.memory_space<vmem>> -> memref<80xi32, #tpu.memory_space<vmem>>
      %dma_start3A_38 = arith.constant 0 : i32
      %dma_start3A_39 = arith.constant 0 : i32
      %dma_start3A_40 = tpu.memref_slice %arg2[%dma_start3A_38, %dma_start3A_39] : memref<10000x128xi32, #tpu.memory_space<hbm>> -> memref<10000x128xi32, #tpu.memory_space<hbm>>
      tpu.enqueue_indirect_dma source(%dma_start3A_40 : memref<10000x128xi32, #tpu.memory_space<hbm>>) target(%arg11 : memref<80x128xi32, #tpu.memory_space<vmem>>) offsets(%dma_start3A_37 : memref<80xi32, #tpu.memory_space<vmem>>) semaphore(%arg14 : memref<!tpu.dma_semaphore, #tpu.memory_space<semaphore_mem>>)
      %mul3A_41 = arith.constant 80 : i32
      %mul3A_42 = arith.muli %add3A_34, %mul3A_41 : i32
      %dma_start3A_43 = tpu.memref_slice %arg8[%mul3A_42] : memref<10000xi32, #tpu.memory_space<vmem>> -> memref<80xi32, #tpu.memory_space<vmem>>
      %dma_start3A_44 = arith.constant 0 : i32
      %dma_start3A_45 = arith.constant 0 : i32
      %dma_start3A_46 = tpu.memref_slice %arg2[%dma_start3A_44, %dma_start3A_45] : memref<10000x128xi32, #tpu.memory_space<hbm>> -> memref<10000x128xi32, #tpu.memory_space<hbm>>
      tpu.enqueue_indirect_dma source(%dma_start3A_46 : memref<10000x128xi32, #tpu.memory_space<hbm>>) target(%arg12 : memref<80x128xi32, #tpu.memory_space<vmem>>) offsets(%dma_start3A_43 : memref<80xi32, #tpu.memory_space<vmem>>) semaphore(%arg14 : memref<!tpu.dma_semaphore, #tpu.memory_space<semaphore_mem>>)
      %mul3A_47 = arith.constant 80 : i32
      %mul3A_48 = arith.muli %mul3A_32, %mul3A_47 : i32
      %dma_wait3A_49 = tpu.memref_slice %arg7[%mul3A_48] : memref<10000xi32, #tpu.memory_space<vmem>> -> memref<80xi32, #tpu.memory_space<vmem>>
      %dma_wait3A_50 = arith.constant 0 : i32
      %dma_wait3A_51 = arith.constant 0 : i32
      %dma_wait3A_52 = tpu.memref_slice %arg2[%dma_wait3A_50, %dma_wait3A_51] : memref<10000x128xi32, #tpu.memory_space<hbm>> -> memref<10000x128xi32, #tpu.memory_space<hbm>>
      tpu.wait_indirect_dma semaphore(%arg13 : memref<!tpu.dma_semaphore, #tpu.memory_space<semaphore_mem>>) src(%dma_wait3A_52 : memref<10000x128xi32, #tpu.memory_space<hbm>>) dst(%arg9 : memref<80x128xi32, #tpu.memory_space<vmem>>)
      %mul3A_53 = arith.constant 80 : i32
      %mul3A_54 = arith.muli %mul3A_32, %mul3A_53 : i32
      %dma_wait3A_55 = tpu.memref_slice %arg8[%mul3A_54] : memref<10000xi32, #tpu.memory_space<vmem>> -> memref<80xi32, #tpu.memory_space<vmem>>
      %dma_wait3A_56 = arith.constant 0 : i32
      %dma_wait3A_57 = arith.constant 0 : i32
      %dma_wait3A_58 = tpu.memref_slice %arg2[%dma_wait3A_56, %dma_wait3A_57] : memref<10000x128xi32, #tpu.memory_space<hbm>> -> memref<10000x128xi32, #tpu.memory_space<hbm>>
      tpu.wait_indirect_dma semaphore(%arg13 : memref<!tpu.dma_semaphore, #tpu.memory_space<semaphore_mem>>) src(%dma_wait3A_58 : memref<10000x128xi32, #tpu.memory_space<hbm>>) dst(%arg10 : memref<80x128xi32, #tpu.memory_space<vmem>>)
      %mul3A_59 = arith.constant 80 : i32
      %mul3A_60 = arith.muli %mul3A_32, %mul3A_59 : i32
      %add3A_61 = arith.addi %mul3A_2, %mul3A_60 : i32
      "tpu.region"() ({
        %run_scoped3A = tpu.sem_alloc : memref<!tpu.dma_semaphore, #tpu.memory_space<semaphore_mem>>
        %dma_start3A_101 = arith.constant 0 : i32
        %dma_start3A_102 = tpu.memref_slice %arg5[%add3A_61, %dma_start3A_101] : memref<320000x128xi32, #tpu.memory_space<hbm>> -> memref<80x128xi32, #tpu.memory_space<hbm>>
        %dma_start3A_103 = arith.constant 0 : i32
        %dma_start3A_104 = tpu.memref_slice %arg5[%add3A_61, %dma_start3A_103] : memref<320000x128xi32, #tpu.memory_space<hbm>> -> memref<80x128xi32, #tpu.memory_space<hbm>>
        tpu.enqueue_dma source(%arg9 : memref<80x128xi32, #tpu.memory_space<vmem>>) target(%dma_start3A_104 : memref<80x128xi32, #tpu.memory_space<hbm>>) target_semaphore(%run_scoped3A : memref<!tpu.dma_semaphore, #tpu.memory_space<semaphore_mem>>)
        %dma_wait3A_105 = arith.constant 0 : i32
        %dma_wait3A_106 = tpu.memref_slice %arg5[%add3A_61, %dma_wait3A_105] : memref<320000x128xi32, #tpu.memory_space<hbm>> -> memref<80x128xi32, #tpu.memory_space<hbm>>
        %dma_wait3A_107 = arith.constant 0 : i32
        %dma_wait3A_108 = tpu.memref_slice %arg5[%add3A_61, %dma_wait3A_107] : memref<320000x128xi32, #tpu.memory_space<hbm>> -> memref<80x128xi32, #tpu.memory_space<hbm>>
        tpu.wait_dma2 semaphore(%run_scoped3A : memref<!tpu.dma_semaphore, #tpu.memory_space<semaphore_mem>>) src(%arg9 : memref<80x128xi32, #tpu.memory_space<vmem>>) dst(%dma_wait3A_108 : memref<80x128xi32, #tpu.memory_space<hbm>>)
        tpu.yield
      }) : () -> ()
      %mul3A_62 = arith.constant 80 : i32
      %mul3A_63 = arith.muli %mul3A_32, %mul3A_62 : i32
      %add3A_64 = arith.addi %mul3A_2, %mul3A_63 : i32
      "tpu.region"() ({
        %run_scoped3A = tpu.sem_alloc : memref<!tpu.dma_semaphore, #tpu.memory_space<semaphore_mem>>
        %dma_start3A_101 = arith.constant 0 : i32
        %dma_start3A_102 = tpu.memref_slice %arg6[%add3A_64, %dma_start3A_101] : memref<320000x128xi32, #tpu.memory_space<hbm>> -> memref<80x128xi32, #tpu.memory_space<hbm>>
        %dma_start3A_103 = arith.constant 0 : i32
        %dma_start3A_104 = tpu.memref_slice %arg6[%add3A_64, %dma_start3A_103] : memref<320000x128xi32, #tpu.memory_space<hbm>> -> memref<80x128xi32, #tpu.memory_space<hbm>>
        tpu.enqueue_dma source(%arg10 : memref<80x128xi32, #tpu.memory_space<vmem>>) target(%dma_start3A_104 : memref<80x128xi32, #tpu.memory_space<hbm>>) target_semaphore(%run_scoped3A : memref<!tpu.dma_semaphore, #tpu.memory_space<semaphore_mem>>)
        %dma_wait3A_105 = arith.constant 0 : i32
        %dma_wait3A_106 = tpu.memref_slice %arg6[%add3A_64, %dma_wait3A_105] : memref<320000x128xi32, #tpu.memory_space<hbm>> -> memref<80x128xi32, #tpu.memory_space<hbm>>
        %dma_wait3A_107 = arith.constant 0 : i32
        %dma_wait3A_108 = tpu.memref_slice %arg6[%add3A_64, %dma_wait3A_107] : memref<320000x128xi32, #tpu.memory_space<hbm>> -> memref<80x128xi32, #tpu.memory_space<hbm>>
        tpu.wait_dma2 semaphore(%run_scoped3A : memref<!tpu.dma_semaphore, #tpu.memory_space<semaphore_mem>>) src(%arg10 : memref<80x128xi32, #tpu.memory_space<vmem>>) dst(%dma_wait3A_108 : memref<80x128xi32, #tpu.memory_space<hbm>>)
        tpu.yield
      }) : () -> ()
      %add3A_65 = arith.constant 2 : i32
      %add3A_66 = arith.addi %mul3A_32, %add3A_65 : i32
      %mul3A_67 = arith.constant 80 : i32
      %mul3A_68 = arith.muli %add3A_66, %mul3A_67 : i32
      %dma_start3A_69 = tpu.memref_slice %arg7[%mul3A_68] : memref<10000xi32, #tpu.memory_space<vmem>> -> memref<80xi32, #tpu.memory_space<vmem>>
      %dma_start3A_70 = arith.constant 0 : i32
      %dma_start3A_71 = arith.constant 0 : i32
      %dma_start3A_72 = tpu.memref_slice %arg2[%dma_start3A_70, %dma_start3A_71] : memref<10000x128xi32, #tpu.memory_space<hbm>> -> memref<10000x128xi32, #tpu.memory_space<hbm>>
      tpu.enqueue_indirect_dma source(%dma_start3A_72 : memref<10000x128xi32, #tpu.memory_space<hbm>>) target(%arg9 : memref<80x128xi32, #tpu.memory_space<vmem>>) offsets(%dma_start3A_69 : memref<80xi32, #tpu.memory_space<vmem>>) semaphore(%arg13 : memref<!tpu.dma_semaphore, #tpu.memory_space<semaphore_mem>>)
      %mul3A_73 = arith.constant 80 : i32
      %mul3A_74 = arith.muli %add3A_66, %mul3A_73 : i32
      %dma_start3A_75 = tpu.memref_slice %arg8[%mul3A_74] : memref<10000xi32, #tpu.memory_space<vmem>> -> memref<80xi32, #tpu.memory_space<vmem>>
      %dma_start3A_76 = arith.constant 0 : i32
      %dma_start3A_77 = arith.constant 0 : i32
      %dma_start3A_78 = tpu.memref_slice %arg2[%dma_start3A_76, %dma_start3A_77] : memref<10000x128xi32, #tpu.memory_space<hbm>> -> memref<10000x128xi32, #tpu.memory_space<hbm>>
      tpu.enqueue_indirect_dma source(%dma_start3A_78 : memref<10000x128xi32, #tpu.memory_space<hbm>>) target(%arg10 : memref<80x128xi32, #tpu.memory_space<vmem>>) offsets(%dma_start3A_75 : memref<80xi32, #tpu.memory_space<vmem>>) semaphore(%arg13 : memref<!tpu.dma_semaphore, #tpu.memory_space<semaphore_mem>>)
      %add3A_79 = arith.constant 1 : i32
      %add3A_80 = arith.addi %mul3A_32, %add3A_79 : i32
      %mul3A_81 = arith.constant 80 : i32
      %mul3A_82 = arith.muli %add3A_80, %mul3A_81 : i32
      %dma_wait3A_83 = tpu.memref_slice %arg7[%mul3A_82] : memref<10000xi32, #tpu.memory_space<vmem>> -> memref<80xi32, #tpu.memory_space<vmem>>
      %dma_wait3A_84 = arith.constant 0 : i32
      %dma_wait3A_85 = arith.constant 0 : i32
      %dma_wait3A_86 = tpu.memref_slice %arg2[%dma_wait3A_84, %dma_wait3A_85] : memref<10000x128xi32, #tpu.memory_space<hbm>> -> memref<10000x128xi32, #tpu.memory_space<hbm>>
      tpu.wait_indirect_dma semaphore(%arg14 : memref<!tpu.dma_semaphore, #tpu.memory_space<semaphore_mem>>) src(%dma_wait3A_86 : memref<10000x128xi32, #tpu.memory_space<hbm>>) dst(%arg11 : memref<80x128xi32, #tpu.memory_space<vmem>>)
      %mul3A_87 = arith.constant 80 : i32
      %mul3A_88 = arith.muli %add3A_80, %mul3A_87 : i32
      %dma_wait3A_89 = tpu.memref_slice %arg8[%mul3A_88] : memref<10000xi32, #tpu.memory_space<vmem>> -> memref<80xi32, #tpu.memory_space<vmem>>
      %dma_wait3A_90 = arith.constant 0 : i32
      %dma_wait3A_91 = arith.constant 0 : i32
      %dma_wait3A_92 = tpu.memref_slice %arg2[%dma_wait3A_90, %dma_wait3A_91] : memref<10000x128xi32, #tpu.memory_space<hbm>> -> memref<10000x128xi32, #tpu.memory_space<hbm>>
      tpu.wait_indirect_dma semaphore(%arg14 : memref<!tpu.dma_semaphore, #tpu.memory_space<semaphore_mem>>) src(%dma_wait3A_92 : memref<10000x128xi32, #tpu.memory_space<hbm>>) dst(%arg12 : memref<80x128xi32, #tpu.memory_space<vmem>>)
      %add3A_93 = arith.constant 1 : i32
      %add3A_94 = arith.addi %mul3A_32, %add3A_93 : i32
      %mul3A_95 = arith.constant 80 : i32
      %mul3A_96 = arith.muli %add3A_94, %mul3A_95 : i32
      %add3A_97 = arith.addi %mul3A_2, %mul3A_96 : i32
      "tpu.region"() ({
        %run_scoped3A = tpu.sem_alloc : memref<!tpu.dma_semaphore, #tpu.memory_space<semaphore_mem>>
        %dma_start3A_101 = arith.constant 0 : i32
        %dma_start3A_102 = tpu.memref_slice %arg5[%add3A_97, %dma_start3A_101] : memref<320000x128xi32, #tpu.memory_space<hbm>> -> memref<80x128xi32, #tpu.memory_space<hbm>>
        %dma_start3A_103 = arith.constant 0 : i32
        %dma_start3A_104 = tpu.memref_slice %arg5[%add3A_97, %dma_start3A_103] : memref<320000x128xi32, #tpu.memory_space<hbm>> -> memref<80x128xi32, #tpu.memory_space<hbm>>
        tpu.enqueue_dma source(%arg11 : memref<80x128xi32, #tpu.memory_space<vmem>>) target(%dma_start3A_104 : memref<80x128xi32, #tpu.memory_space<hbm>>) target_semaphore(%run_scoped3A : memref<!tpu.dma_semaphore, #tpu.memory_space<semaphore_mem>>)
        %dma_wait3A_105 = arith.constant 0 : i32
        %dma_wait3A_106 = tpu.memref_slice %arg5[%add3A_97, %dma_wait3A_105] : memref<320000x128xi32, #tpu.memory_space<hbm>> -> memref<80x128xi32, #tpu.memory_space<hbm>>
        %dma_wait3A_107 = arith.constant 0 : i32
        %dma_wait3A_108 = tpu.memref_slice %arg5[%add3A_97, %dma_wait3A_107] : memref<320000x128xi32, #tpu.memory_space<hbm>> -> memref<80x128xi32, #tpu.memory_space<hbm>>
        tpu.wait_dma2 semaphore(%run_scoped3A : memref<!tpu.dma_semaphore, #tpu.memory_space<semaphore_mem>>) src(%arg11 : memref<80x128xi32, #tpu.memory_space<vmem>>) dst(%dma_wait3A_108 : memref<80x128xi32, #tpu.memory_space<hbm>>)
        tpu.yield
      }) : () -> ()
      %mul3A_98 = arith.constant 80 : i32
      %mul3A_99 = arith.muli %add3A_94, %mul3A_98 : i32
      %add3A_100 = arith.addi %mul3A_2, %mul3A_99 : i32
      "tpu.region"() ({
        %run_scoped3A = tpu.sem_alloc : memref<!tpu.dma_semaphore, #tpu.memory_space<semaphore_mem>>
        %dma_start3A_101 = arith.constant 0 : i32
        %dma_start3A_102 = tpu.memref_slice %arg6[%add3A_100, %dma_start3A_101] : memref<320000x128xi32, #tpu.memory_space<hbm>> -> memref<80x128xi32, #tpu.memory_space<hbm>>
        %dma_start3A_103 = arith.constant 0 : i32
        %dma_start3A_104 = tpu.memref_slice %arg6[%add3A_100, %dma_start3A_103] : memref<320000x128xi32, #tpu.memory_space<hbm>> -> memref<80x128xi32, #tpu.memory_space<hbm>>
        tpu.enqueue_dma source(%arg12 : memref<80x128xi32, #tpu.memory_space<vmem>>) target(%dma_start3A_104 : memref<80x128xi32, #tpu.memory_space<hbm>>) target_semaphore(%run_scoped3A : memref<!tpu.dma_semaphore, #tpu.memory_space<semaphore_mem>>)
        %dma_wait3A_105 = arith.constant 0 : i32
        %dma_wait3A_106 = tpu.memref_slice %arg6[%add3A_100, %dma_wait3A_105] : memref<320000x128xi32, #tpu.memory_space<hbm>> -> memref<80x128xi32, #tpu.memory_space<hbm>>
        %dma_wait3A_107 = arith.constant 0 : i32
        %dma_wait3A_108 = tpu.memref_slice %arg6[%add3A_100, %dma_wait3A_107] : memref<320000x128xi32, #tpu.memory_space<hbm>> -> memref<80x128xi32, #tpu.memory_space<hbm>>
        tpu.wait_dma2 semaphore(%run_scoped3A : memref<!tpu.dma_semaphore, #tpu.memory_space<semaphore_mem>>) src(%arg12 : memref<80x128xi32, #tpu.memory_space<vmem>>) dst(%dma_wait3A_108 : memref<80x128xi32, #tpu.memory_space<hbm>>)
        tpu.yield
      }) : () -> ()
    }
    %scan3A_16 = arith.constant 62 : i32
    %dma_wait3A = arith.constant 9920 : i32
    %dma_wait3A_17 = tpu.memref_slice %arg7[%dma_wait3A] : memref<10000xi32, #tpu.memory_space<vmem>> -> memref<80xi32, #tpu.memory_space<vmem>>
    %dma_wait3A_18 = arith.constant 0 : i32
    %dma_wait3A_19 = arith.constant 0 : i32
    %dma_wait3A_20 = tpu.memref_slice %arg2[%dma_wait3A_18, %dma_wait3A_19] : memref<10000x128xi32, #tpu.memory_space<hbm>> -> memref<10000x128xi32, #tpu.memory_space<hbm>>
    tpu.wait_indirect_dma semaphore(%arg13 : memref<!tpu.dma_semaphore, #tpu.memory_space<semaphore_mem>>) src(%dma_wait3A_20 : memref<10000x128xi32, #tpu.memory_space<hbm>>) dst(%arg9 : memref<80x128xi32, #tpu.memory_space<vmem>>)
    %dma_wait3A_21 = arith.constant 9920 : i32
    %dma_wait3A_22 = tpu.memref_slice %arg8[%dma_wait3A_21] : memref<10000xi32, #tpu.memory_space<vmem>> -> memref<80xi32, #tpu.memory_space<vmem>>
    %dma_wait3A_23 = arith.constant 0 : i32
    %dma_wait3A_24 = arith.constant 0 : i32
    %dma_wait3A_25 = tpu.memref_slice %arg2[%dma_wait3A_23, %dma_wait3A_24] : memref<10000x128xi32, #tpu.memory_space<hbm>> -> memref<10000x128xi32, #tpu.memory_space<hbm>>
    tpu.wait_indirect_dma semaphore(%arg13 : memref<!tpu.dma_semaphore, #tpu.memory_space<semaphore_mem>>) src(%dma_wait3A_25 : memref<10000x128xi32, #tpu.memory_space<hbm>>) dst(%arg10 : memref<80x128xi32, #tpu.memory_space<vmem>>)
    %add3A_26 = arith.constant 9920 : i32
    %add3A_27 = arith.addi %mul3A_2, %add3A_26 : i32
    "tpu.region"() ({
      %run_scoped3A = tpu.sem_alloc : memref<!tpu.dma_semaphore, #tpu.memory_space<semaphore_mem>>
      %dma_start3A_30 = arith.constant 0 : i32
      %dma_start3A_31 = tpu.memref_slice %arg5[%add3A_27, %dma_start3A_30] : memref<320000x128xi32, #tpu.memory_space<hbm>> -> memref<80x128xi32, #tpu.memory_space<hbm>>
      %dma_start3A_32 = arith.constant 0 : i32
      %dma_start3A_33 = tpu.memref_slice %arg5[%add3A_27, %dma_start3A_32] : memref<320000x128xi32, #tpu.memory_space<hbm>> -> memref<80x128xi32, #tpu.memory_space<hbm>>
      tpu.enqueue_dma source(%arg9 : memref<80x128xi32, #tpu.memory_space<vmem>>) target(%dma_start3A_33 : memref<80x128xi32, #tpu.memory_space<hbm>>) target_semaphore(%run_scoped3A : memref<!tpu.dma_semaphore, #tpu.memory_space<semaphore_mem>>)
      %dma_wait3A_34 = arith.constant 0 : i32
      %dma_wait3A_35 = tpu.memref_slice %arg5[%add3A_27, %dma_wait3A_34] : memref<320000x128xi32, #tpu.memory_space<hbm>> -> memref<80x128xi32, #tpu.memory_space<hbm>>
      %dma_wait3A_36 = arith.constant 0 : i32
      %dma_wait3A_37 = tpu.memref_slice %arg5[%add3A_27, %dma_wait3A_36] : memref<320000x128xi32, #tpu.memory_space<hbm>> -> memref<80x128xi32, #tpu.memory_space<hbm>>
      tpu.wait_dma2 semaphore(%run_scoped3A : memref<!tpu.dma_semaphore, #tpu.memory_space<semaphore_mem>>) src(%arg9 : memref<80x128xi32, #tpu.memory_space<vmem>>) dst(%dma_wait3A_37 : memref<80x128xi32, #tpu.memory_space<hbm>>)
      tpu.yield
    }) : () -> ()
    %add3A_28 = arith.constant 9920 : i32
    %add3A_29 = arith.addi %mul3A_2, %add3A_28 : i32
    "tpu.region"() ({
      %run_scoped3A = tpu.sem_alloc : memref<!tpu.dma_semaphore, #tpu.memory_space<semaphore_mem>>
      %dma_start3A_30 = arith.constant 0 : i32
      %dma_start3A_31 = tpu.memref_slice %arg6[%add3A_29, %dma_start3A_30] : memref<320000x128xi32, #tpu.memory_space<hbm>> -> memref<80x128xi32, #tpu.memory_space<hbm>>
      %dma_start3A_32 = arith.constant 0 : i32
      %dma_start3A_33 = tpu.memref_slice %arg6[%add3A_29, %dma_start3A_32] : memref<320000x128xi32, #tpu.memory_space<hbm>> -> memref<80x128xi32, #tpu.memory_space<hbm>>
      tpu.enqueue_dma source(%arg10 : memref<80x128xi32, #tpu.memory_space<vmem>>) target(%dma_start3A_33 : memref<80x128xi32, #tpu.memory_space<hbm>>) target_semaphore(%run_scoped3A : memref<!tpu.dma_semaphore, #tpu.memory_space<semaphore_mem>>)
      %dma_wait3A_34 = arith.constant 0 : i32
      %dma_wait3A_35 = tpu.memref_slice %arg6[%add3A_29, %dma_wait3A_34] : memref<320000x128xi32, #tpu.memory_space<hbm>> -> memref<80x128xi32, #tpu.memory_space<hbm>>
      %dma_wait3A_36 = arith.constant 0 : i32
      %dma_wait3A_37 = tpu.memref_slice %arg6[%add3A_29, %dma_wait3A_36] : memref<320000x128xi32, #tpu.memory_space<hbm>> -> memref<80x128xi32, #tpu.memory_space<hbm>>
      tpu.wait_dma2 semaphore(%run_scoped3A : memref<!tpu.dma_semaphore, #tpu.memory_space<semaphore_mem>>) src(%arg10 : memref<80x128xi32, #tpu.memory_space<vmem>>) dst(%dma_wait3A_37 : memref<80x128xi32, #tpu.memory_space<hbm>>)
      tpu.yield
    }) : () -> ()
    return
  }
}

#map = affine_map<(d0, d1) -> (0, 0)>
#map1 = affine_map<(d0, d1) -> (0)>
module attributes {stable_mosaic.version = 14 : i64} {
  func.func @gk(%arg0: i32, %arg1: i32, %arg2: memref<10000x128xi32, #tpu.memory_space<hbm>>, %arg3: memref<320000xi32, #tpu.memory_space<hbm>>, %arg4: memref<320000xi32, #tpu.memory_space<hbm>>, %arg5: memref<320000x128xi32, #tpu.memory_space<hbm>>, %arg6: memref<320000x128xi32, #tpu.memory_space<hbm>>, %arg7: memref<10000xi32, #tpu.memory_space<vmem>>, %arg8: memref<10000xi32, #tpu.memory_space<vmem>>, %arg9: memref<80x128xi32, #tpu.memory_space<vmem>>, %arg10: memref<80x128xi32, #tpu.memory_space<vmem>>, %arg11: memref<80x128xi32, #tpu.memory_space<vmem>>, %arg12: memref<80x128xi32, #tpu.memory_space<vmem>>, %arg13: memref<!tpu.dma_semaphore, #tpu.memory_space<semaphore_mem>>, %arg14: memref<!tpu.dma_semaphore, #tpu.memory_space<semaphore_mem>>) attributes {dimension_semantics = [#tpu.dimension_semantics<core_parallel>, #tpu.dimension_semantics<subcore_parallel>], iteration_bounds = array<i64: 2, 16>, scalar_prefetch = 0 : i64, scratch_operands = 8 : i64, tpu.core_type = #tpu.core_type<sc_vector_subcore>, window_params = [{transform_indices = #map}, {transform_indices = #map1}, {transform_indices = #map1}, {transform_indices = #map}, {transform_indices = #map}]} {
    %mul3A = arith.constant 2 : i32
    %mul3A_0 = arith.muli %arg1, %mul3A : i32
    %add3A = arith.addi %mul3A_0, %arg0 : i32
    %mul3A_1 = arith.constant 10000 : i32
    %mul3A_2 = arith.muli %add3A, %mul3A_1 : i32
    "tpu.region"() ({
      %run_scoped3A = tpu.sem_alloc : memref<!tpu.dma_semaphore, #tpu.memory_space<semaphore_mem>>
      %dma_start3A_30 = tpu.memref_slice %arg3[%mul3A_2] : memref<320000xi32, #tpu.memory_space<hbm>> -> memref<10000xi32, #tpu.memory_space<hbm>>
      %dma_start3A_31 = tpu.memref_slice %arg3[%mul3A_2] : memref<320000xi32, #tpu.memory_space<hbm>> -> memref<10000xi32, #tpu.memory_space<hbm>>
      tpu.enqueue_dma source(%dma_start3A_31 : memref<10000xi32, #tpu.memory_space<hbm>>) target(%arg7 : memref<10000xi32, #tpu.memory_space<vmem>>) target_semaphore(%run_scoped3A : memref<!tpu.dma_semaphore, #tpu.memory_space<semaphore_mem>>)
      %dma_wait3A_32 = tpu.memref_slice %arg3[%mul3A_2] : memref<320000xi32, #tpu.memory_space<hbm>> -> memref<10000xi32, #tpu.memory_space<hbm>>
      %dma_wait3A_33 = tpu.memref_slice %arg3[%mul3A_2] : memref<320000xi32, #tpu.memory_space<hbm>> -> memref<10000xi32, #tpu.memory_space<hbm>>
      tpu.wait_dma2 semaphore(%run_scoped3A : memref<!tpu.dma_semaphore, #tpu.memory_space<semaphore_mem>>) src(%dma_wait3A_33 : memref<10000xi32, #tpu.memory_space<hbm>>) dst(%arg7 : memref<10000xi32, #tpu.memory_space<vmem>>)
      tpu.yield
    }) : () -> ()
    "tpu.region"() ({
      %run_scoped3A = tpu.sem_alloc : memref<!tpu.dma_semaphore, #tpu.memory_space<semaphore_mem>>
      %dma_start3A_30 = tpu.memref_slice %arg4[%mul3A_2] : memref<320000xi32, #tpu.memory_space<hbm>> -> memref<10000xi32, #tpu.memory_space<hbm>>
      %dma_start3A_31 = tpu.memref_slice %arg4[%mul3A_2] : memref<320000xi32, #tpu.memory_space<hbm>> -> memref<10000xi32, #tpu.memory_space<hbm>>
      tpu.enqueue_dma source(%dma_start3A_31 : memref<10000xi32, #tpu.memory_space<hbm>>) target(%arg8 : memref<10000xi32, #tpu.memory_space<vmem>>) target_semaphore(%run_scoped3A : memref<!tpu.dma_semaphore, #tpu.memory_space<semaphore_mem>>)
      %dma_wait3A_32 = tpu.memref_slice %arg4[%mul3A_2] : memref<320000xi32, #tpu.memory_space<hbm>> -> memref<10000xi32, #tpu.memory_space<hbm>>
      %dma_wait3A_33 = tpu.memref_slice %arg4[%mul3A_2] : memref<320000xi32, #tpu.memory_space<hbm>> -> memref<10000xi32, #tpu.memory_space<hbm>>
      tpu.wait_dma2 semaphore(%run_scoped3A : memref<!tpu.dma_semaphore, #tpu.memory_space<semaphore_mem>>) src(%dma_wait3A_33 : memref<10000xi32, #tpu.memory_space<hbm>>) dst(%arg8 : memref<10000xi32, #tpu.memory_space<vmem>>)
      tpu.yield
    }) : () -> ()
    %dma_start3A = arith.constant 0 : i32
    %dma_start3A_3 = tpu.memref_slice %arg7[%dma_start3A] : memref<10000xi32, #tpu.memory_space<vmem>> -> memref<80xi32, #tpu.memory_space<vmem>>
    %dma_start3A_4 = arith.constant 0 : i32
    %dma_start3A_5 = arith.constant 0 : i32
    %dma_start3A_6 = tpu.memref_slice %arg2[%dma_start3A_4, %dma_start3A_5] : memref<10000x128xi32, #tpu.memory_space<hbm>> -> memref<10000x128xi32, #tpu.memory_space<hbm>>
    tpu.enqueue_indirect_dma source(%dma_start3A_6 : memref<10000x128xi32, #tpu.memory_space<hbm>>) target(%arg9 : memref<80x128xi32, #tpu.memory_space<vmem>>) offsets(%dma_start3A_3 : memref<80xi32, #tpu.memory_space<vmem>>) semaphore(%arg13 : memref<!tpu.dma_semaphore, #tpu.memory_space<semaphore_mem>>)
    %dma_start3A_7 = arith.constant 0 : i32
    %dma_start3A_8 = tpu.memref_slice %arg8[%dma_start3A_7] : memref<10000xi32, #tpu.memory_space<vmem>> -> memref<80xi32, #tpu.memory_space<vmem>>
    %dma_start3A_9 = arith.constant 0 : i32
    %dma_start3A_10 = arith.constant 0 : i32
    %dma_start3A_11 = tpu.memref_slice %arg2[%dma_start3A_9, %dma_start3A_10] : memref<10000x128xi32, #tpu.memory_space<hbm>> -> memref<10000x128xi32, #tpu.memory_space<hbm>>
    tpu.enqueue_indirect_dma source(%dma_start3A_11 : memref<10000x128xi32, #tpu.memory_space<hbm>>) target(%arg10 : memref<80x128xi32, #tpu.memory_space<vmem>>) offsets(%dma_start3A_8 : memref<80xi32, #tpu.memory_space<vmem>>) semaphore(%arg13 : memref<!tpu.dma_semaphore, #tpu.memory_space<semaphore_mem>>)
    %scan3A = arith.constant 0 : i32
    %scan3A_12 = arith.constant 0 : i32
    %scan3A_13 = arith.constant 62 : i32
    %scan3A_14 = arith.addi %scan3A_12, %scan3A_13 : i32
    %scan3A_15 = arith.constant 1 : i32
    scf.for %scan3A_30 = %scan3A_12 to %scan3A_14 step %scan3A_15  : i32 {
      %mul3A_31 = arith.constant 2 : i32
      %mul3A_32 = arith.muli %mul3A_31, %scan3A_30 : i32
      %add3A_33 = arith.constant 1 : i32
      %add3A_34 = arith.addi %mul3A_32, %add3A_33 : i32
      %mul3A_35 = arith.constant 80 : i32
      %mul3A_36 = arith.muli %add3A_34, %mul3A_35 : i32
      %dma_start3A_37 = tpu.memref_slice %arg7[%mul3A_36] : memref<10000xi32, #tpu.memory_space<vmem>> -> memref<80xi32, #tpu.memory_space<vmem>>
      %dma_start3A_38 = arith.constant 0 : i32
      %dma_start3A_39 = arith.constant 0 : i32
      %dma_start3A_40 = tpu.memref_slice %arg2[%dma_start3A_38, %dma_start3A_39] : memref<10000x128xi32, #tpu.memory_space<hbm>> -> memref<10000x128xi32, #tpu.memory_space<hbm>>
      tpu.enqueue_indirect_dma source(%dma_start3A_40 : memref<10000x128xi32, #tpu.memory_space<hbm>>) target(%arg11 : memref<80x128xi32, #tpu.memory_space<vmem>>) offsets(%dma_start3A_37 : memref<80xi32, #tpu.memory_space<vmem>>) semaphore(%arg14 : memref<!tpu.dma_semaphore, #tpu.memory_space<semaphore_mem>>)
      %mul3A_41 = arith.constant 80 : i32
      %mul3A_42 = arith.muli %add3A_34, %mul3A_41 : i32
      %dma_start3A_43 = tpu.memref_slice %arg8[%mul3A_42] : memref<10000xi32, #tpu.memory_space<vmem>> -> memref<80xi32, #tpu.memory_space<vmem>>
      %dma_start3A_44 = arith.constant 0 : i32
      %dma_start3A_45 = arith.constant 0 : i32
      %dma_start3A_46 = tpu.memref_slice %arg2[%dma_start3A_44, %dma_start3A_45] : memref<10000x128xi32, #tpu.memory_space<hbm>> -> memref<10000x128xi32, #tpu.memory_space<hbm>>
      tpu.enqueue_indirect_dma source(%dma_start3A_46 : memref<10000x128xi32, #tpu.memory_space<hbm>>) target(%arg12 : memref<80x128xi32, #tpu.memory_space<vmem>>) offsets(%dma_start3A_43 : memref<80xi32, #tpu.memory_space<vmem>>) semaphore(%arg14 : memref<!tpu.dma_semaphore, #tpu.memory_space<semaphore_mem>>)
      %mul3A_47 = arith.constant 80 : i32
      %mul3A_48 = arith.muli %mul3A_32, %mul3A_47 : i32
      %dma_wait3A_49 = tpu.memref_slice %arg7[%mul3A_48] : memref<10000xi32, #tpu.memory_space<vmem>> -> memref<80xi32, #tpu.memory_space<vmem>>
      %dma_wait3A_50 = arith.constant 0 : i32
      %dma_wait3A_51 = arith.constant 0 : i32
      %dma_wait3A_52 = tpu.memref_slice %arg2[%dma_wait3A_50, %dma_wait3A_51] : memref<10000x128xi32, #tpu.memory_space<hbm>> -> memref<10000x128xi32, #tpu.memory_space<hbm>>
      tpu.wait_indirect_dma semaphore(%arg13 : memref<!tpu.dma_semaphore, #tpu.memory_space<semaphore_mem>>) src(%dma_wait3A_52 : memref<10000x128xi32, #tpu.memory_space<hbm>>) dst(%arg9 : memref<80x128xi32, #tpu.memory_space<vmem>>)
      %mul3A_53 = arith.constant 80 : i32
      %mul3A_54 = arith.muli %mul3A_32, %mul3A_53 : i32
      %dma_wait3A_55 = tpu.memref_slice %arg8[%mul3A_54] : memref<10000xi32, #tpu.memory_space<vmem>> -> memref<80xi32, #tpu.memory_space<vmem>>
      %dma_wait3A_56 = arith.constant 0 : i32
      %dma_wait3A_57 = arith.constant 0 : i32
      %dma_wait3A_58 = tpu.memref_slice %arg2[%dma_wait3A_56, %dma_wait3A_57] : memref<10000x128xi32, #tpu.memory_space<hbm>> -> memref<10000x128xi32, #tpu.memory_space<hbm>>
      tpu.wait_indirect_dma semaphore(%arg13 : memref<!tpu.dma_semaphore, #tpu.memory_space<semaphore_mem>>) src(%dma_wait3A_58 : memref<10000x128xi32, #tpu.memory_space<hbm>>) dst(%arg10 : memref<80x128xi32, #tpu.memory_space<vmem>>)
      %mul3A_59 = arith.constant 80 : i32
      %mul3A_60 = arith.muli %mul3A_32, %mul3A_59 : i32
      %add3A_61 = arith.addi %mul3A_2, %mul3A_60 : i32
      "tpu.region"() ({
        %run_scoped3A = tpu.sem_alloc : memref<!tpu.dma_semaphore, #tpu.memory_space<semaphore_mem>>
        %dma_start3A_101 = arith.constant 0 : i32
        %dma_start3A_102 = tpu.memref_slice %arg5[%add3A_61, %dma_start3A_101] : memref<320000x128xi32, #tpu.memory_space<hbm>> -> memref<80x128xi32, #tpu.memory_space<hbm>>
        %dma_start3A_103 = arith.constant 0 : i32
        %dma_start3A_104 = tpu.memref_slice %arg5[%add3A_61, %dma_start3A_103] : memref<320000x128xi32, #tpu.memory_space<hbm>> -> memref<80x128xi32, #tpu.memory_space<hbm>>
        tpu.enqueue_dma source(%arg9 : memref<80x128xi32, #tpu.memory_space<vmem>>) target(%dma_start3A_104 : memref<80x128xi32, #tpu.memory_space<hbm>>) target_semaphore(%run_scoped3A : memref<!tpu.dma_semaphore, #tpu.memory_space<semaphore_mem>>)
        %dma_wait3A_105 = arith.constant 0 : i32
        %dma_wait3A_106 = tpu.memref_slice %arg5[%add3A_61, %dma_wait3A_105] : memref<320000x128xi32, #tpu.memory_space<hbm>> -> memref<80x128xi32, #tpu.memory_space<hbm>>
        %dma_wait3A_107 = arith.constant 0 : i32
        %dma_wait3A_108 = tpu.memref_slice %arg5[%add3A_61, %dma_wait3A_107] : memref<320000x128xi32, #tpu.memory_space<hbm>> -> memref<80x128xi32, #tpu.memory_space<hbm>>
        tpu.wait_dma2 semaphore(%run_scoped3A : memref<!tpu.dma_semaphore, #tpu.memory_space<semaphore_mem>>) src(%arg9 : memref<80x128xi32, #tpu.memory_space<vmem>>) dst(%dma_wait3A_108 : memref<80x128xi32, #tpu.memory_space<hbm>>)
        tpu.yield
      }) : () -> ()
      %mul3A_62 = arith.constant 80 : i32
      %mul3A_63 = arith.muli %mul3A_32, %mul3A_62 : i32
      %add3A_64 = arith.addi %mul3A_2, %mul3A_63 : i32
      "tpu.region"() ({
        %run_scoped3A = tpu.sem_alloc : memref<!tpu.dma_semaphore, #tpu.memory_space<semaphore_mem>>
        %dma_start3A_101 = arith.constant 0 : i32
        %dma_start3A_102 = tpu.memref_slice %arg6[%add3A_64, %dma_start3A_101] : memref<320000x128xi32, #tpu.memory_space<hbm>> -> memref<80x128xi32, #tpu.memory_space<hbm>>
        %dma_start3A_103 = arith.constant 0 : i32
        %dma_start3A_104 = tpu.memref_slice %arg6[%add3A_64, %dma_start3A_103] : memref<320000x128xi32, #tpu.memory_space<hbm>> -> memref<80x128xi32, #tpu.memory_space<hbm>>
        tpu.enqueue_dma source(%arg10 : memref<80x128xi32, #tpu.memory_space<vmem>>) target(%dma_start3A_104 : memref<80x128xi32, #tpu.memory_space<hbm>>) target_semaphore(%run_scoped3A : memref<!tpu.dma_semaphore, #tpu.memory_space<semaphore_mem>>)
        %dma_wait3A_105 = arith.constant 0 : i32
        %dma_wait3A_106 = tpu.memref_slice %arg6[%add3A_64, %dma_wait3A_105] : memref<320000x128xi32, #tpu.memory_space<hbm>> -> memref<80x128xi32, #tpu.memory_space<hbm>>
        %dma_wait3A_107 = arith.constant 0 : i32
        %dma_wait3A_108 = tpu.memref_slice %arg6[%add3A_64, %dma_wait3A_107] : memref<320000x128xi32, #tpu.memory_space<hbm>> -> memref<80x128xi32, #tpu.memory_space<hbm>>
        tpu.wait_dma2 semaphore(%run_scoped3A : memref<!tpu.dma_semaphore, #tpu.memory_space<semaphore_mem>>) src(%arg10 : memref<80x128xi32, #tpu.memory_space<vmem>>) dst(%dma_wait3A_108 : memref<80x128xi32, #tpu.memory_space<hbm>>)
        tpu.yield
      }) : () -> ()
      %add3A_65 = arith.constant 2 : i32
      %add3A_66 = arith.addi %mul3A_32, %add3A_65 : i32
      %mul3A_67 = arith.constant 80 : i32
      %mul3A_68 = arith.muli %add3A_66, %mul3A_67 : i32
      %dma_start3A_69 = tpu.memref_slice %arg7[%mul3A_68] : memref<10000xi32, #tpu.memory_space<vmem>> -> memref<80xi32, #tpu.memory_space<vmem>>
      %dma_start3A_70 = arith.constant 0 : i32
      %dma_start3A_71 = arith.constant 0 : i32
      %dma_start3A_72 = tpu.memref_slice %arg2[%dma_start3A_70, %dma_start3A_71] : memref<10000x128xi32, #tpu.memory_space<hbm>> -> memref<10000x128xi32, #tpu.memory_space<hbm>>
      tpu.enqueue_indirect_dma source(%dma_start3A_72 : memref<10000x128xi32, #tpu.memory_space<hbm>>) target(%arg9 : memref<80x128xi32, #tpu.memory_space<vmem>>) offsets(%dma_start3A_69 : memref<80xi32, #tpu.memory_space<vmem>>) semaphore(%arg13 : memref<!tpu.dma_semaphore, #tpu.memory_space<semaphore_mem>>)
      %mul3A_73 = arith.constant 80 : i32
      %mul3A_74 = arith.muli %add3A_66, %mul3A_73 : i32
      %dma_start3A_75 = tpu.memref_slice %arg8[%mul3A_74] : memref<10000xi32, #tpu.memory_space<vmem>> -> memref<80xi32, #tpu.memory_space<vmem>>
      %dma_start3A_76 = arith.constant 0 : i32
      %dma_start3A_77 = arith.constant 0 : i32
      %dma_start3A_78 = tpu.memref_slice %arg2[%dma_start3A_76, %dma_start3A_77] : memref<10000x128xi32, #tpu.memory_space<hbm>> -> memref<10000x128xi32, #tpu.memory_space<hbm>>
      tpu.enqueue_indirect_dma source(%dma_start3A_78 : memref<10000x128xi32, #tpu.memory_space<hbm>>) target(%arg10 : memref<80x128xi32, #tpu.memory_space<vmem>>) offsets(%dma_start3A_75 : memref<80xi32, #tpu.memory_space<vmem>>) semaphore(%arg13 : memref<!tpu.dma_semaphore, #tpu.memory_space<semaphore_mem>>)
      %add3A_79 = arith.constant 1 : i32
      %add3A_80 = arith.addi %mul3A_32, %add3A_79 : i32
      %mul3A_81 = arith.constant 80 : i32
      %mul3A_82 = arith.muli %add3A_80, %mul3A_81 : i32
      %dma_wait3A_83 = tpu.memref_slice %arg7[%mul3A_82] : memref<10000xi32, #tpu.memory_space<vmem>> -> memref<80xi32, #tpu.memory_space<vmem>>
      %dma_wait3A_84 = arith.constant 0 : i32
      %dma_wait3A_85 = arith.constant 0 : i32
      %dma_wait3A_86 = tpu.memref_slice %arg2[%dma_wait3A_84, %dma_wait3A_85] : memref<10000x128xi32, #tpu.memory_space<hbm>> -> memref<10000x128xi32, #tpu.memory_space<hbm>>
      tpu.wait_indirect_dma semaphore(%arg14 : memref<!tpu.dma_semaphore, #tpu.memory_space<semaphore_mem>>) src(%dma_wait3A_86 : memref<10000x128xi32, #tpu.memory_space<hbm>>) dst(%arg11 : memref<80x128xi32, #tpu.memory_space<vmem>>)
      %mul3A_87 = arith.constant 80 : i32
      %mul3A_88 = arith.muli %add3A_80, %mul3A_87 : i32
      %dma_wait3A_89 = tpu.memref_slice %arg8[%mul3A_88] : memref<10000xi32, #tpu.memory_space<vmem>> -> memref<80xi32, #tpu.memory_space<vmem>>
      %dma_wait3A_90 = arith.constant 0 : i32
      %dma_wait3A_91 = arith.constant 0 : i32
      %dma_wait3A_92 = tpu.memref_slice %arg2[%dma_wait3A_90, %dma_wait3A_91] : memref<10000x128xi32, #tpu.memory_space<hbm>> -> memref<10000x128xi32, #tpu.memory_space<hbm>>
      tpu.wait_indirect_dma semaphore(%arg14 : memref<!tpu.dma_semaphore, #tpu.memory_space<semaphore_mem>>) src(%dma_wait3A_92 : memref<10000x128xi32, #tpu.memory_space<hbm>>) dst(%arg12 : memref<80x128xi32, #tpu.memory_space<vmem>>)
      %add3A_93 = arith.constant 1 : i32
      %add3A_94 = arith.addi %mul3A_32, %add3A_93 : i32
      %mul3A_95 = arith.constant 80 : i32
      %mul3A_96 = arith.muli %add3A_94, %mul3A_95 : i32
      %add3A_97 = arith.addi %mul3A_2, %mul3A_96 : i32
      "tpu.region"() ({
        %run_scoped3A = tpu.sem_alloc : memref<!tpu.dma_semaphore, #tpu.memory_space<semaphore_mem>>
        %dma_start3A_101 = arith.constant 0 : i32
        %dma_start3A_102 = tpu.memref_slice %arg5[%add3A_97, %dma_start3A_101] : memref<320000x128xi32, #tpu.memory_space<hbm>> -> memref<80x128xi32, #tpu.memory_space<hbm>>
        %dma_start3A_103 = arith.constant 0 : i32
        %dma_start3A_104 = tpu.memref_slice %arg5[%add3A_97, %dma_start3A_103] : memref<320000x128xi32, #tpu.memory_space<hbm>> -> memref<80x128xi32, #tpu.memory_space<hbm>>
        tpu.enqueue_dma source(%arg11 : memref<80x128xi32, #tpu.memory_space<vmem>>) target(%dma_start3A_104 : memref<80x128xi32, #tpu.memory_space<hbm>>) target_semaphore(%run_scoped3A : memref<!tpu.dma_semaphore, #tpu.memory_space<semaphore_mem>>)
        %dma_wait3A_105 = arith.constant 0 : i32
        %dma_wait3A_106 = tpu.memref_slice %arg5[%add3A_97, %dma_wait3A_105] : memref<320000x128xi32, #tpu.memory_space<hbm>> -> memref<80x128xi32, #tpu.memory_space<hbm>>
        %dma_wait3A_107 = arith.constant 0 : i32
        %dma_wait3A_108 = tpu.memref_slice %arg5[%add3A_97, %dma_wait3A_107] : memref<320000x128xi32, #tpu.memory_space<hbm>> -> memref<80x128xi32, #tpu.memory_space<hbm>>
        tpu.wait_dma2 semaphore(%run_scoped3A : memref<!tpu.dma_semaphore, #tpu.memory_space<semaphore_mem>>) src(%arg11 : memref<80x128xi32, #tpu.memory_space<vmem>>) dst(%dma_wait3A_108 : memref<80x128xi32, #tpu.memory_space<hbm>>)
        tpu.yield
      }) : () -> ()
      %mul3A_98 = arith.constant 80 : i32
      %mul3A_99 = arith.muli %add3A_94, %mul3A_98 : i32
      %add3A_100 = arith.addi %mul3A_2, %mul3A_99 : i32
      "tpu.region"() ({
        %run_scoped3A = tpu.sem_alloc : memref<!tpu.dma_semaphore, #tpu.memory_space<semaphore_mem>>
        %dma_start3A_101 = arith.constant 0 : i32
        %dma_start3A_102 = tpu.memref_slice %arg6[%add3A_100, %dma_start3A_101] : memref<320000x128xi32, #tpu.memory_space<hbm>> -> memref<80x128xi32, #tpu.memory_space<hbm>>
        %dma_start3A_103 = arith.constant 0 : i32
        %dma_start3A_104 = tpu.memref_slice %arg6[%add3A_100, %dma_start3A_103] : memref<320000x128xi32, #tpu.memory_space<hbm>> -> memref<80x128xi32, #tpu.memory_space<hbm>>
        tpu.enqueue_dma source(%arg12 : memref<80x128xi32, #tpu.memory_space<vmem>>) target(%dma_start3A_104 : memref<80x128xi32, #tpu.memory_space<hbm>>) target_semaphore(%run_scoped3A : memref<!tpu.dma_semaphore, #tpu.memory_space<semaphore_mem>>)
        %dma_wait3A_105 = arith.constant 0 : i32
        %dma_wait3A_106 = tpu.memref_slice %arg6[%add3A_100, %dma_wait3A_105] : memref<320000x128xi32, #tpu.memory_space<hbm>> -> memref<80x128xi32, #tpu.memory_space<hbm>>
        %dma_wait3A_107 = arith.constant 0 : i32
        %dma_wait3A_108 = tpu.memref_slice %arg6[%add3A_100, %dma_wait3A_107] : memref<320000x128xi32, #tpu.memory_space<hbm>> -> memref<80x128xi32, #tpu.memory_space<hbm>>
        tpu.wait_dma2 semaphore(%run_scoped3A : memref<!tpu.dma_semaphore, #tpu.memory_space<semaphore_mem>>) src(%arg12 : memref<80x128xi32, #tpu.memory_space<vmem>>) dst(%dma_wait3A_108 : memref<80x128xi32, #tpu.memory_space<hbm>>)
        tpu.yield
      }) : () -> ()
    }
    %scan3A_16 = arith.constant 62 : i32
    %dma_wait3A = arith.constant 9920 : i32
    %dma_wait3A_17 = tpu.memref_slice %arg7[%dma_wait3A] : memref<10000xi32, #tpu.memory_space<vmem>> -> memref<80xi32, #tpu.memory_space<vmem>>
    %dma_wait3A_18 = arith.constant 0 : i32
    %dma_wait3A_19 = arith.constant 0 : i32
    %dma_wait3A_20 = tpu.memref_slice %arg2[%dma_wait3A_18, %dma_wait3A_19] : memref<10000x128xi32, #tpu.memory_space<hbm>> -> memref<10000x128xi32, #tpu.memory_space<hbm>>
    tpu.wait_indirect_dma semaphore(%arg13 : memref<!tpu.dma_semaphore, #tpu.memory_space<semaphore_mem>>) src(%dma_wait3A_20 : memref<10000x128xi32, #tpu.memory_space<hbm>>) dst(%arg9 : memref<80x128xi32, #tpu.memory_space<vmem>>)
    %dma_wait3A_21 = arith.constant 9920 : i32
    %dma_wait3A_22 = tpu.memref_slice %arg8[%dma_wait3A_21] : memref<10000xi32, #tpu.memory_space<vmem>> -> memref<80xi32, #tpu.memory_space<vmem>>
    %dma_wait3A_23 = arith.constant 0 : i32
    %dma_wait3A_24 = arith.constant 0 : i32
    %dma_wait3A_25 = tpu.memref_slice %arg2[%dma_wait3A_23, %dma_wait3A_24] : memref<10000x128xi32, #tpu.memory_space<hbm>> -> memref<10000x128xi32, #tpu.memory_space<hbm>>
    tpu.wait_indirect_dma semaphore(%arg13 : memref<!tpu.dma_semaphore, #tpu.memory_space<semaphore_mem>>) src(%dma_wait3A_25 : memref<10000x128xi32, #tpu.memory_space<hbm>>) dst(%arg10 : memref<80x128xi32, #tpu.memory_space<vmem>>)
    %add3A_26 = arith.constant 9920 : i32
    %add3A_27 = arith.addi %mul3A_2, %add3A_26 : i32
    "tpu.region"() ({
      %run_scoped3A = tpu.sem_alloc : memref<!tpu.dma_semaphore, #tpu.memory_space<semaphore_mem>>
      %dma_start3A_30 = arith.constant 0 : i32
      %dma_start3A_31 = tpu.memref_slice %arg5[%add3A_27, %dma_start3A_30] : memref<320000x128xi32, #tpu.memory_space<hbm>> -> memref<80x128xi32, #tpu.memory_space<hbm>>
      %dma_start3A_32 = arith.constant 0 : i32
      %dma_start3A_33 = tpu.memref_slice %arg5[%add3A_27, %dma_start3A_32] : memref<320000x128xi32, #tpu.memory_space<hbm>> -> memref<80x128xi32, #tpu.memory_space<hbm>>
      tpu.enqueue_dma source(%arg9 : memref<80x128xi32, #tpu.memory_space<vmem>>) target(%dma_start3A_33 : memref<80x128xi32, #tpu.memory_space<hbm>>) target_semaphore(%run_scoped3A : memref<!tpu.dma_semaphore, #tpu.memory_space<semaphore_mem>>)
      %dma_wait3A_34 = arith.constant 0 : i32
      %dma_wait3A_35 = tpu.memref_slice %arg5[%add3A_27, %dma_wait3A_34] : memref<320000x128xi32, #tpu.memory_space<hbm>> -> memref<80x128xi32, #tpu.memory_space<hbm>>
      %dma_wait3A_36 = arith.constant 0 : i32
      %dma_wait3A_37 = tpu.memref_slice %arg5[%add3A_27, %dma_wait3A_36] : memref<320000x128xi32, #tpu.memory_space<hbm>> -> memref<80x128xi32, #tpu.memory_space<hbm>>
      tpu.wait_dma2 semaphore(%run_scoped3A : memref<!tpu.dma_semaphore, #tpu.memory_space<semaphore_mem>>) src(%arg9 : memref<80x128xi32, #tpu.memory_space<vmem>>) dst(%dma_wait3A_37 : memref<80x128xi32, #tpu.memory_space<hbm>>)
      tpu.yield
    }) : () -> ()
    %add3A_28 = arith.constant 9920 : i32
    %add3A_29 = arith.addi %mul3A_2, %add3A_28 : i32
    "tpu.region"() ({
      %run_scoped3A = tpu.sem_alloc : memref<!tpu.dma_semaphore, #tpu.memory_space<semaphore_mem>>
      %dma_start3A_30 = arith.constant 0 : i32
      %dma_start3A_31 = tpu.memref_slice %arg6[%add3A_29, %dma_start3A_30] : memref<320000x128xi32, #tpu.memory_space<hbm>> -> memref<80x128xi32, #tpu.memory_space<hbm>>
      %dma_start3A_32 = arith.constant 0 : i32
      %dma_start3A_33 = tpu.memref_slice %arg6[%add3A_29, %dma_start3A_32] : memref<320000x128xi32, #tpu.memory_space<hbm>> -> memref<80x128xi32, #tpu.memory_space<hbm>>
      tpu.enqueue_dma source(%arg10 : memref<80x128xi32, #tpu.memory_space<vmem>>) target(%dma_start3A_33 : memref<80x128xi32, #tpu.memory_space<hbm>>) target_semaphore(%run_scoped3A : memref<!tpu.dma_semaphore, #tpu.memory_space<semaphore_mem>>)
      %dma_wait3A_34 = arith.constant 0 : i32
      %dma_wait3A_35 = tpu.memref_slice %arg6[%add3A_29, %dma_wait3A_34] : memref<320000x128xi32, #tpu.memory_space<hbm>> -> memref<80x128xi32, #tpu.memory_space<hbm>>
      %dma_wait3A_36 = arith.constant 0 : i32
      %dma_wait3A_37 = tpu.memref_slice %arg6[%add3A_29, %dma_wait3A_36] : memref<320000x128xi32, #tpu.memory_space<hbm>> -> memref<80x128xi32, #tpu.memory_space<hbm>>
      tpu.wait_dma2 semaphore(%run_scoped3A : memref<!tpu.dma_semaphore, #tpu.memory_space<semaphore_mem>>) src(%arg10 : memref<80x128xi32, #tpu.memory_space<vmem>>) dst(%dma_wait3A_37 : memref<80x128xi32, #tpu.memory_space<hbm>>)
      tpu.yield
    }) : () -> ()
    return
  }
}

#map = affine_map<(d0, d1) -> (0, 0)>
#map1 = affine_map<(d0, d1) -> (0)>
module attributes {stable_mosaic.version = 14 : i64} {
  func.func @sk(%arg0: i32, %arg1: i32, %arg2: memref<320000x128xf32, #tpu.memory_space<hbm>>, %arg3: memref<320000xi32, #tpu.memory_space<hbm>>, %arg4: memref<625x128xf32, #tpu.memory_space<hbm>>, %arg5: memref<20000x128xf32, #tpu.memory_space<hbm>>, %arg6: memref<80xi32, #tpu.memory_space<vmem>>, %arg7: memref<80xi32, #tpu.memory_space<vmem>>, %arg8: memref<80x16xf32, #tpu.memory_space<vmem>>, %arg9: memref<80x16xf32, #tpu.memory_space<vmem>>, %arg10: memref<625x128xf32, #tpu.memory_space<vmem>>, %arg11: memref<10000x16xf32, #tpu.memory_space<vmem_shared>>, %arg12: memref<!tpu.dma_semaphore, #tpu.memory_space<semaphore_mem>>, %arg13: memref<!tpu.dma_semaphore, #tpu.memory_space<semaphore_mem>>, %arg14: memref<!tpu.dma_semaphore, #tpu.memory_space<semaphore_mem>>, %arg15: memref<!tpu.dma_semaphore, #tpu.memory_space<semaphore_mem>>) attributes {dimension_semantics = [#tpu.dimension_semantics<core_parallel>, #tpu.dimension_semantics<subcore_parallel>], iteration_bounds = array<i64: 2, 16>, scalar_prefetch = 0 : i64, scratch_operands = 10 : i64, tpu.core_type = #tpu.core_type<sc_vector_subcore>, window_params = [{transform_indices = #map}, {transform_indices = #map1}, {transform_indices = #map}, {transform_indices = #map}]} {
    %mul3A = arith.constant 16 : i32
    %mul3A_0 = arith.muli %arg0, %mul3A : i32
    %add3A = arith.addi %mul3A_0, %arg1 : i32
    %mul3A_1 = arith.constant 10000 : i32
    %mul3A_2 = arith.muli %add3A, %mul3A_1 : i32
    %mul3A_3 = arith.constant 625 : i32
    %mul3A_4 = arith.muli %arg1, %mul3A_3 : i32
    "tpu.region"() ({
      %run_scoped3A = tpu.sem_alloc : memref<!tpu.dma_semaphore, #tpu.memory_space<semaphore_mem>>
      tpu.enqueue_dma source(%arg4 : memref<625x128xf32, #tpu.memory_space<hbm>>) target(%arg10 : memref<625x128xf32, #tpu.memory_space<vmem>>) target_semaphore(%run_scoped3A : memref<!tpu.dma_semaphore, #tpu.memory_space<semaphore_mem>>)
      tpu.wait_dma2 semaphore(%run_scoped3A : memref<!tpu.dma_semaphore, #tpu.memory_space<semaphore_mem>>) src(%arg4 : memref<625x128xf32, #tpu.memory_space<hbm>>) dst(%arg10 : memref<625x128xf32, #tpu.memory_space<vmem>>)
      tpu.yield
    }) : () -> ()
    "tpu.region"() ({
      %run_scoped3A = tpu.sem_alloc : memref<!tpu.dma_semaphore, #tpu.memory_space<semaphore_mem>>
      %dma_start3A_43 = arith.constant 0 : i32
      %dma_start3A_44 = arith.constant 0 : i32
      %dma_start3A_45 = tpu.memref_slice %arg10[%dma_start3A_43, %dma_start3A_44] : memref<625x128xf32, #tpu.memory_space<vmem>> -> memref<625x16xf32, #tpu.memory_space<vmem>>
      %dma_start3A_46 = arith.constant 0 : i32
      %dma_start3A_47 = tpu.memref_slice %arg11[%mul3A_4, %dma_start3A_46] : memref<10000x16xf32, #tpu.memory_space<vmem_shared>> -> memref<625x16xf32, #tpu.memory_space<vmem_shared>>
      %dma_start3A_48 = arith.constant 0 : i32
      %dma_start3A_49 = tpu.memref_slice %arg11[%mul3A_4, %dma_start3A_48] : memref<10000x16xf32, #tpu.memory_space<vmem_shared>> -> memref<625x16xf32, #tpu.memory_space<vmem_shared>>
      %dma_start3A_50 = arith.constant 0 : i32
      %dma_start3A_51 = arith.constant 0 : i32
      %dma_start3A_52 = tpu.memref_slice %arg10[%dma_start3A_50, %dma_start3A_51] : memref<625x128xf32, #tpu.memory_space<vmem>> -> memref<625x16xf32, #tpu.memory_space<vmem>>
      tpu.enqueue_dma source(%dma_start3A_52 : memref<625x16xf32, #tpu.memory_space<vmem>>) target(%dma_start3A_49 : memref<625x16xf32, #tpu.memory_space<vmem_shared>>) target_semaphore(%run_scoped3A : memref<!tpu.dma_semaphore, #tpu.memory_space<semaphore_mem>>)
      %dma_wait3A_53 = arith.constant 0 : i32
      %dma_wait3A_54 = arith.constant 0 : i32
      %dma_wait3A_55 = tpu.memref_slice %arg10[%dma_wait3A_53, %dma_wait3A_54] : memref<625x128xf32, #tpu.memory_space<vmem>> -> memref<625x16xf32, #tpu.memory_space<vmem>>
      %dma_wait3A_56 = arith.constant 0 : i32
      %dma_wait3A_57 = tpu.memref_slice %arg11[%mul3A_4, %dma_wait3A_56] : memref<10000x16xf32, #tpu.memory_space<vmem_shared>> -> memref<625x16xf32, #tpu.memory_space<vmem_shared>>
      %dma_wait3A_58 = arith.constant 0 : i32
      %dma_wait3A_59 = tpu.memref_slice %arg11[%mul3A_4, %dma_wait3A_58] : memref<10000x16xf32, #tpu.memory_space<vmem_shared>> -> memref<625x16xf32, #tpu.memory_space<vmem_shared>>
      %dma_wait3A_60 = arith.constant 0 : i32
      %dma_wait3A_61 = arith.constant 0 : i32
      %dma_wait3A_62 = tpu.memref_slice %arg10[%dma_wait3A_60, %dma_wait3A_61] : memref<625x128xf32, #tpu.memory_space<vmem>> -> memref<625x16xf32, #tpu.memory_space<vmem>>
      tpu.wait_dma2 semaphore(%run_scoped3A : memref<!tpu.dma_semaphore, #tpu.memory_space<semaphore_mem>>) src(%dma_wait3A_62 : memref<625x16xf32, #tpu.memory_space<vmem>>) dst(%dma_wait3A_59 : memref<625x16xf32, #tpu.memory_space<vmem_shared>>)
      tpu.yield
    }) : () -> ()
    %barrier3A = arith.constant 0 : index
    tpu.barrier barrier_id(%barrier3A)
    %add3A_5 = arith.constant 0 : i32
    %add3A_6 = arith.addi %mul3A_2, %add3A_5 : i32
    %dma_start3A = tpu.memref_slice %arg3[%add3A_6] : memref<320000xi32, #tpu.memory_space<hbm>> -> memref<80xi32, #tpu.memory_space<hbm>>
    %dma_start3A_7 = tpu.memref_slice %arg3[%add3A_6] : memref<320000xi32, #tpu.memory_space<hbm>> -> memref<80xi32, #tpu.memory_space<hbm>>
    tpu.enqueue_dma source(%dma_start3A_7 : memref<80xi32, #tpu.memory_space<hbm>>) target(%arg6 : memref<80xi32, #tpu.memory_space<vmem>>) target_semaphore(%arg12 : memref<!tpu.dma_semaphore, #tpu.memory_space<semaphore_mem>>)
    %add3A_8 = arith.constant 0 : i32
    %add3A_9 = arith.addi %mul3A_2, %add3A_8 : i32
    %dma_start3A_10 = arith.constant 0 : i32
    %dma_start3A_11 = tpu.memref_slice %arg2[%add3A_9, %dma_start3A_10] : memref<320000x128xf32, #tpu.memory_space<hbm>> -> memref<80x16xf32, #tpu.memory_space<hbm>>
    %dma_start3A_12 = arith.constant 0 : i32
    %dma_start3A_13 = tpu.memref_slice %arg2[%add3A_9, %dma_start3A_12] : memref<320000x128xf32, #tpu.memory_space<hbm>> -> memref<80x16xf32, #tpu.memory_space<hbm>>
    tpu.enqueue_dma source(%dma_start3A_13 : memref<80x16xf32, #tpu.memory_space<hbm>>) target(%arg8 : memref<80x16xf32, #tpu.memory_space<vmem>>) target_semaphore(%arg12 : memref<!tpu.dma_semaphore, #tpu.memory_space<semaphore_mem>>)
    %scan3A = arith.constant 0 : i32
    %scan3A_14 = arith.constant 0 : i32
    %scan3A_15 = arith.constant 62 : i32
    %scan3A_16 = arith.addi %scan3A_14, %scan3A_15 : i32
    %scan3A_17 = arith.constant 1 : i32
    scf.for %scan3A_43 = %scan3A_14 to %scan3A_16 step %scan3A_17  : i32 {
      %mul3A_44 = arith.constant 2 : i32
      %mul3A_45 = arith.muli %mul3A_44, %scan3A_43 : i32
      %mul3A_46 = arith.constant 80 : i32
      %mul3A_47 = arith.muli %mul3A_45, %mul3A_46 : i32
      %add3A_48 = arith.addi %mul3A_2, %mul3A_47 : i32
      %dma_wait3A_49 = tpu.memref_slice %arg3[%add3A_48] : memref<320000xi32, #tpu.memory_space<hbm>> -> memref<80xi32, #tpu.memory_space<hbm>>
      %dma_wait3A_50 = tpu.memref_slice %arg3[%add3A_48] : memref<320000xi32, #tpu.memory_space<hbm>> -> memref<80xi32, #tpu.memory_space<hbm>>
      tpu.wait_dma2 semaphore(%arg12 : memref<!tpu.dma_semaphore, #tpu.memory_space<semaphore_mem>>) src(%dma_wait3A_50 : memref<80xi32, #tpu.memory_space<hbm>>) dst(%arg6 : memref<80xi32, #tpu.memory_space<vmem>>)
      %mul3A_51 = arith.constant 80 : i32
      %mul3A_52 = arith.muli %mul3A_45, %mul3A_51 : i32
      %add3A_53 = arith.addi %mul3A_2, %mul3A_52 : i32
      %dma_wait3A_54 = arith.constant 0 : i32
      %dma_wait3A_55 = tpu.memref_slice %arg2[%add3A_53, %dma_wait3A_54] : memref<320000x128xf32, #tpu.memory_space<hbm>> -> memref<80x16xf32, #tpu.memory_space<hbm>>
      %dma_wait3A_56 = arith.constant 0 : i32
      %dma_wait3A_57 = tpu.memref_slice %arg2[%add3A_53, %dma_wait3A_56] : memref<320000x128xf32, #tpu.memory_space<hbm>> -> memref<80x16xf32, #tpu.memory_space<hbm>>
      tpu.wait_dma2 semaphore(%arg12 : memref<!tpu.dma_semaphore, #tpu.memory_space<semaphore_mem>>) src(%dma_wait3A_57 : memref<80x16xf32, #tpu.memory_space<hbm>>) dst(%arg8 : memref<80x16xf32, #tpu.memory_space<vmem>>)
      %dma_start3A_58 = arith.constant 0 : i32
      %dma_start3A_59 = arith.constant 0 : i32
      %dma_start3A_60 = tpu.memref_slice %arg11[%dma_start3A_58, %dma_start3A_59] : memref<10000x16xf32, #tpu.memory_space<vmem_shared>> -> memref<10000x16xf32, #tpu.memory_space<vmem_shared>>
      tpu.enqueue_indirect_dma source(%arg8 : memref<80x16xf32, #tpu.memory_space<vmem>>) target(%dma_start3A_60 : memref<10000x16xf32, #tpu.memory_space<vmem_shared>>) offsets(%arg6 : memref<80xi32, #tpu.memory_space<vmem>>) semaphore(%arg14 : memref<!tpu.dma_semaphore, #tpu.memory_space<semaphore_mem>>) {add = true}
      %gt3A = arith.constant 0 : i32
      %gt3A_61 = arith.cmpi sgt, %scan3A_43, %gt3A : i32
      %convert_element_type3A = arith.extui %gt3A_61 : i1 to i32
      %cond3A = arith.constant 0 : i32
      %cond3A_62 = arith.cmpi ne, %convert_element_type3A, %cond3A : i32
      scf.if %cond3A_62 {
        %dma_wait3A_111 = arith.constant 0 : i32
        %dma_wait3A_112 = arith.constant 0 : i32
        %dma_wait3A_113 = tpu.memref_slice %arg11[%dma_wait3A_111, %dma_wait3A_112] : memref<10000x16xf32, #tpu.memory_space<vmem_shared>> -> memref<10000x16xf32, #tpu.memory_space<vmem_shared>>
        tpu.wait_indirect_dma semaphore(%arg15 : memref<!tpu.dma_semaphore, #tpu.memory_space<semaphore_mem>>) src(%arg9 : memref<80x16xf32, #tpu.memory_space<vmem>>) dst(%dma_wait3A_113 : memref<10000x16xf32, #tpu.memory_space<vmem_shared>>)
      } else {
      }
      %add3A_63 = arith.constant 1 : i32
      %add3A_64 = arith.addi %mul3A_45, %add3A_63 : i32
      %mul3A_65 = arith.constant 80 : i32
      %mul3A_66 = arith.muli %add3A_64, %mul3A_65 : i32
      %add3A_67 = arith.addi %mul3A_2, %mul3A_66 : i32
      %dma_start3A_68 = tpu.memref_slice %arg3[%add3A_67] : memref<320000xi32, #tpu.memory_space<hbm>> -> memref<80xi32, #tpu.memory_space<hbm>>
      %dma_start3A_69 = tpu.memref_slice %arg3[%add3A_67] : memref<320000xi32, #tpu.memory_space<hbm>> -> memref<80xi32, #tpu.memory_space<hbm>>
      tpu.enqueue_dma source(%dma_start3A_69 : memref<80xi32, #tpu.memory_space<hbm>>) target(%arg7 : memref<80xi32, #tpu.memory_space<vmem>>) target_semaphore(%arg13 : memref<!tpu.dma_semaphore, #tpu.memory_space<semaphore_mem>>)
      %mul3A_70 = arith.constant 80 : i32
      %mul3A_71 = arith.muli %add3A_64, %mul3A_70 : i32
      %add3A_72 = arith.addi %mul3A_2, %mul3A_71 : i32
      %dma_start3A_73 = arith.constant 0 : i32
      %dma_start3A_74 = tpu.memref_slice %arg2[%add3A_72, %dma_start3A_73] : memref<320000x128xf32, #tpu.memory_space<hbm>> -> memref<80x16xf32, #tpu.memory_space<hbm>>
      %dma_start3A_75 = arith.constant 0 : i32
      %dma_start3A_76 = tpu.memref_slice %arg2[%add3A_72, %dma_start3A_75] : memref<320000x128xf32, #tpu.memory_space<hbm>> -> memref<80x16xf32, #tpu.memory_space<hbm>>
      tpu.enqueue_dma source(%dma_start3A_76 : memref<80x16xf32, #tpu.memory_space<hbm>>) target(%arg9 : memref<80x16xf32, #tpu.memory_space<vmem>>) target_semaphore(%arg13 : memref<!tpu.dma_semaphore, #tpu.memory_space<semaphore_mem>>)
      %add3A_77 = arith.constant 1 : i32
      %add3A_78 = arith.addi %mul3A_45, %add3A_77 : i32
      %mul3A_79 = arith.constant 80 : i32
      %mul3A_80 = arith.muli %add3A_78, %mul3A_79 : i32
      %add3A_81 = arith.addi %mul3A_2, %mul3A_80 : i32
      %dma_wait3A_82 = tpu.memref_slice %arg3[%add3A_81] : memref<320000xi32, #tpu.memory_space<hbm>> -> memref<80xi32, #tpu.memory_space<hbm>>
      %dma_wait3A_83 = tpu.memref_slice %arg3[%add3A_81] : memref<320000xi32, #tpu.memory_space<hbm>> -> memref<80xi32, #tpu.memory_space<hbm>>
      tpu.wait_dma2 semaphore(%arg13 : memref<!tpu.dma_semaphore, #tpu.memory_space<semaphore_mem>>) src(%dma_wait3A_83 : memref<80xi32, #tpu.memory_space<hbm>>) dst(%arg7 : memref<80xi32, #tpu.memory_space<vmem>>)
      %mul3A_84 = arith.constant 80 : i32
      %mul3A_85 = arith.muli %add3A_78, %mul3A_84 : i32
      %add3A_86 = arith.addi %mul3A_2, %mul3A_85 : i32
      %dma_wait3A_87 = arith.constant 0 : i32
      %dma_wait3A_88 = tpu.memref_slice %arg2[%add3A_86, %dma_wait3A_87] : memref<320000x128xf32, #tpu.memory_space<hbm>> -> memref<80x16xf32, #tpu.memory_space<hbm>>
      %dma_wait3A_89 = arith.constant 0 : i32
      %dma_wait3A_90 = tpu.memref_slice %arg2[%add3A_86, %dma_wait3A_89] : memref<320000x128xf32, #tpu.memory_space<hbm>> -> memref<80x16xf32, #tpu.memory_space<hbm>>
      tpu.wait_dma2 semaphore(%arg13 : memref<!tpu.dma_semaphore, #tpu.memory_space<semaphore_mem>>) src(%dma_wait3A_90 : memref<80x16xf32, #tpu.memory_space<hbm>>) dst(%arg9 : memref<80x16xf32, #tpu.memory_space<vmem>>)
      %dma_start3A_91 = arith.constant 0 : i32
      %dma_start3A_92 = arith.constant 0 : i32
      %dma_start3A_93 = tpu.memref_slice %arg11[%dma_start3A_91, %dma_start3A_92] : memref<10000x16xf32, #tpu.memory_space<vmem_shared>> -> memref<10000x16xf32, #tpu.memory_space<vmem_shared>>
      tpu.enqueue_indirect_dma source(%arg9 : memref<80x16xf32, #tpu.memory_space<vmem>>) target(%dma_start3A_93 : memref<10000x16xf32, #tpu.memory_space<vmem_shared>>) offsets(%arg7 : memref<80xi32, #tpu.memory_space<vmem>>) semaphore(%arg15 : memref<!tpu.dma_semaphore, #tpu.memory_space<semaphore_mem>>) {add = true}
      %dma_wait3A_94 = arith.constant 0 : i32
      %dma_wait3A_95 = arith.constant 0 : i32
      %dma_wait3A_96 = tpu.memref_slice %arg11[%dma_wait3A_94, %dma_wait3A_95] : memref<10000x16xf32, #tpu.memory_space<vmem_shared>> -> memref<10000x16xf32, #tpu.memory_space<vmem_shared>>
      tpu.wait_indirect_dma semaphore(%arg14 : memref<!tpu.dma_semaphore, #tpu.memory_space<semaphore_mem>>) src(%arg8 : memref<80x16xf32, #tpu.memory_space<vmem>>) dst(%dma_wait3A_96 : memref<10000x16xf32, #tpu.memory_space<vmem_shared>>)
      %add3A_97 = arith.constant 2 : i32
      %add3A_98 = arith.addi %mul3A_45, %add3A_97 : i32
      %mul3A_99 = arith.constant 80 : i32
      %mul3A_100 = arith.muli %add3A_98, %mul3A_99 : i32
      %add3A_101 = arith.addi %mul3A_2, %mul3A_100 : i32
      %dma_start3A_102 = tpu.memref_slice %arg3[%add3A_101] : memref<320000xi32, #tpu.memory_space<hbm>> -> memref<80xi32, #tpu.memory_space<hbm>>
      %dma_start3A_103 = tpu.memref_slice %arg3[%add3A_101] : memref<320000xi32, #tpu.memory_space<hbm>> -> memref<80xi32, #tpu.memory_space<hbm>>
      tpu.enqueue_dma source(%dma_start3A_103 : memref<80xi32, #tpu.memory_space<hbm>>) target(%arg6 : memref<80xi32, #tpu.memory_space<vmem>>) target_semaphore(%arg12 : memref<!tpu.dma_semaphore, #tpu.memory_space<semaphore_mem>>)
      %mul3A_104 = arith.constant 80 : i32
      %mul3A_105 = arith.muli %add3A_98, %mul3A_104 : i32
      %add3A_106 = arith.addi %mul3A_2, %mul3A_105 : i32
      %dma_start3A_107 = arith.constant 0 : i32
      %dma_start3A_108 = tpu.memref_slice %arg2[%add3A_106, %dma_start3A_107] : memref<320000x128xf32, #tpu.memory_space<hbm>> -> memref<80x16xf32, #tpu.memory_space<hbm>>
      %dma_start3A_109 = arith.constant 0 : i32
      %dma_start3A_110 = tpu.memref_slice %arg2[%add3A_106, %dma_start3A_109] : memref<320000x128xf32, #tpu.memory_space<hbm>> -> memref<80x16xf32, #tpu.memory_space<hbm>>
      tpu.enqueue_dma source(%dma_start3A_110 : memref<80x16xf32, #tpu.memory_space<hbm>>) target(%arg8 : memref<80x16xf32, #tpu.memory_space<vmem>>) target_semaphore(%arg12 : memref<!tpu.dma_semaphore, #tpu.memory_space<semaphore_mem>>)
    }
    %scan3A_18 = arith.constant 62 : i32
    %add3A_19 = arith.constant 9920 : i32
    %add3A_20 = arith.addi %mul3A_2, %add3A_19 : i32
    %dma_wait3A = tpu.memref_slice %arg3[%add3A_20] : memref<320000xi32, #tpu.memory_space<hbm>> -> memref<80xi32, #tpu.memory_space<hbm>>
    %dma_wait3A_21 = tpu.memref_slice %arg3[%add3A_20] : memref<320000xi32, #tpu.memory_space<hbm>> -> memref<80xi32, #tpu.memory_space<hbm>>
    tpu.wait_dma2 semaphore(%arg12 : memref<!tpu.dma_semaphore, #tpu.memory_space<semaphore_mem>>) src(%dma_wait3A_21 : memref<80xi32, #tpu.memory_space<hbm>>) dst(%arg6 : memref<80xi32, #tpu.memory_space<vmem>>)
    %add3A_22 = arith.constant 9920 : i32
    %add3A_23 = arith.addi %mul3A_2, %add3A_22 : i32
    %dma_wait3A_24 = arith.constant 0 : i32
    %dma_wait3A_25 = tpu.memref_slice %arg2[%add3A_23, %dma_wait3A_24] : memref<320000x128xf32, #tpu.memory_space<hbm>> -> memref<80x16xf32, #tpu.memory_space<hbm>>
    %dma_wait3A_26 = arith.constant 0 : i32
    %dma_wait3A_27 = tpu.memref_slice %arg2[%add3A_23, %dma_wait3A_26] : memref<320000x128xf32, #tpu.memory_space<hbm>> -> memref<80x16xf32, #tpu.memory_space<hbm>>
    tpu.wait_dma2 semaphore(%arg12 : memref<!tpu.dma_semaphore, #tpu.memory_space<semaphore_mem>>) src(%dma_wait3A_27 : memref<80x16xf32, #tpu.memory_space<hbm>>) dst(%arg8 : memref<80x16xf32, #tpu.memory_space<vmem>>)
    %dma_start3A_28 = arith.constant 0 : i32
    %dma_start3A_29 = arith.constant 0 : i32
    %dma_start3A_30 = tpu.memref_slice %arg11[%dma_start3A_28, %dma_start3A_29] : memref<10000x16xf32, #tpu.memory_space<vmem_shared>> -> memref<10000x16xf32, #tpu.memory_space<vmem_shared>>
    tpu.enqueue_indirect_dma source(%arg8 : memref<80x16xf32, #tpu.memory_space<vmem>>) target(%dma_start3A_30 : memref<10000x16xf32, #tpu.memory_space<vmem_shared>>) offsets(%arg6 : memref<80xi32, #tpu.memory_space<vmem>>) semaphore(%arg14 : memref<!tpu.dma_semaphore, #tpu.memory_space<semaphore_mem>>) {add = true}
    %dma_wait3A_31 = arith.constant 0 : i32
    %dma_wait3A_32 = arith.constant 0 : i32
    %dma_wait3A_33 = tpu.memref_slice %arg11[%dma_wait3A_31, %dma_wait3A_32] : memref<10000x16xf32, #tpu.memory_space<vmem_shared>> -> memref<10000x16xf32, #tpu.memory_space<vmem_shared>>
    tpu.wait_indirect_dma semaphore(%arg15 : memref<!tpu.dma_semaphore, #tpu.memory_space<semaphore_mem>>) src(%arg9 : memref<80x16xf32, #tpu.memory_space<vmem>>) dst(%dma_wait3A_33 : memref<10000x16xf32, #tpu.memory_space<vmem_shared>>)
    %dma_wait3A_34 = arith.constant 0 : i32
    %dma_wait3A_35 = arith.constant 0 : i32
    %dma_wait3A_36 = tpu.memref_slice %arg11[%dma_wait3A_34, %dma_wait3A_35] : memref<10000x16xf32, #tpu.memory_space<vmem_shared>> -> memref<10000x16xf32, #tpu.memory_space<vmem_shared>>
    tpu.wait_indirect_dma semaphore(%arg14 : memref<!tpu.dma_semaphore, #tpu.memory_space<semaphore_mem>>) src(%arg8 : memref<80x16xf32, #tpu.memory_space<vmem>>) dst(%dma_wait3A_36 : memref<10000x16xf32, #tpu.memory_space<vmem_shared>>)
    %barrier3A_37 = arith.constant 0 : index
    tpu.barrier barrier_id(%barrier3A_37)
    "tpu.region"() ({
      %run_scoped3A = tpu.sem_alloc : memref<!tpu.dma_semaphore, #tpu.memory_space<semaphore_mem>>
      %dma_start3A_43 = arith.constant 0 : i32
      %dma_start3A_44 = arith.constant 0 : i32
      %dma_start3A_45 = tpu.memref_slice %arg10[%dma_start3A_43, %dma_start3A_44] : memref<625x128xf32, #tpu.memory_space<vmem>> -> memref<625x16xf32, #tpu.memory_space<vmem>>
      %dma_start3A_46 = arith.constant 0 : i32
      %dma_start3A_47 = tpu.memref_slice %arg11[%mul3A_4, %dma_start3A_46] : memref<10000x16xf32, #tpu.memory_space<vmem_shared>> -> memref<625x16xf32, #tpu.memory_space<vmem_shared>>
      %dma_start3A_48 = arith.constant 0 : i32
      %dma_start3A_49 = arith.constant 0 : i32
      %dma_start3A_50 = tpu.memref_slice %arg10[%dma_start3A_48, %dma_start3A_49] : memref<625x128xf32, #tpu.memory_space<vmem>> -> memref<625x16xf32, #tpu.memory_space<vmem>>
      %dma_start3A_51 = arith.constant 0 : i32
      %dma_start3A_52 = tpu.memref_slice %arg11[%mul3A_4, %dma_start3A_51] : memref<10000x16xf32, #tpu.memory_space<vmem_shared>> -> memref<625x16xf32, #tpu.memory_space<vmem_shared>>
      tpu.enqueue_dma source(%dma_start3A_52 : memref<625x16xf32, #tpu.memory_space<vmem_shared>>) target(%dma_start3A_50 : memref<625x16xf32, #tpu.memory_space<vmem>>) target_semaphore(%run_scoped3A : memref<!tpu.dma_semaphore, #tpu.memory_space<semaphore_mem>>)
      %dma_wait3A_53 = arith.constant 0 : i32
      %dma_wait3A_54 = arith.constant 0 : i32
      %dma_wait3A_55 = tpu.memref_slice %arg10[%dma_wait3A_53, %dma_wait3A_54] : memref<625x128xf32, #tpu.memory_space<vmem>> -> memref<625x16xf32, #tpu.memory_space<vmem>>
      %dma_wait3A_56 = arith.constant 0 : i32
      %dma_wait3A_57 = tpu.memref_slice %arg11[%mul3A_4, %dma_wait3A_56] : memref<10000x16xf32, #tpu.memory_space<vmem_shared>> -> memref<625x16xf32, #tpu.memory_space<vmem_shared>>
      %dma_wait3A_58 = arith.constant 0 : i32
      %dma_wait3A_59 = arith.constant 0 : i32
      %dma_wait3A_60 = tpu.memref_slice %arg10[%dma_wait3A_58, %dma_wait3A_59] : memref<625x128xf32, #tpu.memory_space<vmem>> -> memref<625x16xf32, #tpu.memory_space<vmem>>
      %dma_wait3A_61 = arith.constant 0 : i32
      %dma_wait3A_62 = tpu.memref_slice %arg11[%mul3A_4, %dma_wait3A_61] : memref<10000x16xf32, #tpu.memory_space<vmem_shared>> -> memref<625x16xf32, #tpu.memory_space<vmem_shared>>
      tpu.wait_dma2 semaphore(%run_scoped3A : memref<!tpu.dma_semaphore, #tpu.memory_space<semaphore_mem>>) src(%dma_wait3A_62 : memref<625x16xf32, #tpu.memory_space<vmem_shared>>) dst(%dma_wait3A_60 : memref<625x16xf32, #tpu.memory_space<vmem>>)
      tpu.yield
    }) : () -> ()
    %mul3A_38 = arith.constant 10000 : i32
    %mul3A_39 = arith.muli %arg0, %mul3A_38 : i32
    %mul3A_40 = arith.constant 625 : i32
    %mul3A_41 = arith.muli %arg1, %mul3A_40 : i32
    %add3A_42 = arith.addi %mul3A_39, %mul3A_41 : i32
    "tpu.region"() ({
      %run_scoped3A = tpu.sem_alloc : memref<!tpu.dma_semaphore, #tpu.memory_space<semaphore_mem>>
      %dma_start3A_43 = arith.constant 0 : i32
      %dma_start3A_44 = arith.constant 0 : i32
      %dma_start3A_45 = tpu.memref_slice %arg10[%dma_start3A_43, %dma_start3A_44] : memref<625x128xf32, #tpu.memory_space<vmem>> -> memref<625x16xf32, #tpu.memory_space<vmem>>
      %dma_start3A_46 = arith.constant 0 : i32
      %dma_start3A_47 = tpu.memref_slice %arg5[%add3A_42, %dma_start3A_46] : memref<20000x128xf32, #tpu.memory_space<hbm>> -> memref<625x16xf32, #tpu.memory_space<hbm>>
      %dma_start3A_48 = arith.constant 0 : i32
      %dma_start3A_49 = tpu.memref_slice %arg5[%add3A_42, %dma_start3A_48] : memref<20000x128xf32, #tpu.memory_space<hbm>> -> memref<625x16xf32, #tpu.memory_space<hbm>>
      %dma_start3A_50 = arith.constant 0 : i32
      %dma_start3A_51 = arith.constant 0 : i32
      %dma_start3A_52 = tpu.memref_slice %arg10[%dma_start3A_50, %dma_start3A_51] : memref<625x128xf32, #tpu.memory_space<vmem>> -> memref<625x16xf32, #tpu.memory_space<vmem>>
      tpu.enqueue_dma source(%dma_start3A_52 : memref<625x16xf32, #tpu.memory_space<vmem>>) target(%dma_start3A_49 : memref<625x16xf32, #tpu.memory_space<hbm>>) target_semaphore(%run_scoped3A : memref<!tpu.dma_semaphore, #tpu.memory_space<semaphore_mem>>)
      %dma_wait3A_53 = arith.constant 0 : i32
      %dma_wait3A_54 = arith.constant 0 : i32
      %dma_wait3A_55 = tpu.memref_slice %arg10[%dma_wait3A_53, %dma_wait3A_54] : memref<625x128xf32, #tpu.memory_space<vmem>> -> memref<625x16xf32, #tpu.memory_space<vmem>>
      %dma_wait3A_56 = arith.constant 0 : i32
      %dma_wait3A_57 = tpu.memref_slice %arg5[%add3A_42, %dma_wait3A_56] : memref<20000x128xf32, #tpu.memory_space<hbm>> -> memref<625x16xf32, #tpu.memory_space<hbm>>
      %dma_wait3A_58 = arith.constant 0 : i32
      %dma_wait3A_59 = tpu.memref_slice %arg5[%add3A_42, %dma_wait3A_58] : memref<20000x128xf32, #tpu.memory_space<hbm>> -> memref<625x16xf32, #tpu.memory_space<hbm>>
      %dma_wait3A_60 = arith.constant 0 : i32
      %dma_wait3A_61 = arith.constant 0 : i32
      %dma_wait3A_62 = tpu.memref_slice %arg10[%dma_wait3A_60, %dma_wait3A_61] : memref<625x128xf32, #tpu.memory_space<vmem>> -> memref<625x16xf32, #tpu.memory_space<vmem>>
      tpu.wait_dma2 semaphore(%run_scoped3A : memref<!tpu.dma_semaphore, #tpu.memory_space<semaphore_mem>>) src(%dma_wait3A_62 : memref<625x16xf32, #tpu.memory_space<vmem>>) dst(%dma_wait3A_59 : memref<625x16xf32, #tpu.memory_space<hbm>>)
      tpu.yield
    }) : () -> ()
    return
  }
}

#map = affine_map<(d0, d1) -> (0, 0)>
#map1 = affine_map<(d0, d1) -> (0)>
module attributes {stable_mosaic.version = 14 : i64} {
  func.func @sk(%arg0: i32, %arg1: i32, %arg2: memref<320000x128xf32, #tpu.memory_space<hbm>>, %arg3: memref<320000xi32, #tpu.memory_space<hbm>>, %arg4: memref<625x128xf32, #tpu.memory_space<hbm>>, %arg5: memref<20000x128xf32, #tpu.memory_space<hbm>>, %arg6: memref<80xi32, #tpu.memory_space<vmem>>, %arg7: memref<80xi32, #tpu.memory_space<vmem>>, %arg8: memref<80x64xf32, #tpu.memory_space<vmem>>, %arg9: memref<80x64xf32, #tpu.memory_space<vmem>>, %arg10: memref<625x128xf32, #tpu.memory_space<vmem>>, %arg11: memref<10000x64xf32, #tpu.memory_space<vmem_shared>>, %arg12: memref<!tpu.dma_semaphore, #tpu.memory_space<semaphore_mem>>, %arg13: memref<!tpu.dma_semaphore, #tpu.memory_space<semaphore_mem>>, %arg14: memref<!tpu.dma_semaphore, #tpu.memory_space<semaphore_mem>>, %arg15: memref<!tpu.dma_semaphore, #tpu.memory_space<semaphore_mem>>) attributes {dimension_semantics = [#tpu.dimension_semantics<core_parallel>, #tpu.dimension_semantics<subcore_parallel>], iteration_bounds = array<i64: 2, 16>, scalar_prefetch = 0 : i64, scratch_operands = 10 : i64, tpu.core_type = #tpu.core_type<sc_vector_subcore>, window_params = [{transform_indices = #map}, {transform_indices = #map1}, {transform_indices = #map}, {transform_indices = #map}]} {
    %mul3A = arith.constant 16 : i32
    %mul3A_0 = arith.muli %arg0, %mul3A : i32
    %add3A = arith.addi %mul3A_0, %arg1 : i32
    %mul3A_1 = arith.constant 10000 : i32
    %mul3A_2 = arith.muli %add3A, %mul3A_1 : i32
    %mul3A_3 = arith.constant 625 : i32
    %mul3A_4 = arith.muli %arg1, %mul3A_3 : i32
    "tpu.region"() ({
      %run_scoped3A = tpu.sem_alloc : memref<!tpu.dma_semaphore, #tpu.memory_space<semaphore_mem>>
      tpu.enqueue_dma source(%arg4 : memref<625x128xf32, #tpu.memory_space<hbm>>) target(%arg10 : memref<625x128xf32, #tpu.memory_space<vmem>>) target_semaphore(%run_scoped3A : memref<!tpu.dma_semaphore, #tpu.memory_space<semaphore_mem>>)
      tpu.wait_dma2 semaphore(%run_scoped3A : memref<!tpu.dma_semaphore, #tpu.memory_space<semaphore_mem>>) src(%arg4 : memref<625x128xf32, #tpu.memory_space<hbm>>) dst(%arg10 : memref<625x128xf32, #tpu.memory_space<vmem>>)
      tpu.yield
    }) : () -> ()
    "tpu.region"() ({
      %run_scoped3A = tpu.sem_alloc : memref<!tpu.dma_semaphore, #tpu.memory_space<semaphore_mem>>
      %dma_start3A_85 = arith.constant 0 : i32
      %dma_start3A_86 = arith.constant 0 : i32
      %dma_start3A_87 = tpu.memref_slice %arg10[%dma_start3A_85, %dma_start3A_86] : memref<625x128xf32, #tpu.memory_space<vmem>> -> memref<625x64xf32, #tpu.memory_space<vmem>>
      %dma_start3A_88 = arith.constant 0 : i32
      %dma_start3A_89 = tpu.memref_slice %arg11[%mul3A_4, %dma_start3A_88] : memref<10000x64xf32, #tpu.memory_space<vmem_shared>> -> memref<625x64xf32, #tpu.memory_space<vmem_shared>>
      %dma_start3A_90 = arith.constant 0 : i32
      %dma_start3A_91 = tpu.memref_slice %arg11[%mul3A_4, %dma_start3A_90] : memref<10000x64xf32, #tpu.memory_space<vmem_shared>> -> memref<625x64xf32, #tpu.memory_space<vmem_shared>>
      %dma_start3A_92 = arith.constant 0 : i32
      %dma_start3A_93 = arith.constant 0 : i32
      %dma_start3A_94 = tpu.memref_slice %arg10[%dma_start3A_92, %dma_start3A_93] : memref<625x128xf32, #tpu.memory_space<vmem>> -> memref<625x64xf32, #tpu.memory_space<vmem>>
      tpu.enqueue_dma source(%dma_start3A_94 : memref<625x64xf32, #tpu.memory_space<vmem>>) target(%dma_start3A_91 : memref<625x64xf32, #tpu.memory_space<vmem_shared>>) target_semaphore(%run_scoped3A : memref<!tpu.dma_semaphore, #tpu.memory_space<semaphore_mem>>)
      %dma_wait3A_95 = arith.constant 0 : i32
      %dma_wait3A_96 = arith.constant 0 : i32
      %dma_wait3A_97 = tpu.memref_slice %arg10[%dma_wait3A_95, %dma_wait3A_96] : memref<625x128xf32, #tpu.memory_space<vmem>> -> memref<625x64xf32, #tpu.memory_space<vmem>>
      %dma_wait3A_98 = arith.constant 0 : i32
      %dma_wait3A_99 = tpu.memref_slice %arg11[%mul3A_4, %dma_wait3A_98] : memref<10000x64xf32, #tpu.memory_space<vmem_shared>> -> memref<625x64xf32, #tpu.memory_space<vmem_shared>>
      %dma_wait3A_100 = arith.constant 0 : i32
      %dma_wait3A_101 = tpu.memref_slice %arg11[%mul3A_4, %dma_wait3A_100] : memref<10000x64xf32, #tpu.memory_space<vmem_shared>> -> memref<625x64xf32, #tpu.memory_space<vmem_shared>>
      %dma_wait3A_102 = arith.constant 0 : i32
      %dma_wait3A_103 = arith.constant 0 : i32
      %dma_wait3A_104 = tpu.memref_slice %arg10[%dma_wait3A_102, %dma_wait3A_103] : memref<625x128xf32, #tpu.memory_space<vmem>> -> memref<625x64xf32, #tpu.memory_space<vmem>>
      tpu.wait_dma2 semaphore(%run_scoped3A : memref<!tpu.dma_semaphore, #tpu.memory_space<semaphore_mem>>) src(%dma_wait3A_104 : memref<625x64xf32, #tpu.memory_space<vmem>>) dst(%dma_wait3A_101 : memref<625x64xf32, #tpu.memory_space<vmem_shared>>)
      tpu.yield
    }) : () -> ()
    %barrier3A = arith.constant 0 : index
    tpu.barrier barrier_id(%barrier3A)
    %add3A_5 = arith.constant 0 : i32
    %add3A_6 = arith.addi %mul3A_2, %add3A_5 : i32
    %dma_start3A = tpu.memref_slice %arg3[%add3A_6] : memref<320000xi32, #tpu.memory_space<hbm>> -> memref<80xi32, #tpu.memory_space<hbm>>
    %dma_start3A_7 = tpu.memref_slice %arg3[%add3A_6] : memref<320000xi32, #tpu.memory_space<hbm>> -> memref<80xi32, #tpu.memory_space<hbm>>
    tpu.enqueue_dma source(%dma_start3A_7 : memref<80xi32, #tpu.memory_space<hbm>>) target(%arg6 : memref<80xi32, #tpu.memory_space<vmem>>) target_semaphore(%arg12 : memref<!tpu.dma_semaphore, #tpu.memory_space<semaphore_mem>>)
    %add3A_8 = arith.constant 0 : i32
    %add3A_9 = arith.addi %mul3A_2, %add3A_8 : i32
    %dma_start3A_10 = arith.constant 0 : i32
    %dma_start3A_11 = tpu.memref_slice %arg2[%add3A_9, %dma_start3A_10] : memref<320000x128xf32, #tpu.memory_space<hbm>> -> memref<80x64xf32, #tpu.memory_space<hbm>>
    %dma_start3A_12 = arith.constant 0 : i32
    %dma_start3A_13 = tpu.memref_slice %arg2[%add3A_9, %dma_start3A_12] : memref<320000x128xf32, #tpu.memory_space<hbm>> -> memref<80x64xf32, #tpu.memory_space<hbm>>
    tpu.enqueue_dma source(%dma_start3A_13 : memref<80x64xf32, #tpu.memory_space<hbm>>) target(%arg8 : memref<80x64xf32, #tpu.memory_space<vmem>>) target_semaphore(%arg12 : memref<!tpu.dma_semaphore, #tpu.memory_space<semaphore_mem>>)
    %scan3A = arith.constant 0 : i32
    %scan3A_14 = arith.constant 0 : i32
    %scan3A_15 = arith.constant 62 : i32
    %scan3A_16 = arith.addi %scan3A_14, %scan3A_15 : i32
    %scan3A_17 = arith.constant 1 : i32
    scf.for %scan3A_85 = %scan3A_14 to %scan3A_16 step %scan3A_17  : i32 {
      %mul3A_86 = arith.constant 2 : i32
      %mul3A_87 = arith.muli %mul3A_86, %scan3A_85 : i32
      %mul3A_88 = arith.constant 80 : i32
      %mul3A_89 = arith.muli %mul3A_87, %mul3A_88 : i32
      %add3A_90 = arith.addi %mul3A_2, %mul3A_89 : i32
      %dma_wait3A_91 = tpu.memref_slice %arg3[%add3A_90] : memref<320000xi32, #tpu.memory_space<hbm>> -> memref<80xi32, #tpu.memory_space<hbm>>
      %dma_wait3A_92 = tpu.memref_slice %arg3[%add3A_90] : memref<320000xi32, #tpu.memory_space<hbm>> -> memref<80xi32, #tpu.memory_space<hbm>>
      tpu.wait_dma2 semaphore(%arg12 : memref<!tpu.dma_semaphore, #tpu.memory_space<semaphore_mem>>) src(%dma_wait3A_92 : memref<80xi32, #tpu.memory_space<hbm>>) dst(%arg6 : memref<80xi32, #tpu.memory_space<vmem>>)
      %mul3A_93 = arith.constant 80 : i32
      %mul3A_94 = arith.muli %mul3A_87, %mul3A_93 : i32
      %add3A_95 = arith.addi %mul3A_2, %mul3A_94 : i32
      %dma_wait3A_96 = arith.constant 0 : i32
      %dma_wait3A_97 = tpu.memref_slice %arg2[%add3A_95, %dma_wait3A_96] : memref<320000x128xf32, #tpu.memory_space<hbm>> -> memref<80x64xf32, #tpu.memory_space<hbm>>
      %dma_wait3A_98 = arith.constant 0 : i32
      %dma_wait3A_99 = tpu.memref_slice %arg2[%add3A_95, %dma_wait3A_98] : memref<320000x128xf32, #tpu.memory_space<hbm>> -> memref<80x64xf32, #tpu.memory_space<hbm>>
      tpu.wait_dma2 semaphore(%arg12 : memref<!tpu.dma_semaphore, #tpu.memory_space<semaphore_mem>>) src(%dma_wait3A_99 : memref<80x64xf32, #tpu.memory_space<hbm>>) dst(%arg8 : memref<80x64xf32, #tpu.memory_space<vmem>>)
      %dma_start3A_100 = arith.constant 0 : i32
      %dma_start3A_101 = arith.constant 0 : i32
      %dma_start3A_102 = tpu.memref_slice %arg11[%dma_start3A_100, %dma_start3A_101] : memref<10000x64xf32, #tpu.memory_space<vmem_shared>> -> memref<10000x64xf32, #tpu.memory_space<vmem_shared>>
      tpu.enqueue_indirect_dma source(%arg8 : memref<80x64xf32, #tpu.memory_space<vmem>>) target(%dma_start3A_102 : memref<10000x64xf32, #tpu.memory_space<vmem_shared>>) offsets(%arg6 : memref<80xi32, #tpu.memory_space<vmem>>) semaphore(%arg14 : memref<!tpu.dma_semaphore, #tpu.memory_space<semaphore_mem>>) {add = true}
      %gt3A = arith.constant 0 : i32
      %gt3A_103 = arith.cmpi sgt, %scan3A_85, %gt3A : i32
      %convert_element_type3A = arith.extui %gt3A_103 : i1 to i32
      %cond3A = arith.constant 0 : i32
      %cond3A_104 = arith.cmpi ne, %convert_element_type3A, %cond3A : i32
      scf.if %cond3A_104 {
        %dma_wait3A_153 = arith.constant 0 : i32
        %dma_wait3A_154 = arith.constant 0 : i32
        %dma_wait3A_155 = tpu.memref_slice %arg11[%dma_wait3A_153, %dma_wait3A_154] : memref<10000x64xf32, #tpu.memory_space<vmem_shared>> -> memref<10000x64xf32, #tpu.memory_space<vmem_shared>>
        tpu.wait_indirect_dma semaphore(%arg15 : memref<!tpu.dma_semaphore, #tpu.memory_space<semaphore_mem>>) src(%arg9 : memref<80x64xf32, #tpu.memory_space<vmem>>) dst(%dma_wait3A_155 : memref<10000x64xf32, #tpu.memory_space<vmem_shared>>)
      } else {
      }
      %add3A_105 = arith.constant 1 : i32
      %add3A_106 = arith.addi %mul3A_87, %add3A_105 : i32
      %mul3A_107 = arith.constant 80 : i32
      %mul3A_108 = arith.muli %add3A_106, %mul3A_107 : i32
      %add3A_109 = arith.addi %mul3A_2, %mul3A_108 : i32
      %dma_start3A_110 = tpu.memref_slice %arg3[%add3A_109] : memref<320000xi32, #tpu.memory_space<hbm>> -> memref<80xi32, #tpu.memory_space<hbm>>
      %dma_start3A_111 = tpu.memref_slice %arg3[%add3A_109] : memref<320000xi32, #tpu.memory_space<hbm>> -> memref<80xi32, #tpu.memory_space<hbm>>
      tpu.enqueue_dma source(%dma_start3A_111 : memref<80xi32, #tpu.memory_space<hbm>>) target(%arg7 : memref<80xi32, #tpu.memory_space<vmem>>) target_semaphore(%arg13 : memref<!tpu.dma_semaphore, #tpu.memory_space<semaphore_mem>>)
      %mul3A_112 = arith.constant 80 : i32
      %mul3A_113 = arith.muli %add3A_106, %mul3A_112 : i32
      %add3A_114 = arith.addi %mul3A_2, %mul3A_113 : i32
      %dma_start3A_115 = arith.constant 0 : i32
      %dma_start3A_116 = tpu.memref_slice %arg2[%add3A_114, %dma_start3A_115] : memref<320000x128xf32, #tpu.memory_space<hbm>> -> memref<80x64xf32, #tpu.memory_space<hbm>>
      %dma_start3A_117 = arith.constant 0 : i32
      %dma_start3A_118 = tpu.memref_slice %arg2[%add3A_114, %dma_start3A_117] : memref<320000x128xf32, #tpu.memory_space<hbm>> -> memref<80x64xf32, #tpu.memory_space<hbm>>
      tpu.enqueue_dma source(%dma_start3A_118 : memref<80x64xf32, #tpu.memory_space<hbm>>) target(%arg9 : memref<80x64xf32, #tpu.memory_space<vmem>>) target_semaphore(%arg13 : memref<!tpu.dma_semaphore, #tpu.memory_space<semaphore_mem>>)
      %add3A_119 = arith.constant 1 : i32
      %add3A_120 = arith.addi %mul3A_87, %add3A_119 : i32
      %mul3A_121 = arith.constant 80 : i32
      %mul3A_122 = arith.muli %add3A_120, %mul3A_121 : i32
      %add3A_123 = arith.addi %mul3A_2, %mul3A_122 : i32
      %dma_wait3A_124 = tpu.memref_slice %arg3[%add3A_123] : memref<320000xi32, #tpu.memory_space<hbm>> -> memref<80xi32, #tpu.memory_space<hbm>>
      %dma_wait3A_125 = tpu.memref_slice %arg3[%add3A_123] : memref<320000xi32, #tpu.memory_space<hbm>> -> memref<80xi32, #tpu.memory_space<hbm>>
      tpu.wait_dma2 semaphore(%arg13 : memref<!tpu.dma_semaphore, #tpu.memory_space<semaphore_mem>>) src(%dma_wait3A_125 : memref<80xi32, #tpu.memory_space<hbm>>) dst(%arg7 : memref<80xi32, #tpu.memory_space<vmem>>)
      %mul3A_126 = arith.constant 80 : i32
      %mul3A_127 = arith.muli %add3A_120, %mul3A_126 : i32
      %add3A_128 = arith.addi %mul3A_2, %mul3A_127 : i32
      %dma_wait3A_129 = arith.constant 0 : i32
      %dma_wait3A_130 = tpu.memref_slice %arg2[%add3A_128, %dma_wait3A_129] : memref<320000x128xf32, #tpu.memory_space<hbm>> -> memref<80x64xf32, #tpu.memory_space<hbm>>
      %dma_wait3A_131 = arith.constant 0 : i32
      %dma_wait3A_132 = tpu.memref_slice %arg2[%add3A_128, %dma_wait3A_131] : memref<320000x128xf32, #tpu.memory_space<hbm>> -> memref<80x64xf32, #tpu.memory_space<hbm>>
      tpu.wait_dma2 semaphore(%arg13 : memref<!tpu.dma_semaphore, #tpu.memory_space<semaphore_mem>>) src(%dma_wait3A_132 : memref<80x64xf32, #tpu.memory_space<hbm>>) dst(%arg9 : memref<80x64xf32, #tpu.memory_space<vmem>>)
      %dma_start3A_133 = arith.constant 0 : i32
      %dma_start3A_134 = arith.constant 0 : i32
      %dma_start3A_135 = tpu.memref_slice %arg11[%dma_start3A_133, %dma_start3A_134] : memref<10000x64xf32, #tpu.memory_space<vmem_shared>> -> memref<10000x64xf32, #tpu.memory_space<vmem_shared>>
      tpu.enqueue_indirect_dma source(%arg9 : memref<80x64xf32, #tpu.memory_space<vmem>>) target(%dma_start3A_135 : memref<10000x64xf32, #tpu.memory_space<vmem_shared>>) offsets(%arg7 : memref<80xi32, #tpu.memory_space<vmem>>) semaphore(%arg15 : memref<!tpu.dma_semaphore, #tpu.memory_space<semaphore_mem>>) {add = true}
      %dma_wait3A_136 = arith.constant 0 : i32
      %dma_wait3A_137 = arith.constant 0 : i32
      %dma_wait3A_138 = tpu.memref_slice %arg11[%dma_wait3A_136, %dma_wait3A_137] : memref<10000x64xf32, #tpu.memory_space<vmem_shared>> -> memref<10000x64xf32, #tpu.memory_space<vmem_shared>>
      tpu.wait_indirect_dma semaphore(%arg14 : memref<!tpu.dma_semaphore, #tpu.memory_space<semaphore_mem>>) src(%arg8 : memref<80x64xf32, #tpu.memory_space<vmem>>) dst(%dma_wait3A_138 : memref<10000x64xf32, #tpu.memory_space<vmem_shared>>)
      %add3A_139 = arith.constant 2 : i32
      %add3A_140 = arith.addi %mul3A_87, %add3A_139 : i32
      %mul3A_141 = arith.constant 80 : i32
      %mul3A_142 = arith.muli %add3A_140, %mul3A_141 : i32
      %add3A_143 = arith.addi %mul3A_2, %mul3A_142 : i32
      %dma_start3A_144 = tpu.memref_slice %arg3[%add3A_143] : memref<320000xi32, #tpu.memory_space<hbm>> -> memref<80xi32, #tpu.memory_space<hbm>>
      %dma_start3A_145 = tpu.memref_slice %arg3[%add3A_143] : memref<320000xi32, #tpu.memory_space<hbm>> -> memref<80xi32, #tpu.memory_space<hbm>>
      tpu.enqueue_dma source(%dma_start3A_145 : memref<80xi32, #tpu.memory_space<hbm>>) target(%arg6 : memref<80xi32, #tpu.memory_space<vmem>>) target_semaphore(%arg12 : memref<!tpu.dma_semaphore, #tpu.memory_space<semaphore_mem>>)
      %mul3A_146 = arith.constant 80 : i32
      %mul3A_147 = arith.muli %add3A_140, %mul3A_146 : i32
      %add3A_148 = arith.addi %mul3A_2, %mul3A_147 : i32
      %dma_start3A_149 = arith.constant 0 : i32
      %dma_start3A_150 = tpu.memref_slice %arg2[%add3A_148, %dma_start3A_149] : memref<320000x128xf32, #tpu.memory_space<hbm>> -> memref<80x64xf32, #tpu.memory_space<hbm>>
      %dma_start3A_151 = arith.constant 0 : i32
      %dma_start3A_152 = tpu.memref_slice %arg2[%add3A_148, %dma_start3A_151] : memref<320000x128xf32, #tpu.memory_space<hbm>> -> memref<80x64xf32, #tpu.memory_space<hbm>>
      tpu.enqueue_dma source(%dma_start3A_152 : memref<80x64xf32, #tpu.memory_space<hbm>>) target(%arg8 : memref<80x64xf32, #tpu.memory_space<vmem>>) target_semaphore(%arg12 : memref<!tpu.dma_semaphore, #tpu.memory_space<semaphore_mem>>)
    }
    %scan3A_18 = arith.constant 62 : i32
    %add3A_19 = arith.constant 9920 : i32
    %add3A_20 = arith.addi %mul3A_2, %add3A_19 : i32
    %dma_wait3A = tpu.memref_slice %arg3[%add3A_20] : memref<320000xi32, #tpu.memory_space<hbm>> -> memref<80xi32, #tpu.memory_space<hbm>>
    %dma_wait3A_21 = tpu.memref_slice %arg3[%add3A_20] : memref<320000xi32, #tpu.memory_space<hbm>> -> memref<80xi32, #tpu.memory_space<hbm>>
    tpu.wait_dma2 semaphore(%arg12 : memref<!tpu.dma_semaphore, #tpu.memory_space<semaphore_mem>>) src(%dma_wait3A_21 : memref<80xi32, #tpu.memory_space<hbm>>) dst(%arg6 : memref<80xi32, #tpu.memory_space<vmem>>)
    %add3A_22 = arith.constant 9920 : i32
    %add3A_23 = arith.addi %mul3A_2, %add3A_22 : i32
    %dma_wait3A_24 = arith.constant 0 : i32
    %dma_wait3A_25 = tpu.memref_slice %arg2[%add3A_23, %dma_wait3A_24] : memref<320000x128xf32, #tpu.memory_space<hbm>> -> memref<80x64xf32, #tpu.memory_space<hbm>>
    %dma_wait3A_26 = arith.constant 0 : i32
    %dma_wait3A_27 = tpu.memref_slice %arg2[%add3A_23, %dma_wait3A_26] : memref<320000x128xf32, #tpu.memory_space<hbm>> -> memref<80x64xf32, #tpu.memory_space<hbm>>
    tpu.wait_dma2 semaphore(%arg12 : memref<!tpu.dma_semaphore, #tpu.memory_space<semaphore_mem>>) src(%dma_wait3A_27 : memref<80x64xf32, #tpu.memory_space<hbm>>) dst(%arg8 : memref<80x64xf32, #tpu.memory_space<vmem>>)
    %dma_start3A_28 = arith.constant 0 : i32
    %dma_start3A_29 = arith.constant 0 : i32
    %dma_start3A_30 = tpu.memref_slice %arg11[%dma_start3A_28, %dma_start3A_29] : memref<10000x64xf32, #tpu.memory_space<vmem_shared>> -> memref<10000x64xf32, #tpu.memory_space<vmem_shared>>
    tpu.enqueue_indirect_dma source(%arg8 : memref<80x64xf32, #tpu.memory_space<vmem>>) target(%dma_start3A_30 : memref<10000x64xf32, #tpu.memory_space<vmem_shared>>) offsets(%arg6 : memref<80xi32, #tpu.memory_space<vmem>>) semaphore(%arg14 : memref<!tpu.dma_semaphore, #tpu.memory_space<semaphore_mem>>) {add = true}
    %dma_wait3A_31 = arith.constant 0 : i32
    %dma_wait3A_32 = arith.constant 0 : i32
    %dma_wait3A_33 = tpu.memref_slice %arg11[%dma_wait3A_31, %dma_wait3A_32] : memref<10000x64xf32, #tpu.memory_space<vmem_shared>> -> memref<10000x64xf32, #tpu.memory_space<vmem_shared>>
    tpu.wait_indirect_dma semaphore(%arg15 : memref<!tpu.dma_semaphore, #tpu.memory_space<semaphore_mem>>) src(%arg9 : memref<80x64xf32, #tpu.memory_space<vmem>>) dst(%dma_wait3A_33 : memref<10000x64xf32, #tpu.memory_space<vmem_shared>>)
    %dma_wait3A_34 = arith.constant 0 : i32
    %dma_wait3A_35 = arith.constant 0 : i32
    %dma_wait3A_36 = tpu.memref_slice %arg11[%dma_wait3A_34, %dma_wait3A_35] : memref<10000x64xf32, #tpu.memory_space<vmem_shared>> -> memref<10000x64xf32, #tpu.memory_space<vmem_shared>>
    tpu.wait_indirect_dma semaphore(%arg14 : memref<!tpu.dma_semaphore, #tpu.memory_space<semaphore_mem>>) src(%arg8 : memref<80x64xf32, #tpu.memory_space<vmem>>) dst(%dma_wait3A_36 : memref<10000x64xf32, #tpu.memory_space<vmem_shared>>)
    %barrier3A_37 = arith.constant 0 : index
    tpu.barrier barrier_id(%barrier3A_37)
    "tpu.region"() ({
      %run_scoped3A = tpu.sem_alloc : memref<!tpu.dma_semaphore, #tpu.memory_space<semaphore_mem>>
      %dma_start3A_85 = arith.constant 0 : i32
      %dma_start3A_86 = arith.constant 0 : i32
      %dma_start3A_87 = tpu.memref_slice %arg10[%dma_start3A_85, %dma_start3A_86] : memref<625x128xf32, #tpu.memory_space<vmem>> -> memref<625x64xf32, #tpu.memory_space<vmem>>
      %dma_start3A_88 = arith.constant 0 : i32
      %dma_start3A_89 = tpu.memref_slice %arg11[%mul3A_4, %dma_start3A_88] : memref<10000x64xf32, #tpu.memory_space<vmem_shared>> -> memref<625x64xf32, #tpu.memory_space<vmem_shared>>
      %dma_start3A_90 = arith.constant 0 : i32
      %dma_start3A_91 = arith.constant 0 : i32
      %dma_start3A_92 = tpu.memref_slice %arg10[%dma_start3A_90, %dma_start3A_91] : memref<625x128xf32, #tpu.memory_space<vmem>> -> memref<625x64xf32, #tpu.memory_space<vmem>>
      %dma_start3A_93 = arith.constant 0 : i32
      %dma_start3A_94 = tpu.memref_slice %arg11[%mul3A_4, %dma_start3A_93] : memref<10000x64xf32, #tpu.memory_space<vmem_shared>> -> memref<625x64xf32, #tpu.memory_space<vmem_shared>>
      tpu.enqueue_dma source(%dma_start3A_94 : memref<625x64xf32, #tpu.memory_space<vmem_shared>>) target(%dma_start3A_92 : memref<625x64xf32, #tpu.memory_space<vmem>>) target_semaphore(%run_scoped3A : memref<!tpu.dma_semaphore, #tpu.memory_space<semaphore_mem>>)
      %dma_wait3A_95 = arith.constant 0 : i32
      %dma_wait3A_96 = arith.constant 0 : i32
      %dma_wait3A_97 = tpu.memref_slice %arg10[%dma_wait3A_95, %dma_wait3A_96] : memref<625x128xf32, #tpu.memory_space<vmem>> -> memref<625x64xf32, #tpu.memory_space<vmem>>
      %dma_wait3A_98 = arith.constant 0 : i32
      %dma_wait3A_99 = tpu.memref_slice %arg11[%mul3A_4, %dma_wait3A_98] : memref<10000x64xf32, #tpu.memory_space<vmem_shared>> -> memref<625x64xf32, #tpu.memory_space<vmem_shared>>
      %dma_wait3A_100 = arith.constant 0 : i32
      %dma_wait3A_101 = arith.constant 0 : i32
      %dma_wait3A_102 = tpu.memref_slice %arg10[%dma_wait3A_100, %dma_wait3A_101] : memref<625x128xf32, #tpu.memory_space<vmem>> -> memref<625x64xf32, #tpu.memory_space<vmem>>
      %dma_wait3A_103 = arith.constant 0 : i32
      %dma_wait3A_104 = tpu.memref_slice %arg11[%mul3A_4, %dma_wait3A_103] : memref<10000x64xf32, #tpu.memory_space<vmem_shared>> -> memref<625x64xf32, #tpu.memory_space<vmem_shared>>
      tpu.wait_dma2 semaphore(%run_scoped3A : memref<!tpu.dma_semaphore, #tpu.memory_space<semaphore_mem>>) src(%dma_wait3A_104 : memref<625x64xf32, #tpu.memory_space<vmem_shared>>) dst(%dma_wait3A_102 : memref<625x64xf32, #tpu.memory_space<vmem>>)
      tpu.yield
    }) : () -> ()
    %mul3A_38 = arith.constant 10000 : i32
    %mul3A_39 = arith.muli %arg0, %mul3A_38 : i32
    %mul3A_40 = arith.constant 625 : i32
    %mul3A_41 = arith.muli %arg1, %mul3A_40 : i32
    %add3A_42 = arith.addi %mul3A_39, %mul3A_41 : i32
    "tpu.region"() ({
      %run_scoped3A = tpu.sem_alloc : memref<!tpu.dma_semaphore, #tpu.memory_space<semaphore_mem>>
      %dma_start3A_85 = arith.constant 0 : i32
      %dma_start3A_86 = arith.constant 0 : i32
      %dma_start3A_87 = tpu.memref_slice %arg10[%dma_start3A_85, %dma_start3A_86] : memref<625x128xf32, #tpu.memory_space<vmem>> -> memref<625x64xf32, #tpu.memory_space<vmem>>
      %dma_start3A_88 = arith.constant 0 : i32
      %dma_start3A_89 = tpu.memref_slice %arg5[%add3A_42, %dma_start3A_88] : memref<20000x128xf32, #tpu.memory_space<hbm>> -> memref<625x64xf32, #tpu.memory_space<hbm>>
      %dma_start3A_90 = arith.constant 0 : i32
      %dma_start3A_91 = tpu.memref_slice %arg5[%add3A_42, %dma_start3A_90] : memref<20000x128xf32, #tpu.memory_space<hbm>> -> memref<625x64xf32, #tpu.memory_space<hbm>>
      %dma_start3A_92 = arith.constant 0 : i32
      %dma_start3A_93 = arith.constant 0 : i32
      %dma_start3A_94 = tpu.memref_slice %arg10[%dma_start3A_92, %dma_start3A_93] : memref<625x128xf32, #tpu.memory_space<vmem>> -> memref<625x64xf32, #tpu.memory_space<vmem>>
      tpu.enqueue_dma source(%dma_start3A_94 : memref<625x64xf32, #tpu.memory_space<vmem>>) target(%dma_start3A_91 : memref<625x64xf32, #tpu.memory_space<hbm>>) target_semaphore(%run_scoped3A : memref<!tpu.dma_semaphore, #tpu.memory_space<semaphore_mem>>)
      %dma_wait3A_95 = arith.constant 0 : i32
      %dma_wait3A_96 = arith.constant 0 : i32
      %dma_wait3A_97 = tpu.memref_slice %arg10[%dma_wait3A_95, %dma_wait3A_96] : memref<625x128xf32, #tpu.memory_space<vmem>> -> memref<625x64xf32, #tpu.memory_space<vmem>>
      %dma_wait3A_98 = arith.constant 0 : i32
      %dma_wait3A_99 = tpu.memref_slice %arg5[%add3A_42, %dma_wait3A_98] : memref<20000x128xf32, #tpu.memory_space<hbm>> -> memref<625x64xf32, #tpu.memory_space<hbm>>
      %dma_wait3A_100 = arith.constant 0 : i32
      %dma_wait3A_101 = tpu.memref_slice %arg5[%add3A_42, %dma_wait3A_100] : memref<20000x128xf32, #tpu.memory_space<hbm>> -> memref<625x64xf32, #tpu.memory_space<hbm>>
      %dma_wait3A_102 = arith.constant 0 : i32
      %dma_wait3A_103 = arith.constant 0 : i32
      %dma_wait3A_104 = tpu.memref_slice %arg10[%dma_wait3A_102, %dma_wait3A_103] : memref<625x128xf32, #tpu.memory_space<vmem>> -> memref<625x64xf32, #tpu.memory_space<vmem>>
      tpu.wait_dma2 semaphore(%run_scoped3A : memref<!tpu.dma_semaphore, #tpu.memory_space<semaphore_mem>>) src(%dma_wait3A_104 : memref<625x64xf32, #tpu.memory_space<vmem>>) dst(%dma_wait3A_101 : memref<625x64xf32, #tpu.memory_space<hbm>>)
      tpu.yield
    }) : () -> ()
    "tpu.region"() ({
      %run_scoped3A = tpu.sem_alloc : memref<!tpu.dma_semaphore, #tpu.memory_space<semaphore_mem>>
      tpu.enqueue_dma source(%arg4 : memref<625x128xf32, #tpu.memory_space<hbm>>) target(%arg10 : memref<625x128xf32, #tpu.memory_space<vmem>>) target_semaphore(%run_scoped3A : memref<!tpu.dma_semaphore, #tpu.memory_space<semaphore_mem>>)
      tpu.wait_dma2 semaphore(%run_scoped3A : memref<!tpu.dma_semaphore, #tpu.memory_space<semaphore_mem>>) src(%arg4 : memref<625x128xf32, #tpu.memory_space<hbm>>) dst(%arg10 : memref<625x128xf32, #tpu.memory_space<vmem>>)
      tpu.yield
    }) : () -> ()
    "tpu.region"() ({
      %run_scoped3A = tpu.sem_alloc : memref<!tpu.dma_semaphore, #tpu.memory_space<semaphore_mem>>
      %dma_start3A_85 = arith.constant 0 : i32
      %dma_start3A_86 = arith.constant 0 : i32
      %dma_start3A_87 = tpu.memref_slice %arg10[%dma_start3A_85, %dma_start3A_86] : memref<625x128xf32, #tpu.memory_space<vmem>> -> memref<625x64xf32, #tpu.memory_space<vmem>>
      %dma_start3A_88 = arith.constant 0 : i32
      %dma_start3A_89 = tpu.memref_slice %arg11[%mul3A_4, %dma_start3A_88] : memref<10000x64xf32, #tpu.memory_space<vmem_shared>> -> memref<625x64xf32, #tpu.memory_space<vmem_shared>>
      %dma_start3A_90 = arith.constant 0 : i32
      %dma_start3A_91 = tpu.memref_slice %arg11[%mul3A_4, %dma_start3A_90] : memref<10000x64xf32, #tpu.memory_space<vmem_shared>> -> memref<625x64xf32, #tpu.memory_space<vmem_shared>>
      %dma_start3A_92 = arith.constant 0 : i32
      %dma_start3A_93 = arith.constant 0 : i32
      %dma_start3A_94 = tpu.memref_slice %arg10[%dma_start3A_92, %dma_start3A_93] : memref<625x128xf32, #tpu.memory_space<vmem>> -> memref<625x64xf32, #tpu.memory_space<vmem>>
      tpu.enqueue_dma source(%dma_start3A_94 : memref<625x64xf32, #tpu.memory_space<vmem>>) target(%dma_start3A_91 : memref<625x64xf32, #tpu.memory_space<vmem_shared>>) target_semaphore(%run_scoped3A : memref<!tpu.dma_semaphore, #tpu.memory_space<semaphore_mem>>)
      %dma_wait3A_95 = arith.constant 0 : i32
      %dma_wait3A_96 = arith.constant 0 : i32
      %dma_wait3A_97 = tpu.memref_slice %arg10[%dma_wait3A_95, %dma_wait3A_96] : memref<625x128xf32, #tpu.memory_space<vmem>> -> memref<625x64xf32, #tpu.memory_space<vmem>>
      %dma_wait3A_98 = arith.constant 0 : i32
      %dma_wait3A_99 = tpu.memref_slice %arg11[%mul3A_4, %dma_wait3A_98] : memref<10000x64xf32, #tpu.memory_space<vmem_shared>> -> memref<625x64xf32, #tpu.memory_space<vmem_shared>>
      %dma_wait3A_100 = arith.constant 0 : i32
      %dma_wait3A_101 = tpu.memref_slice %arg11[%mul3A_4, %dma_wait3A_100] : memref<10000x64xf32, #tpu.memory_space<vmem_shared>> -> memref<625x64xf32, #tpu.memory_space<vmem_shared>>
      %dma_wait3A_102 = arith.constant 0 : i32
      %dma_wait3A_103 = arith.constant 0 : i32
      %dma_wait3A_104 = tpu.memref_slice %arg10[%dma_wait3A_102, %dma_wait3A_103] : memref<625x128xf32, #tpu.memory_space<vmem>> -> memref<625x64xf32, #tpu.memory_space<vmem>>
      tpu.wait_dma2 semaphore(%run_scoped3A : memref<!tpu.dma_semaphore, #tpu.memory_space<semaphore_mem>>) src(%dma_wait3A_104 : memref<625x64xf32, #tpu.memory_space<vmem>>) dst(%dma_wait3A_101 : memref<625x64xf32, #tpu.memory_space<vmem_shared>>)
      tpu.yield
    }) : () -> ()
    %barrier3A_43 = arith.constant 0 : index
    tpu.barrier barrier_id(%barrier3A_43)
    %add3A_44 = arith.constant 0 : i32
    %add3A_45 = arith.addi %mul3A_2, %add3A_44 : i32
    %dma_start3A_46 = tpu.memref_slice %arg3[%add3A_45] : memref<320000xi32, #tpu.memory_space<hbm>> -> memref<80xi32, #tpu.memory_space<hbm>>
    %dma_start3A_47 = tpu.memref_slice %arg3[%add3A_45] : memref<320000xi32, #tpu.memory_space<hbm>> -> memref<80xi32, #tpu.memory_space<hbm>>
    tpu.enqueue_dma source(%dma_start3A_47 : memref<80xi32, #tpu.memory_space<hbm>>) target(%arg6 : memref<80xi32, #tpu.memory_space<vmem>>) target_semaphore(%arg12 : memref<!tpu.dma_semaphore, #tpu.memory_space<semaphore_mem>>)
    %add3A_48 = arith.constant 0 : i32
    %add3A_49 = arith.addi %mul3A_2, %add3A_48 : i32
    %dma_start3A_50 = arith.constant 64 : i32
    %dma_start3A_51 = tpu.memref_slice %arg2[%add3A_49, %dma_start3A_50] : memref<320000x128xf32, #tpu.memory_space<hbm>> -> memref<80x64xf32, #tpu.memory_space<hbm>>
    %dma_start3A_52 = arith.constant 64 : i32
    %dma_start3A_53 = tpu.memref_slice %arg2[%add3A_49, %dma_start3A_52] : memref<320000x128xf32, #tpu.memory_space<hbm>> -> memref<80x64xf32, #tpu.memory_space<hbm>>
    tpu.enqueue_dma source(%dma_start3A_53 : memref<80x64xf32, #tpu.memory_space<hbm>>) target(%arg8 : memref<80x64xf32, #tpu.memory_space<vmem>>) target_semaphore(%arg12 : memref<!tpu.dma_semaphore, #tpu.memory_space<semaphore_mem>>)
    %scan3A_54 = arith.constant 0 : i32
    %scan3A_55 = arith.constant 0 : i32
    %scan3A_56 = arith.constant 62 : i32
    %scan3A_57 = arith.addi %scan3A_55, %scan3A_56 : i32
    %scan3A_58 = arith.constant 1 : i32
    scf.for %scan3A_85 = %scan3A_55 to %scan3A_57 step %scan3A_58  : i32 {
      %mul3A_86 = arith.constant 2 : i32
      %mul3A_87 = arith.muli %mul3A_86, %scan3A_85 : i32
      %mul3A_88 = arith.constant 80 : i32
      %mul3A_89 = arith.muli %mul3A_87, %mul3A_88 : i32
      %add3A_90 = arith.addi %mul3A_2, %mul3A_89 : i32
      %dma_wait3A_91 = tpu.memref_slice %arg3[%add3A_90] : memref<320000xi32, #tpu.memory_space<hbm>> -> memref<80xi32, #tpu.memory_space<hbm>>
      %dma_wait3A_92 = tpu.memref_slice %arg3[%add3A_90] : memref<320000xi32, #tpu.memory_space<hbm>> -> memref<80xi32, #tpu.memory_space<hbm>>
      tpu.wait_dma2 semaphore(%arg12 : memref<!tpu.dma_semaphore, #tpu.memory_space<semaphore_mem>>) src(%dma_wait3A_92 : memref<80xi32, #tpu.memory_space<hbm>>) dst(%arg6 : memref<80xi32, #tpu.memory_space<vmem>>)
      %mul3A_93 = arith.constant 80 : i32
      %mul3A_94 = arith.muli %mul3A_87, %mul3A_93 : i32
      %add3A_95 = arith.addi %mul3A_2, %mul3A_94 : i32
      %dma_wait3A_96 = arith.constant 64 : i32
      %dma_wait3A_97 = tpu.memref_slice %arg2[%add3A_95, %dma_wait3A_96] : memref<320000x128xf32, #tpu.memory_space<hbm>> -> memref<80x64xf32, #tpu.memory_space<hbm>>
      %dma_wait3A_98 = arith.constant 64 : i32
      %dma_wait3A_99 = tpu.memref_slice %arg2[%add3A_95, %dma_wait3A_98] : memref<320000x128xf32, #tpu.memory_space<hbm>> -> memref<80x64xf32, #tpu.memory_space<hbm>>
      tpu.wait_dma2 semaphore(%arg12 : memref<!tpu.dma_semaphore, #tpu.memory_space<semaphore_mem>>) src(%dma_wait3A_99 : memref<80x64xf32, #tpu.memory_space<hbm>>) dst(%arg8 : memref<80x64xf32, #tpu.memory_space<vmem>>)
      %dma_start3A_100 = arith.constant 0 : i32
      %dma_start3A_101 = arith.constant 0 : i32
      %dma_start3A_102 = tpu.memref_slice %arg11[%dma_start3A_100, %dma_start3A_101] : memref<10000x64xf32, #tpu.memory_space<vmem_shared>> -> memref<10000x64xf32, #tpu.memory_space<vmem_shared>>
      tpu.enqueue_indirect_dma source(%arg8 : memref<80x64xf32, #tpu.memory_space<vmem>>) target(%dma_start3A_102 : memref<10000x64xf32, #tpu.memory_space<vmem_shared>>) offsets(%arg6 : memref<80xi32, #tpu.memory_space<vmem>>) semaphore(%arg14 : memref<!tpu.dma_semaphore, #tpu.memory_space<semaphore_mem>>) {add = true}
      %gt3A = arith.constant 0 : i32
      %gt3A_103 = arith.cmpi sgt, %scan3A_85, %gt3A : i32
      %convert_element_type3A = arith.extui %gt3A_103 : i1 to i32
      %cond3A = arith.constant 0 : i32
      %cond3A_104 = arith.cmpi ne, %convert_element_type3A, %cond3A : i32
      scf.if %cond3A_104 {
        %dma_wait3A_153 = arith.constant 0 : i32
        %dma_wait3A_154 = arith.constant 0 : i32
        %dma_wait3A_155 = tpu.memref_slice %arg11[%dma_wait3A_153, %dma_wait3A_154] : memref<10000x64xf32, #tpu.memory_space<vmem_shared>> -> memref<10000x64xf32, #tpu.memory_space<vmem_shared>>
        tpu.wait_indirect_dma semaphore(%arg15 : memref<!tpu.dma_semaphore, #tpu.memory_space<semaphore_mem>>) src(%arg9 : memref<80x64xf32, #tpu.memory_space<vmem>>) dst(%dma_wait3A_155 : memref<10000x64xf32, #tpu.memory_space<vmem_shared>>)
      } else {
      }
      %add3A_105 = arith.constant 1 : i32
      %add3A_106 = arith.addi %mul3A_87, %add3A_105 : i32
      %mul3A_107 = arith.constant 80 : i32
      %mul3A_108 = arith.muli %add3A_106, %mul3A_107 : i32
      %add3A_109 = arith.addi %mul3A_2, %mul3A_108 : i32
      %dma_start3A_110 = tpu.memref_slice %arg3[%add3A_109] : memref<320000xi32, #tpu.memory_space<hbm>> -> memref<80xi32, #tpu.memory_space<hbm>>
      %dma_start3A_111 = tpu.memref_slice %arg3[%add3A_109] : memref<320000xi32, #tpu.memory_space<hbm>> -> memref<80xi32, #tpu.memory_space<hbm>>
      tpu.enqueue_dma source(%dma_start3A_111 : memref<80xi32, #tpu.memory_space<hbm>>) target(%arg7 : memref<80xi32, #tpu.memory_space<vmem>>) target_semaphore(%arg13 : memref<!tpu.dma_semaphore, #tpu.memory_space<semaphore_mem>>)
      %mul3A_112 = arith.constant 80 : i32
      %mul3A_113 = arith.muli %add3A_106, %mul3A_112 : i32
      %add3A_114 = arith.addi %mul3A_2, %mul3A_113 : i32
      %dma_start3A_115 = arith.constant 64 : i32
      %dma_start3A_116 = tpu.memref_slice %arg2[%add3A_114, %dma_start3A_115] : memref<320000x128xf32, #tpu.memory_space<hbm>> -> memref<80x64xf32, #tpu.memory_space<hbm>>
      %dma_start3A_117 = arith.constant 64 : i32
      %dma_start3A_118 = tpu.memref_slice %arg2[%add3A_114, %dma_start3A_117] : memref<320000x128xf32, #tpu.memory_space<hbm>> -> memref<80x64xf32, #tpu.memory_space<hbm>>
      tpu.enqueue_dma source(%dma_start3A_118 : memref<80x64xf32, #tpu.memory_space<hbm>>) target(%arg9 : memref<80x64xf32, #tpu.memory_space<vmem>>) target_semaphore(%arg13 : memref<!tpu.dma_semaphore, #tpu.memory_space<semaphore_mem>>)
      %add3A_119 = arith.constant 1 : i32
      %add3A_120 = arith.addi %mul3A_87, %add3A_119 : i32
      %mul3A_121 = arith.constant 80 : i32
      %mul3A_122 = arith.muli %add3A_120, %mul3A_121 : i32
      %add3A_123 = arith.addi %mul3A_2, %mul3A_122 : i32
      %dma_wait3A_124 = tpu.memref_slice %arg3[%add3A_123] : memref<320000xi32, #tpu.memory_space<hbm>> -> memref<80xi32, #tpu.memory_space<hbm>>
      %dma_wait3A_125 = tpu.memref_slice %arg3[%add3A_123] : memref<320000xi32, #tpu.memory_space<hbm>> -> memref<80xi32, #tpu.memory_space<hbm>>
      tpu.wait_dma2 semaphore(%arg13 : memref<!tpu.dma_semaphore, #tpu.memory_space<semaphore_mem>>) src(%dma_wait3A_125 : memref<80xi32, #tpu.memory_space<hbm>>) dst(%arg7 : memref<80xi32, #tpu.memory_space<vmem>>)
      %mul3A_126 = arith.constant 80 : i32
      %mul3A_127 = arith.muli %add3A_120, %mul3A_126 : i32
      %add3A_128 = arith.addi %mul3A_2, %mul3A_127 : i32
      %dma_wait3A_129 = arith.constant 64 : i32
      %dma_wait3A_130 = tpu.memref_slice %arg2[%add3A_128, %dma_wait3A_129] : memref<320000x128xf32, #tpu.memory_space<hbm>> -> memref<80x64xf32, #tpu.memory_space<hbm>>
      %dma_wait3A_131 = arith.constant 64 : i32
      %dma_wait3A_132 = tpu.memref_slice %arg2[%add3A_128, %dma_wait3A_131] : memref<320000x128xf32, #tpu.memory_space<hbm>> -> memref<80x64xf32, #tpu.memory_space<hbm>>
      tpu.wait_dma2 semaphore(%arg13 : memref<!tpu.dma_semaphore, #tpu.memory_space<semaphore_mem>>) src(%dma_wait3A_132 : memref<80x64xf32, #tpu.memory_space<hbm>>) dst(%arg9 : memref<80x64xf32, #tpu.memory_space<vmem>>)
      %dma_start3A_133 = arith.constant 0 : i32
      %dma_start3A_134 = arith.constant 0 : i32
      %dma_start3A_135 = tpu.memref_slice %arg11[%dma_start3A_133, %dma_start3A_134] : memref<10000x64xf32, #tpu.memory_space<vmem_shared>> -> memref<10000x64xf32, #tpu.memory_space<vmem_shared>>
      tpu.enqueue_indirect_dma source(%arg9 : memref<80x64xf32, #tpu.memory_space<vmem>>) target(%dma_start3A_135 : memref<10000x64xf32, #tpu.memory_space<vmem_shared>>) offsets(%arg7 : memref<80xi32, #tpu.memory_space<vmem>>) semaphore(%arg15 : memref<!tpu.dma_semaphore, #tpu.memory_space<semaphore_mem>>) {add = true}
      %dma_wait3A_136 = arith.constant 0 : i32
      %dma_wait3A_137 = arith.constant 0 : i32
      %dma_wait3A_138 = tpu.memref_slice %arg11[%dma_wait3A_136, %dma_wait3A_137] : memref<10000x64xf32, #tpu.memory_space<vmem_shared>> -> memref<10000x64xf32, #tpu.memory_space<vmem_shared>>
      tpu.wait_indirect_dma semaphore(%arg14 : memref<!tpu.dma_semaphore, #tpu.memory_space<semaphore_mem>>) src(%arg8 : memref<80x64xf32, #tpu.memory_space<vmem>>) dst(%dma_wait3A_138 : memref<10000x64xf32, #tpu.memory_space<vmem_shared>>)
      %add3A_139 = arith.constant 2 : i32
      %add3A_140 = arith.addi %mul3A_87, %add3A_139 : i32
      %mul3A_141 = arith.constant 80 : i32
      %mul3A_142 = arith.muli %add3A_140, %mul3A_141 : i32
      %add3A_143 = arith.addi %mul3A_2, %mul3A_142 : i32
      %dma_start3A_144 = tpu.memref_slice %arg3[%add3A_143] : memref<320000xi32, #tpu.memory_space<hbm>> -> memref<80xi32, #tpu.memory_space<hbm>>
      %dma_start3A_145 = tpu.memref_slice %arg3[%add3A_143] : memref<320000xi32, #tpu.memory_space<hbm>> -> memref<80xi32, #tpu.memory_space<hbm>>
      tpu.enqueue_dma source(%dma_start3A_145 : memref<80xi32, #tpu.memory_space<hbm>>) target(%arg6 : memref<80xi32, #tpu.memory_space<vmem>>) target_semaphore(%arg12 : memref<!tpu.dma_semaphore, #tpu.memory_space<semaphore_mem>>)
      %mul3A_146 = arith.constant 80 : i32
      %mul3A_147 = arith.muli %add3A_140, %mul3A_146 : i32
      %add3A_148 = arith.addi %mul3A_2, %mul3A_147 : i32
      %dma_start3A_149 = arith.constant 64 : i32
      %dma_start3A_150 = tpu.memref_slice %arg2[%add3A_148, %dma_start3A_149] : memref<320000x128xf32, #tpu.memory_space<hbm>> -> memref<80x64xf32, #tpu.memory_space<hbm>>
      %dma_start3A_151 = arith.constant 64 : i32
      %dma_start3A_152 = tpu.memref_slice %arg2[%add3A_148, %dma_start3A_151] : memref<320000x128xf32, #tpu.memory_space<hbm>> -> memref<80x64xf32, #tpu.memory_space<hbm>>
      tpu.enqueue_dma source(%dma_start3A_152 : memref<80x64xf32, #tpu.memory_space<hbm>>) target(%arg8 : memref<80x64xf32, #tpu.memory_space<vmem>>) target_semaphore(%arg12 : memref<!tpu.dma_semaphore, #tpu.memory_space<semaphore_mem>>)
    }
    %scan3A_59 = arith.constant 62 : i32
    %add3A_60 = arith.constant 9920 : i32
    %add3A_61 = arith.addi %mul3A_2, %add3A_60 : i32
    %dma_wait3A_62 = tpu.memref_slice %arg3[%add3A_61] : memref<320000xi32, #tpu.memory_space<hbm>> -> memref<80xi32, #tpu.memory_space<hbm>>
    %dma_wait3A_63 = tpu.memref_slice %arg3[%add3A_61] : memref<320000xi32, #tpu.memory_space<hbm>> -> memref<80xi32, #tpu.memory_space<hbm>>
    tpu.wait_dma2 semaphore(%arg12 : memref<!tpu.dma_semaphore, #tpu.memory_space<semaphore_mem>>) src(%dma_wait3A_63 : memref<80xi32, #tpu.memory_space<hbm>>) dst(%arg6 : memref<80xi32, #tpu.memory_space<vmem>>)
    %add3A_64 = arith.constant 9920 : i32
    %add3A_65 = arith.addi %mul3A_2, %add3A_64 : i32
    %dma_wait3A_66 = arith.constant 64 : i32
    %dma_wait3A_67 = tpu.memref_slice %arg2[%add3A_65, %dma_wait3A_66] : memref<320000x128xf32, #tpu.memory_space<hbm>> -> memref<80x64xf32, #tpu.memory_space<hbm>>
    %dma_wait3A_68 = arith.constant 64 : i32
    %dma_wait3A_69 = tpu.memref_slice %arg2[%add3A_65, %dma_wait3A_68] : memref<320000x128xf32, #tpu.memory_space<hbm>> -> memref<80x64xf32, #tpu.memory_space<hbm>>
    tpu.wait_dma2 semaphore(%arg12 : memref<!tpu.dma_semaphore, #tpu.memory_space<semaphore_mem>>) src(%dma_wait3A_69 : memref<80x64xf32, #tpu.memory_space<hbm>>) dst(%arg8 : memref<80x64xf32, #tpu.memory_space<vmem>>)
    %dma_start3A_70 = arith.constant 0 : i32
    %dma_start3A_71 = arith.constant 0 : i32
    %dma_start3A_72 = tpu.memref_slice %arg11[%dma_start3A_70, %dma_start3A_71] : memref<10000x64xf32, #tpu.memory_space<vmem_shared>> -> memref<10000x64xf32, #tpu.memory_space<vmem_shared>>
    tpu.enqueue_indirect_dma source(%arg8 : memref<80x64xf32, #tpu.memory_space<vmem>>) target(%dma_start3A_72 : memref<10000x64xf32, #tpu.memory_space<vmem_shared>>) offsets(%arg6 : memref<80xi32, #tpu.memory_space<vmem>>) semaphore(%arg14 : memref<!tpu.dma_semaphore, #tpu.memory_space<semaphore_mem>>) {add = true}
    %dma_wait3A_73 = arith.constant 0 : i32
    %dma_wait3A_74 = arith.constant 0 : i32
    %dma_wait3A_75 = tpu.memref_slice %arg11[%dma_wait3A_73, %dma_wait3A_74] : memref<10000x64xf32, #tpu.memory_space<vmem_shared>> -> memref<10000x64xf32, #tpu.memory_space<vmem_shared>>
    tpu.wait_indirect_dma semaphore(%arg15 : memref<!tpu.dma_semaphore, #tpu.memory_space<semaphore_mem>>) src(%arg9 : memref<80x64xf32, #tpu.memory_space<vmem>>) dst(%dma_wait3A_75 : memref<10000x64xf32, #tpu.memory_space<vmem_shared>>)
    %dma_wait3A_76 = arith.constant 0 : i32
    %dma_wait3A_77 = arith.constant 0 : i32
    %dma_wait3A_78 = tpu.memref_slice %arg11[%dma_wait3A_76, %dma_wait3A_77] : memref<10000x64xf32, #tpu.memory_space<vmem_shared>> -> memref<10000x64xf32, #tpu.memory_space<vmem_shared>>
    tpu.wait_indirect_dma semaphore(%arg14 : memref<!tpu.dma_semaphore, #tpu.memory_space<semaphore_mem>>) src(%arg8 : memref<80x64xf32, #tpu.memory_space<vmem>>) dst(%dma_wait3A_78 : memref<10000x64xf32, #tpu.memory_space<vmem_shared>>)
    %barrier3A_79 = arith.constant 0 : index
    tpu.barrier barrier_id(%barrier3A_79)
    "tpu.region"() ({
      %run_scoped3A = tpu.sem_alloc : memref<!tpu.dma_semaphore, #tpu.memory_space<semaphore_mem>>
      %dma_start3A_85 = arith.constant 0 : i32
      %dma_start3A_86 = arith.constant 0 : i32
      %dma_start3A_87 = tpu.memref_slice %arg10[%dma_start3A_85, %dma_start3A_86] : memref<625x128xf32, #tpu.memory_space<vmem>> -> memref<625x64xf32, #tpu.memory_space<vmem>>
      %dma_start3A_88 = arith.constant 0 : i32
      %dma_start3A_89 = tpu.memref_slice %arg11[%mul3A_4, %dma_start3A_88] : memref<10000x64xf32, #tpu.memory_space<vmem_shared>> -> memref<625x64xf32, #tpu.memory_space<vmem_shared>>
      %dma_start3A_90 = arith.constant 0 : i32
      %dma_start3A_91 = arith.constant 0 : i32
      %dma_start3A_92 = tpu.memref_slice %arg10[%dma_start3A_90, %dma_start3A_91] : memref<625x128xf32, #tpu.memory_space<vmem>> -> memref<625x64xf32, #tpu.memory_space<vmem>>
      %dma_start3A_93 = arith.constant 0 : i32
      %dma_start3A_94 = tpu.memref_slice %arg11[%mul3A_4, %dma_start3A_93] : memref<10000x64xf32, #tpu.memory_space<vmem_shared>> -> memref<625x64xf32, #tpu.memory_space<vmem_shared>>
      tpu.enqueue_dma source(%dma_start3A_94 : memref<625x64xf32, #tpu.memory_space<vmem_shared>>) target(%dma_start3A_92 : memref<625x64xf32, #tpu.memory_space<vmem>>) target_semaphore(%run_scoped3A : memref<!tpu.dma_semaphore, #tpu.memory_space<semaphore_mem>>)
      %dma_wait3A_95 = arith.constant 0 : i32
      %dma_wait3A_96 = arith.constant 0 : i32
      %dma_wait3A_97 = tpu.memref_slice %arg10[%dma_wait3A_95, %dma_wait3A_96] : memref<625x128xf32, #tpu.memory_space<vmem>> -> memref<625x64xf32, #tpu.memory_space<vmem>>
      %dma_wait3A_98 = arith.constant 0 : i32
      %dma_wait3A_99 = tpu.memref_slice %arg11[%mul3A_4, %dma_wait3A_98] : memref<10000x64xf32, #tpu.memory_space<vmem_shared>> -> memref<625x64xf32, #tpu.memory_space<vmem_shared>>
      %dma_wait3A_100 = arith.constant 0 : i32
      %dma_wait3A_101 = arith.constant 0 : i32
      %dma_wait3A_102 = tpu.memref_slice %arg10[%dma_wait3A_100, %dma_wait3A_101] : memref<625x128xf32, #tpu.memory_space<vmem>> -> memref<625x64xf32, #tpu.memory_space<vmem>>
      %dma_wait3A_103 = arith.constant 0 : i32
      %dma_wait3A_104 = tpu.memref_slice %arg11[%mul3A_4, %dma_wait3A_103] : memref<10000x64xf32, #tpu.memory_space<vmem_shared>> -> memref<625x64xf32, #tpu.memory_space<vmem_shared>>
      tpu.wait_dma2 semaphore(%run_scoped3A : memref<!tpu.dma_semaphore, #tpu.memory_space<semaphore_mem>>) src(%dma_wait3A_104 : memref<625x64xf32, #tpu.memory_space<vmem_shared>>) dst(%dma_wait3A_102 : memref<625x64xf32, #tpu.memory_space<vmem>>)
      tpu.yield
    }) : () -> ()
    %mul3A_80 = arith.constant 10000 : i32
    %mul3A_81 = arith.muli %arg0, %mul3A_80 : i32
    %mul3A_82 = arith.constant 625 : i32
    %mul3A_83 = arith.muli %arg1, %mul3A_82 : i32
    %add3A_84 = arith.addi %mul3A_81, %mul3A_83 : i32
    "tpu.region"() ({
      %run_scoped3A = tpu.sem_alloc : memref<!tpu.dma_semaphore, #tpu.memory_space<semaphore_mem>>
      %dma_start3A_85 = arith.constant 0 : i32
      %dma_start3A_86 = arith.constant 0 : i32
      %dma_start3A_87 = tpu.memref_slice %arg10[%dma_start3A_85, %dma_start3A_86] : memref<625x128xf32, #tpu.memory_space<vmem>> -> memref<625x64xf32, #tpu.memory_space<vmem>>
      %dma_start3A_88 = arith.constant 64 : i32
      %dma_start3A_89 = tpu.memref_slice %arg5[%add3A_84, %dma_start3A_88] : memref<20000x128xf32, #tpu.memory_space<hbm>> -> memref<625x64xf32, #tpu.memory_space<hbm>>
      %dma_start3A_90 = arith.constant 64 : i32
      %dma_start3A_91 = tpu.memref_slice %arg5[%add3A_84, %dma_start3A_90] : memref<20000x128xf32, #tpu.memory_space<hbm>> -> memref<625x64xf32, #tpu.memory_space<hbm>>
      %dma_start3A_92 = arith.constant 0 : i32
      %dma_start3A_93 = arith.constant 0 : i32
      %dma_start3A_94 = tpu.memref_slice %arg10[%dma_start3A_92, %dma_start3A_93] : memref<625x128xf32, #tpu.memory_space<vmem>> -> memref<625x64xf32, #tpu.memory_space<vmem>>
      tpu.enqueue_dma source(%dma_start3A_94 : memref<625x64xf32, #tpu.memory_space<vmem>>) target(%dma_start3A_91 : memref<625x64xf32, #tpu.memory_space<hbm>>) target_semaphore(%run_scoped3A : memref<!tpu.dma_semaphore, #tpu.memory_space<semaphore_mem>>)
      %dma_wait3A_95 = arith.constant 0 : i32
      %dma_wait3A_96 = arith.constant 0 : i32
      %dma_wait3A_97 = tpu.memref_slice %arg10[%dma_wait3A_95, %dma_wait3A_96] : memref<625x128xf32, #tpu.memory_space<vmem>> -> memref<625x64xf32, #tpu.memory_space<vmem>>
      %dma_wait3A_98 = arith.constant 64 : i32
      %dma_wait3A_99 = tpu.memref_slice %arg5[%add3A_84, %dma_wait3A_98] : memref<20000x128xf32, #tpu.memory_space<hbm>> -> memref<625x64xf32, #tpu.memory_space<hbm>>
      %dma_wait3A_100 = arith.constant 64 : i32
      %dma_wait3A_101 = tpu.memref_slice %arg5[%add3A_84, %dma_wait3A_100] : memref<20000x128xf32, #tpu.memory_space<hbm>> -> memref<625x64xf32, #tpu.memory_space<hbm>>
      %dma_wait3A_102 = arith.constant 0 : i32
      %dma_wait3A_103 = arith.constant 0 : i32
      %dma_wait3A_104 = tpu.memref_slice %arg10[%dma_wait3A_102, %dma_wait3A_103] : memref<625x128xf32, #tpu.memory_space<vmem>> -> memref<625x64xf32, #tpu.memory_space<vmem>>
      tpu.wait_dma2 semaphore(%run_scoped3A : memref<!tpu.dma_semaphore, #tpu.memory_space<semaphore_mem>>) src(%dma_wait3A_104 : memref<625x64xf32, #tpu.memory_space<vmem>>) dst(%dma_wait3A_101 : memref<625x64xf32, #tpu.memory_space<hbm>>)
      tpu.yield
    }) : () -> ()
    return
  }
}

module attributes {stable_mosaic.version = 14 : i64} {
  func.func @_edge1_body(%arg0: i32, %arg1: memref<4000x128xi32, #tpu.memory_space<vmem>>, %arg2: memref<4000x128xi32, #tpu.memory_space<vmem>>, %arg3: memref<4000x8xf32, #tpu.memory_space<vmem>>, %arg4: memref<64x128xf32, #tpu.memory_space<vmem>>, %arg5: memref<64x128xf32, #tpu.memory_space<vmem>>, %arg6: memref<64x128xf32, #tpu.memory_space<vmem>>, %arg7: memref<64x128xf32, #tpu.memory_space<vmem>>, %arg8: memref<8x128xf32, #tpu.memory_space<vmem>>, %arg9: memref<1x128xf32, #tpu.memory_space<vmem>>, %arg10: memref<128x128xf32, #tpu.memory_space<vmem>>, %arg11: memref<1x128xf32, #tpu.memory_space<vmem>>, %arg12: memref<1x128xf32, #tpu.memory_space<vmem>>, %arg13: memref<1x1xf32, #tpu.memory_space<vmem>>, %arg14: memref<4000x128xf32, #tpu.memory_space<vmem>>, %arg15: memref<4000x4xf32, #tpu.memory_space<vmem>>) attributes {dimension_semantics = [#tpu.dimension_semantics<arbitrary>], iteration_bounds = array<i64: 80>, scalar_prefetch = 0 : i64, scratch_operands = 0 : i64, tpu.core_type = #tpu.core_type<tc>, window_params = [{transform_indices = @transform_0, window_bounds = array<i64: 4000, 128>}, {transform_indices = @transform_1, window_bounds = array<i64: 4000, 128>}, {transform_indices = @transform_2, window_bounds = array<i64: 4000, 8>}, {pipeline_mode = #tpu.pipeline_mode<synchronous>, transform_indices = @transform_3, window_bounds = array<i64: 64, 128>}, {pipeline_mode = #tpu.pipeline_mode<synchronous>, transform_indices = @transform_4, window_bounds = array<i64: 64, 128>}, {pipeline_mode = #tpu.pipeline_mode<synchronous>, transform_indices = @transform_5, window_bounds = array<i64: 64, 128>}, {pipeline_mode = #tpu.pipeline_mode<synchronous>, transform_indices = @transform_6, window_bounds = array<i64: 64, 128>}, {pipeline_mode = #tpu.pipeline_mode<synchronous>, transform_indices = @transform_7, window_bounds = array<i64: 8, 128>}, {pipeline_mode = #tpu.pipeline_mode<synchronous>, transform_indices = @transform_8, window_bounds = array<i64: 1, 128>}, {pipeline_mode = #tpu.pipeline_mode<synchronous>, transform_indices = @transform_9, window_bounds = array<i64: 128, 128>}, {pipeline_mode = #tpu.pipeline_mode<synchronous>, transform_indices = @transform_10, window_bounds = array<i64: 1, 128>}, {pipeline_mode = #tpu.pipeline_mode<synchronous>, transform_indices = @transform_11, window_bounds = array<i64: 1, 128>}, {pipeline_mode = #tpu.pipeline_mode<synchronous>, transform_indices = @transform_12, window_bounds = array<i64: 1, 1>}, {transform_indices = @transform_13, window_bounds = array<i64: 4000, 128>}, {transform_indices = @transform_14, window_bounds = array<i64: 4000, 4>}]} {
    %get3A = arith.constant 0 : index
    %get3A_0 = arith.constant 0 : index
    %get3A_1 = vector.load %arg1[%get3A, %get3A_0] : memref<4000x128xi32, #tpu.memory_space<vmem>>, vector<4000x128xi32>
    %get3A_2 = arith.constant 0 : index
    %get3A_3 = arith.constant 0 : index
    %get3A_4 = vector.load %arg2[%get3A_2, %get3A_3] : memref<4000x128xi32, #tpu.memory_space<vmem>>, vector<4000x128xi32>
    %slice3A = vector.extract_strided_slice %get3A_1 {offsets = [0, 0], sizes = [4000, 64], strides = [1, 1]} : vector<4000x128xi32> to vector<4000x64xi32>
    %shift_left3A = arith.constant 16 : i32
    %shift_left3A_5 = vector.broadcast %shift_left3A : i32 to vector<4000x64xi32>
    %shift_left3A_6 = arith.shli %slice3A, %shift_left3A_5 : vector<4000x64xi32>
    %bitcast_convert_type3A = tpu.bitcast %shift_left3A_6 : vector<4000x64xi32> -> vector<4000x64xf32>
    %slice3A_7 = vector.extract_strided_slice %get3A_1 {offsets = [0, 0], sizes = [4000, 64], strides = [1, 1]} : vector<4000x128xi32> to vector<4000x64xi32>
    %and3A = arith.constant -65536 : i32
    %and3A_8 = vector.broadcast %and3A : i32 to vector<4000x64xi32>
    %and3A_9 = arith.andi %slice3A_7, %and3A_8 : vector<4000x64xi32>
    %bitcast_convert_type3A_10 = tpu.bitcast %and3A_9 : vector<4000x64xi32> -> vector<4000x64xf32>
    %slice3A_11 = vector.extract_strided_slice %get3A_4 {offsets = [0, 0], sizes = [4000, 64], strides = [1, 1]} : vector<4000x128xi32> to vector<4000x64xi32>
    %shift_left3A_12 = arith.constant 16 : i32
    %shift_left3A_13 = vector.broadcast %shift_left3A_12 : i32 to vector<4000x64xi32>
    %shift_left3A_14 = arith.shli %slice3A_11, %shift_left3A_13 : vector<4000x64xi32>
    %bitcast_convert_type3A_15 = tpu.bitcast %shift_left3A_14 : vector<4000x64xi32> -> vector<4000x64xf32>
    %slice3A_16 = vector.extract_strided_slice %get3A_4 {offsets = [0, 0], sizes = [4000, 64], strides = [1, 1]} : vector<4000x128xi32> to vector<4000x64xi32>
    %and3A_17 = arith.constant -65536 : i32
    %and3A_18 = vector.broadcast %and3A_17 : i32 to vector<4000x64xi32>
    %and3A_19 = arith.andi %slice3A_16, %and3A_18 : vector<4000x64xi32>
    %bitcast_convert_type3A_20 = tpu.bitcast %and3A_19 : vector<4000x64xi32> -> vector<4000x64xf32>
    %slice3A_21 = vector.extract_strided_slice %get3A_1 {offsets = [0, 64], sizes = [4000, 3], strides = [1, 1]} : vector<4000x128xi32> to vector<4000x3xi32>
    %bitcast_convert_type3A_22 = tpu.bitcast %slice3A_21 : vector<4000x3xi32> -> vector<4000x3xf32>
    %slice3A_23 = vector.extract_strided_slice %get3A_4 {offsets = [0, 64], sizes = [4000, 3], strides = [1, 1]} : vector<4000x128xi32> to vector<4000x3xi32>
    %bitcast_convert_type3A_24 = tpu.bitcast %slice3A_23 : vector<4000x3xi32> -> vector<4000x3xf32>
    %sub3A = arith.subf %bitcast_convert_type3A_22, %bitcast_convert_type3A_24 : vector<4000x3xf32>
    %mul3A = arith.mulf %sub3A, %sub3A : vector<4000x3xf32>
    %reduce_sum3A = arith.constant dense<0.000000e+00> : vector<4000xf32>
    %reduce_sum3A_25 = vector.multi_reduction <add>, %mul3A, %reduce_sum3A [1] : vector<4000x3xf32> to vector<4000xf32>
    %broadcast_in_dim3A = vector.shape_cast %reduce_sum3A_25 : vector<4000xf32> to vector<4000x1xf32>
    %add3A = arith.constant 9.99999993E-9 : f32
    %add3A_26 = vector.broadcast %add3A : f32 to vector<4000x1xf32>
    %add3A_27 = arith.addf %broadcast_in_dim3A, %add3A_26 : vector<4000x1xf32>
    %sqrt3A = math.sqrt %add3A_27 : vector<4000x1xf32>
    %add3A_28 = arith.constant 1.000000e+00 : f32
    %add3A_29 = vector.broadcast %add3A_28 : f32 to vector<4000x1xf32>
    %add3A_30 = arith.addf %sqrt3A, %add3A_29 : vector<4000x1xf32>
    %div3A = vector.broadcast %add3A_30 : vector<4000x1xf32> to vector<4000x3xf32>
    %div3A_31 = arith.divf %sub3A, %div3A : vector<4000x3xf32>
    %iota3A = tpu.iota {dimensions = array<i32: 1>} : vector<1x8xi32>
    %eq3A = arith.constant 0 : i32
    %eq3A_32 = vector.broadcast %eq3A : i32 to vector<1x8xi32>
    %eq3A_33 = arith.cmpi eq, %iota3A, %eq3A_32 : vector<1x8xi32>
    %convert_element_type3A = arith.extui %eq3A_33 : vector<1x8xi1> to vector<1x8xi32>
    %convert_element_type3A_34 = arith.sitofp %convert_element_type3A : vector<1x8xi32> to vector<1x8xf32>
    %get3A_35 = arith.constant 0 : index
    %get3A_36 = arith.constant 0 : index
    %get3A_37 = vector.load %arg3[%get3A_35, %get3A_36] : memref<4000x8xf32, #tpu.memory_space<vmem>>, vector<4000x8xf32>
    %mul3A_38 = vector.broadcast %broadcast_in_dim3A : vector<4000x1xf32> to vector<4000x8xf32>
    %mul3A_39 = vector.broadcast %convert_element_type3A_34 : vector<1x8xf32> to vector<4000x8xf32>
    %mul3A_40 = arith.mulf %mul3A_38, %mul3A_39 : vector<4000x8xf32>
    %add3A_41 = arith.addf %get3A_37, %mul3A_40 : vector<4000x8xf32>
    %get3A_42 = arith.constant 0 : index
    %get3A_43 = arith.constant 0 : index
    %get3A_44 = vector.load %arg4[%get3A_42, %get3A_43] : memref<64x128xf32, #tpu.memory_space<vmem>>, vector<64x128xf32>
    %dot_general3A = arith.constant dense<0.000000e+00> : vector<4000x128xf32>
    %dot_general3A_45 = tpu.matmul %bitcast_convert_type3A, %get3A_44, %dot_general3A {dimension_numbers = #tpu.dot_dimension_numbers<[1], [0], [0], [1], [0, 0, 1, 1], [], []>, transpose_lhs_hint = false} : vector<4000x64xf32>, vector<64x128xf32>, vector<4000x128xf32> -> vector<4000x128xf32>
    %get3A_46 = arith.constant 0 : index
    %get3A_47 = arith.constant 0 : index
    %get3A_48 = vector.load %arg5[%get3A_46, %get3A_47] : memref<64x128xf32, #tpu.memory_space<vmem>>, vector<64x128xf32>
    %dot_general3A_49 = arith.constant dense<0.000000e+00> : vector<4000x128xf32>
    %dot_general3A_50 = tpu.matmul %bitcast_convert_type3A_10, %get3A_48, %dot_general3A_49 {dimension_numbers = #tpu.dot_dimension_numbers<[1], [0], [0], [1], [0, 0, 1, 1], [], []>, transpose_lhs_hint = false} : vector<4000x64xf32>, vector<64x128xf32>, vector<4000x128xf32> -> vector<4000x128xf32>
    %add3A_51 = arith.addf %dot_general3A_45, %dot_general3A_50 : vector<4000x128xf32>
    %get3A_52 = arith.constant 0 : index
    %get3A_53 = arith.constant 0 : index
    %get3A_54 = vector.load %arg6[%get3A_52, %get3A_53] : memref<64x128xf32, #tpu.memory_space<vmem>>, vector<64x128xf32>
    %dot_general3A_55 = arith.constant dense<0.000000e+00> : vector<4000x128xf32>
    %dot_general3A_56 = tpu.matmul %bitcast_convert_type3A_15, %get3A_54, %dot_general3A_55 {dimension_numbers = #tpu.dot_dimension_numbers<[1], [0], [0], [1], [0, 0, 1, 1], [], []>, transpose_lhs_hint = false} : vector<4000x64xf32>, vector<64x128xf32>, vector<4000x128xf32> -> vector<4000x128xf32>
    %add3A_57 = arith.addf %add3A_51, %dot_general3A_56 : vector<4000x128xf32>
    %get3A_58 = arith.constant 0 : index
    %get3A_59 = arith.constant 0 : index
    %get3A_60 = vector.load %arg7[%get3A_58, %get3A_59] : memref<64x128xf32, #tpu.memory_space<vmem>>, vector<64x128xf32>
    %dot_general3A_61 = arith.constant dense<0.000000e+00> : vector<4000x128xf32>
    %dot_general3A_62 = tpu.matmul %bitcast_convert_type3A_20, %get3A_60, %dot_general3A_61 {dimension_numbers = #tpu.dot_dimension_numbers<[1], [0], [0], [1], [0, 0, 1, 1], [], []>, transpose_lhs_hint = false} : vector<4000x64xf32>, vector<64x128xf32>, vector<4000x128xf32> -> vector<4000x128xf32>
    %add3A_63 = arith.addf %add3A_57, %dot_general3A_62 : vector<4000x128xf32>
    %get3A_64 = arith.constant 0 : index
    %get3A_65 = arith.constant 0 : index
    %get3A_66 = vector.load %arg8[%get3A_64, %get3A_65] : memref<8x128xf32, #tpu.memory_space<vmem>>, vector<8x128xf32>
    %dot_general3A_67 = arith.constant dense<0.000000e+00> : vector<4000x128xf32>
    %dot_general3A_68 = tpu.matmul %add3A_41, %get3A_66, %dot_general3A_67 {dimension_numbers = #tpu.dot_dimension_numbers<[1], [0], [0], [1], [0, 0, 1, 1], [], []>, transpose_lhs_hint = false} : vector<4000x8xf32>, vector<8x128xf32>, vector<4000x128xf32> -> vector<4000x128xf32>
    %add3A_69 = arith.addf %add3A_63, %dot_general3A_68 : vector<4000x128xf32>
    %get3A_70 = arith.constant 0 : index
    %get3A_71 = arith.constant 0 : index
    %get3A_72 = vector.load %arg9[%get3A_70, %get3A_71] : memref<1x128xf32, #tpu.memory_space<vmem>>, vector<1x128xf32>
    %add3A_73 = vector.broadcast %get3A_72 : vector<1x128xf32> to vector<4000x128xf32>
    %add3A_74 = arith.addf %add3A_69, %add3A_73 : vector<4000x128xf32>
    %logistic3A = arith.negf %add3A_74 : vector<4000x128xf32>
    %logistic3A_75 = math.exp %logistic3A : vector<4000x128xf32>
    %logistic3A_76 = arith.constant 1.000000e+00 : f32
    %logistic3A_77 = vector.broadcast %logistic3A_76 : f32 to vector<4000x128xf32>
    %logistic3A_78 = arith.addf %logistic3A_77, %logistic3A_75 : vector<4000x128xf32>
    %logistic3A_79 = arith.divf %logistic3A_77, %logistic3A_78 : vector<4000x128xf32>
    %mul3A_80 = arith.mulf %add3A_74, %logistic3A_79 : vector<4000x128xf32>
    %get3A_81 = arith.constant 0 : index
    %get3A_82 = arith.constant 0 : index
    %get3A_83 = vector.load %arg10[%get3A_81, %get3A_82] : memref<128x128xf32, #tpu.memory_space<vmem>>, vector<128x128xf32>
    %dot_general3A_84 = arith.constant dense<0.000000e+00> : vector<4000x128xf32>
    %dot_general3A_85 = tpu.matmul %mul3A_80, %get3A_83, %dot_general3A_84 {dimension_numbers = #tpu.dot_dimension_numbers<[1], [0], [0], [1], [0, 0, 1, 1], [], []>, transpose_lhs_hint = false} : vector<4000x128xf32>, vector<128x128xf32>, vector<4000x128xf32> -> vector<4000x128xf32>
    %get3A_86 = arith.constant 0 : index
    %get3A_87 = arith.constant 0 : index
    %get3A_88 = vector.load %arg11[%get3A_86, %get3A_87] : memref<1x128xf32, #tpu.memory_space<vmem>>, vector<1x128xf32>
    %add3A_89 = vector.broadcast %get3A_88 : vector<1x128xf32> to vector<4000x128xf32>
    %add3A_90 = arith.addf %dot_general3A_85, %add3A_89 : vector<4000x128xf32>
    %logistic3A_91 = arith.negf %add3A_90 : vector<4000x128xf32>
    %logistic3A_92 = math.exp %logistic3A_91 : vector<4000x128xf32>
    %logistic3A_93 = arith.constant 1.000000e+00 : f32
    %logistic3A_94 = vector.broadcast %logistic3A_93 : f32 to vector<4000x128xf32>
    %logistic3A_95 = arith.addf %logistic3A_94, %logistic3A_92 : vector<4000x128xf32>
    %logistic3A_96 = arith.divf %logistic3A_94, %logistic3A_95 : vector<4000x128xf32>
    %mul3A_97 = arith.mulf %add3A_90, %logistic3A_96 : vector<4000x128xf32>
    %get3A_98 = arith.constant 0 : index
    %get3A_99 = arith.constant 0 : index
    %get3A_100 = vector.load %arg12[%get3A_98, %get3A_99] : memref<1x128xf32, #tpu.memory_space<vmem>>, vector<1x128xf32>
    %mul3A_101 = vector.broadcast %get3A_100 : vector<1x128xf32> to vector<4000x128xf32>
    %mul3A_102 = arith.mulf %mul3A_97, %mul3A_101 : vector<4000x128xf32>
    %reduce_sum3A_103 = arith.constant dense<0.000000e+00> : vector<4000xf32>
    %reduce_sum3A_104 = vector.multi_reduction <add>, %mul3A_102, %reduce_sum3A_103 [1] : vector<4000x128xf32> to vector<4000xf32>
    %broadcast_in_dim3A_105 = vector.shape_cast %reduce_sum3A_104 : vector<4000xf32> to vector<4000x1xf32>
    %get3A_106 = arith.constant 0 : index
    %get3A_107 = arith.constant 0 : index
    %get3A_108 = vector.load %arg13[%get3A_106, %get3A_107] : memref<1x1xf32, #tpu.memory_space<vmem>>, vector<1x1xf32>
    %add3A_109 = vector.broadcast %get3A_108 : vector<1x1xf32> to vector<4000x1xf32>
    %add3A_110 = arith.addf %broadcast_in_dim3A_105, %add3A_109 : vector<4000x1xf32>
    %logistic3A_111 = arith.negf %add3A_110 : vector<4000x1xf32>
    %logistic3A_112 = math.exp %logistic3A_111 : vector<4000x1xf32>
    %logistic3A_113 = arith.constant 1.000000e+00 : f32
    %logistic3A_114 = vector.broadcast %logistic3A_113 : f32 to vector<4000x1xf32>
    %logistic3A_115 = arith.addf %logistic3A_114, %logistic3A_112 : vector<4000x1xf32>
    %logistic3A_116 = arith.divf %logistic3A_114, %logistic3A_115 : vector<4000x1xf32>
    %mul3A_117 = vector.broadcast %logistic3A_116 : vector<4000x1xf32> to vector<4000x128xf32>
    %mul3A_118 = arith.mulf %mul3A_97, %mul3A_117 : vector<4000x128xf32>
    %swap3A = arith.constant 0 : index
    %swap3A_119 = arith.constant 0 : index
    %swap3A_120 = vector.load %arg14[%swap3A, %swap3A_119] : memref<4000x128xf32, #tpu.memory_space<vmem>>, vector<4000x128xf32>
    tpu.vector_store %arg14[%swap3A, %swap3A_119], %mul3A_118 {strides = array<i32>} : memref<4000x128xf32, #tpu.memory_space<vmem>>, vector<4000x128xf32>,
    %concatenate3A = tpu.concatenate %div3A_31, %broadcast_in_dim3A in 1 : vector<4000x3xf32>, vector<4000x1xf32> -> vector<4000x4xf32>
    %swap3A_121 = arith.constant 0 : index
    %swap3A_122 = arith.constant 0 : index
    %swap3A_123 = vector.load %arg15[%swap3A_121, %swap3A_122] : memref<4000x4xf32, #tpu.memory_space<vmem>>, vector<4000x4xf32>
    tpu.vector_store %arg15[%swap3A_121, %swap3A_122], %concatenate3A {strides = array<i32>} : memref<4000x4xf32, #tpu.memory_space<vmem>>, vector<4000x4xf32>,
    return
  }
  func.func @transform_0(%arg0: i32) -> (i32, i32) {
    %c0_i32 = arith.constant 0 : i32
    %c0_i32_0 = arith.constant 0 : i32
    return %arg0, %c0_i32 : i32, i32
  }
  func.func @transform_1(%arg0: i32) -> (i32, i32) {
    %c0_i32 = arith.constant 0 : i32
    %c0_i32_0 = arith.constant 0 : i32
    return %arg0, %c0_i32 : i32, i32
  }
  func.func @transform_2(%arg0: i32) -> (i32, i32) {
    %c0_i32 = arith.constant 0 : i32
    %c0_i32_0 = arith.constant 0 : i32
    return %arg0, %c0_i32 : i32, i32
  }
  func.func @transform_3(%arg0: i32) -> (i32, i32) {
    %c0_i32 = arith.constant 0 : i32
    %c0_i32_0 = arith.constant 0 : i32
    %c0_i32_1 = arith.constant 0 : i32
    return %c0_i32, %c0_i32_0 : i32, i32
  }
  func.func @transform_4(%arg0: i32) -> (i32, i32) {
    %c0_i32 = arith.constant 0 : i32
    %c0_i32_0 = arith.constant 0 : i32
    %c0_i32_1 = arith.constant 0 : i32
    return %c0_i32, %c0_i32_0 : i32, i32
  }
  func.func @transform_5(%arg0: i32) -> (i32, i32) {
    %c0_i32 = arith.constant 0 : i32
    %c0_i32_0 = arith.constant 0 : i32
    %c0_i32_1 = arith.constant 0 : i32
    return %c0_i32, %c0_i32_0 : i32, i32
  }
  func.func @transform_6(%arg0: i32) -> (i32, i32) {
    %c0_i32 = arith.constant 0 : i32
    %c0_i32_0 = arith.constant 0 : i32
    %c0_i32_1 = arith.constant 0 : i32
    return %c0_i32, %c0_i32_0 : i32, i32
  }
  func.func @transform_7(%arg0: i32) -> (i32, i32) {
    %c0_i32 = arith.constant 0 : i32
    %c0_i32_0 = arith.constant 0 : i32
    %c0_i32_1 = arith.constant 0 : i32
    return %c0_i32, %c0_i32_0 : i32, i32
  }
  func.func @transform_8(%arg0: i32) -> (i32, i32) {
    %c0_i32 = arith.constant 0 : i32
    %c0_i32_0 = arith.constant 0 : i32
    %c0_i32_1 = arith.constant 0 : i32
    return %c0_i32, %c0_i32_0 : i32, i32
  }
  func.func @transform_9(%arg0: i32) -> (i32, i32) {
    %c0_i32 = arith.constant 0 : i32
    %c0_i32_0 = arith.constant 0 : i32
    %c0_i32_1 = arith.constant 0 : i32
    return %c0_i32, %c0_i32_0 : i32, i32
  }
  func.func @transform_10(%arg0: i32) -> (i32, i32) {
    %c0_i32 = arith.constant 0 : i32
    %c0_i32_0 = arith.constant 0 : i32
    %c0_i32_1 = arith.constant 0 : i32
    return %c0_i32, %c0_i32_0 : i32, i32
  }
  func.func @transform_11(%arg0: i32) -> (i32, i32) {
    %c0_i32 = arith.constant 0 : i32
    %c0_i32_0 = arith.constant 0 : i32
    %c0_i32_1 = arith.constant 0 : i32
    return %c0_i32, %c0_i32_0 : i32, i32
  }
  func.func @transform_12(%arg0: i32) -> (i32, i32) {
    %c0_i32 = arith.constant 0 : i32
    %c0_i32_0 = arith.constant 0 : i32
    %c0_i32_1 = arith.constant 0 : i32
    return %c0_i32, %c0_i32_0 : i32, i32
  }
  func.func @transform_13(%arg0: i32) -> (i32, i32) {
    %c0_i32 = arith.constant 0 : i32
    %c0_i32_0 = arith.constant 0 : i32
    return %arg0, %c0_i32 : i32, i32
  }
  func.func @transform_14(%arg0: i32) -> (i32, i32) {
    %c0_i32 = arith.constant 0 : i32
    %c0_i32_0 = arith.constant 0 : i32
    return %arg0, %c0_i32 : i32, i32
  }
}

module attributes {stable_mosaic.version = 14 : i64} {
  func.func @_node_body(%arg0: i32, %arg1: memref<1000x128xf32, #tpu.memory_space<vmem>>, %arg2: memref<1000x128xf32, #tpu.memory_space<vmem>>, %arg3: memref<1000x128xf32, #tpu.memory_space<vmem>>, %arg4: memref<128x128xf32, #tpu.memory_space<vmem>>, %arg5: memref<128x128xf32, #tpu.memory_space<vmem>>, %arg6: memref<1x128xf32, #tpu.memory_space<vmem>>, %arg7: memref<128x128xf32, #tpu.memory_space<vmem>>, %arg8: memref<1x128xf32, #tpu.memory_space<vmem>>, %arg9: memref<1000x128xf32, #tpu.memory_space<vmem>>, %arg10: memref<1000x128xi32, #tpu.memory_space<vmem>>) attributes {dimension_semantics = [#tpu.dimension_semantics<arbitrary>], iteration_bounds = array<i64: 10>, scalar_prefetch = 0 : i64, scratch_operands = 0 : i64, tpu.core_type = #tpu.core_type<tc>, window_params = [{transform_indices = @transform_0, window_bounds = array<i64: 1000, 128>}, {transform_indices = @transform_1, window_bounds = array<i64: 1000, 128>}, {transform_indices = @transform_2, window_bounds = array<i64: 1000, 128>}, {pipeline_mode = #tpu.pipeline_mode<synchronous>, transform_indices = @transform_3, window_bounds = array<i64: 128, 128>}, {pipeline_mode = #tpu.pipeline_mode<synchronous>, transform_indices = @transform_4, window_bounds = array<i64: 128, 128>}, {pipeline_mode = #tpu.pipeline_mode<synchronous>, transform_indices = @transform_5, window_bounds = array<i64: 1, 128>}, {pipeline_mode = #tpu.pipeline_mode<synchronous>, transform_indices = @transform_6, window_bounds = array<i64: 128, 128>}, {pipeline_mode = #tpu.pipeline_mode<synchronous>, transform_indices = @transform_7, window_bounds = array<i64: 1, 128>}, {transform_indices = @transform_8, window_bounds = array<i64: 1000, 128>}, {transform_indices = @transform_9, window_bounds = array<i64: 1000, 128>}]} {
    %get3A = arith.constant 0 : index
    %get3A_0 = arith.constant 0 : index
    %get3A_1 = vector.load %arg2[%get3A, %get3A_0] : memref<1000x128xf32, #tpu.memory_space<vmem>>, vector<1000x128xf32>
    %get3A_2 = arith.constant 0 : index
    %get3A_3 = arith.constant 0 : index
    %get3A_4 = vector.load %arg3[%get3A_2, %get3A_3] : memref<1000x128xf32, #tpu.memory_space<vmem>>, vector<1000x128xf32>
    %add3A = arith.addf %get3A_1, %get3A_4 : vector<1000x128xf32>
    %mul3A = arith.constant 0.00999999977 : f32
    %mul3A_5 = vector.broadcast %mul3A : f32 to vector<1000x128xf32>
    %mul3A_6 = arith.mulf %add3A, %mul3A_5 : vector<1000x128xf32>
    %get3A_7 = arith.constant 0 : index
    %get3A_8 = arith.constant 0 : index
    %get3A_9 = vector.load %arg1[%get3A_7, %get3A_8] : memref<1000x128xf32, #tpu.memory_space<vmem>>, vector<1000x128xf32>
    %get3A_10 = arith.constant 0 : index
    %get3A_11 = arith.constant 0 : index
    %get3A_12 = vector.load %arg4[%get3A_10, %get3A_11] : memref<128x128xf32, #tpu.memory_space<vmem>>, vector<128x128xf32>
    %dot_general3A = arith.constant dense<0.000000e+00> : vector<1000x128xf32>
    %dot_general3A_13 = tpu.matmul %get3A_9, %get3A_12, %dot_general3A {dimension_numbers = #tpu.dot_dimension_numbers<[1], [0], [0], [1], [0, 0, 1, 1], [], []>, transpose_lhs_hint = false} : vector<1000x128xf32>, vector<128x128xf32>, vector<1000x128xf32> -> vector<1000x128xf32>
    %get3A_14 = arith.constant 0 : index
    %get3A_15 = arith.constant 0 : index
    %get3A_16 = vector.load %arg5[%get3A_14, %get3A_15] : memref<128x128xf32, #tpu.memory_space<vmem>>, vector<128x128xf32>
    %dot_general3A_17 = arith.constant dense<0.000000e+00> : vector<1000x128xf32>
    %dot_general3A_18 = tpu.matmul %mul3A_6, %get3A_16, %dot_general3A_17 {dimension_numbers = #tpu.dot_dimension_numbers<[1], [0], [0], [1], [0, 0, 1, 1], [], []>, transpose_lhs_hint = false} : vector<1000x128xf32>, vector<128x128xf32>, vector<1000x128xf32> -> vector<1000x128xf32>
    %add3A_19 = arith.addf %dot_general3A_13, %dot_general3A_18 : vector<1000x128xf32>
    %get3A_20 = arith.constant 0 : index
    %get3A_21 = arith.constant 0 : index
    %get3A_22 = vector.load %arg6[%get3A_20, %get3A_21] : memref<1x128xf32, #tpu.memory_space<vmem>>, vector<1x128xf32>
    %add3A_23 = vector.broadcast %get3A_22 : vector<1x128xf32> to vector<1000x128xf32>
    %add3A_24 = arith.addf %add3A_19, %add3A_23 : vector<1000x128xf32>
    %logistic3A = arith.negf %add3A_24 : vector<1000x128xf32>
    %logistic3A_25 = math.exp %logistic3A : vector<1000x128xf32>
    %logistic3A_26 = arith.constant 1.000000e+00 : f32
    %logistic3A_27 = vector.broadcast %logistic3A_26 : f32 to vector<1000x128xf32>
    %logistic3A_28 = arith.addf %logistic3A_27, %logistic3A_25 : vector<1000x128xf32>
    %logistic3A_29 = arith.divf %logistic3A_27, %logistic3A_28 : vector<1000x128xf32>
    %mul3A_30 = arith.mulf %add3A_24, %logistic3A_29 : vector<1000x128xf32>
    %get3A_31 = arith.constant 0 : index
    %get3A_32 = arith.constant 0 : index
    %get3A_33 = vector.load %arg1[%get3A_31, %get3A_32] : memref<1000x128xf32, #tpu.memory_space<vmem>>, vector<1000x128xf32>
    %get3A_34 = arith.constant 0 : index
    %get3A_35 = arith.constant 0 : index
    %get3A_36 = vector.load %arg7[%get3A_34, %get3A_35] : memref<128x128xf32, #tpu.memory_space<vmem>>, vector<128x128xf32>
    %dot_general3A_37 = arith.constant dense<0.000000e+00> : vector<1000x128xf32>
    %dot_general3A_38 = tpu.matmul %mul3A_30, %get3A_36, %dot_general3A_37 {dimension_numbers = #tpu.dot_dimension_numbers<[1], [0], [0], [1], [0, 0, 1, 1], [], []>, transpose_lhs_hint = false} : vector<1000x128xf32>, vector<128x128xf32>, vector<1000x128xf32> -> vector<1000x128xf32>
    %add3A_39 = arith.addf %get3A_33, %dot_general3A_38 : vector<1000x128xf32>
    %get3A_40 = arith.constant 0 : index
    %get3A_41 = arith.constant 0 : index
    %get3A_42 = vector.load %arg8[%get3A_40, %get3A_41] : memref<1x128xf32, #tpu.memory_space<vmem>>, vector<1x128xf32>
    %add3A_43 = vector.broadcast %get3A_42 : vector<1x128xf32> to vector<1000x128xf32>
    %add3A_44 = arith.addf %add3A_39, %add3A_43 : vector<1000x128xf32>
    %swap3A = arith.constant 0 : index
    %swap3A_45 = arith.constant 0 : index
    %swap3A_46 = vector.load %arg9[%swap3A, %swap3A_45] : memref<1000x128xf32, #tpu.memory_space<vmem>>, vector<1000x128xf32>
    tpu.vector_store %arg9[%swap3A, %swap3A_45], %add3A_44 {strides = array<i32>} : memref<1000x128xf32, #tpu.memory_space<vmem>>, vector<1000x128xf32>,
    %slice3A = vector.extract_strided_slice %add3A_44 {offsets = [0, 0], sizes = [1000, 64], strides = [1, 1]} : vector<1000x128xf32> to vector<1000x64xf32>
    %slice3A_47 = vector.extract_strided_slice %add3A_44 {offsets = [0, 64], sizes = [1000, 64], strides = [1, 1]} : vector<1000x128xf32> to vector<1000x64xf32>
    %bitcast_convert_type3A = tpu.bitcast %slice3A : vector<1000x64xf32> -> vector<1000x64xi32>
    %shift_right_logical3A = arith.constant 16 : i32
    %shift_right_logical3A_48 = vector.broadcast %shift_right_logical3A : i32 to vector<1000x64xi32>
    %shift_right_logical3A_49 = arith.shrui %bitcast_convert_type3A, %shift_right_logical3A_48 : vector<1000x64xi32>
    %bitcast_convert_type3A_50 = tpu.bitcast %slice3A_47 : vector<1000x64xf32> -> vector<1000x64xi32>
    %and3A = arith.constant -65536 : i32
    %and3A_51 = vector.broadcast %and3A : i32 to vector<1000x64xi32>
    %and3A_52 = arith.andi %bitcast_convert_type3A_50, %and3A_51 : vector<1000x64xi32>
    %or3A = arith.ori %shift_right_logical3A_49, %and3A_52 : vector<1000x64xi32>
    %broadcast_in_dim3A = arith.constant 0 : i32
    %broadcast_in_dim3A_53 = vector.broadcast %broadcast_in_dim3A : i32 to vector<1000x64xi32>
    %concatenate3A = tpu.concatenate %or3A, %broadcast_in_dim3A_53 in 1 : vector<1000x64xi32>, vector<1000x64xi32> -> vector<1000x128xi32>
    %swap3A_54 = arith.constant 0 : index
    %swap3A_55 = arith.constant 0 : index
    %swap3A_56 = vector.load %arg10[%swap3A_54, %swap3A_55] : memref<1000x128xi32, #tpu.memory_space<vmem>>, vector<1000x128xi32>
    tpu.vector_store %arg10[%swap3A_54, %swap3A_55], %concatenate3A {strides = array<i32>} : memref<1000x128xi32, #tpu.memory_space<vmem>>, vector<1000x128xi32>,
    return
  }
  func.func @transform_0(%arg0: i32) -> (i32, i32) {
    %c0_i32 = arith.constant 0 : i32
    %c0_i32_0 = arith.constant 0 : i32
    return %arg0, %c0_i32 : i32, i32
  }
  func.func @transform_1(%arg0: i32) -> (i32, i32) {
    %c0_i32 = arith.constant 0 : i32
    %c0_i32_0 = arith.constant 0 : i32
    return %arg0, %c0_i32 : i32, i32
  }
  func.func @transform_2(%arg0: i32) -> (i32, i32) {
    %c0_i32 = arith.constant 0 : i32
    %c0_i32_0 = arith.constant 0 : i32
    return %arg0, %c0_i32 : i32, i32
  }
  func.func @transform_3(%arg0: i32) -> (i32, i32) {
    %c0_i32 = arith.constant 0 : i32
    %c0_i32_0 = arith.constant 0 : i32
    %c0_i32_1 = arith.constant 0 : i32
    return %c0_i32, %c0_i32_0 : i32, i32
  }
  func.func @transform_4(%arg0: i32) -> (i32, i32) {
    %c0_i32 = arith.constant 0 : i32
    %c0_i32_0 = arith.constant 0 : i32
    %c0_i32_1 = arith.constant 0 : i32
    return %c0_i32, %c0_i32_0 : i32, i32
  }
  func.func @transform_5(%arg0: i32) -> (i32, i32) {
    %c0_i32 = arith.constant 0 : i32
    %c0_i32_0 = arith.constant 0 : i32
    %c0_i32_1 = arith.constant 0 : i32
    return %c0_i32, %c0_i32_0 : i32, i32
  }
  func.func @transform_6(%arg0: i32) -> (i32, i32) {
    %c0_i32 = arith.constant 0 : i32
    %c0_i32_0 = arith.constant 0 : i32
    %c0_i32_1 = arith.constant 0 : i32
    return %c0_i32, %c0_i32_0 : i32, i32
  }
  func.func @transform_7(%arg0: i32) -> (i32, i32) {
    %c0_i32 = arith.constant 0 : i32
    %c0_i32_0 = arith.constant 0 : i32
    %c0_i32_1 = arith.constant 0 : i32
    return %c0_i32, %c0_i32_0 : i32, i32
  }
  func.func @transform_8(%arg0: i32) -> (i32, i32) {
    %c0_i32 = arith.constant 0 : i32
    %c0_i32_0 = arith.constant 0 : i32
    return %arg0, %c0_i32 : i32, i32
  }
  func.func @transform_9(%arg0: i32) -> (i32, i32) {
    %c0_i32 = arith.constant 0 : i32
    %c0_i32_0 = arith.constant 0 : i32
    return %arg0, %c0_i32 : i32, i32
  }
}

module attributes {stable_mosaic.version = 14 : i64} {
  func.func @_edge2_body(%arg0: i32, %arg1: memref<4000x128xi32, #tpu.memory_space<vmem>>, %arg2: memref<4000x128xi32, #tpu.memory_space<vmem>>, %arg3: memref<4000x8xf32, #tpu.memory_space<vmem>>, %arg4: memref<4000x4xf32, #tpu.memory_space<vmem>>, %arg5: memref<64x128xf32, #tpu.memory_space<vmem>>, %arg6: memref<64x128xf32, #tpu.memory_space<vmem>>, %arg7: memref<64x128xf32, #tpu.memory_space<vmem>>, %arg8: memref<64x128xf32, #tpu.memory_space<vmem>>, %arg9: memref<8x128xf32, #tpu.memory_space<vmem>>, %arg10: memref<1x128xf32, #tpu.memory_space<vmem>>, %arg11: memref<128x128xf32, #tpu.memory_space<vmem>>, %arg12: memref<1x128xf32, #tpu.memory_space<vmem>>, %arg13: memref<1x128xf32, #tpu.memory_space<vmem>>, %arg14: memref<4000x128xf32, #tpu.memory_space<vmem>>) attributes {dimension_semantics = [#tpu.dimension_semantics<arbitrary>], iteration_bounds = array<i64: 80>, scalar_prefetch = 0 : i64, scratch_operands = 0 : i64, tpu.core_type = #tpu.core_type<tc>, window_params = [{transform_indices = @transform_0, window_bounds = array<i64: 4000, 128>}, {transform_indices = @transform_1, window_bounds = array<i64: 4000, 128>}, {transform_indices = @transform_2, window_bounds = array<i64: 4000, 8>}, {transform_indices = @transform_3, window_bounds = array<i64: 4000, 4>}, {pipeline_mode = #tpu.pipeline_mode<synchronous>, transform_indices = @transform_4, window_bounds = array<i64: 64, 128>}, {pipeline_mode = #tpu.pipeline_mode<synchronous>, transform_indices = @transform_5, window_bounds = array<i64: 64, 128>}, {pipeline_mode = #tpu.pipeline_mode<synchronous>, transform_indices = @transform_6, window_bounds = array<i64: 64, 128>}, {pipeline_mode = #tpu.pipeline_mode<synchronous>, transform_indices = @transform_7, window_bounds = array<i64: 64, 128>}, {pipeline_mode = #tpu.pipeline_mode<synchronous>, transform_indices = @transform_8, window_bounds = array<i64: 8, 128>}, {pipeline_mode = #tpu.pipeline_mode<synchronous>, transform_indices = @transform_9, window_bounds = array<i64: 1, 128>}, {pipeline_mode = #tpu.pipeline_mode<synchronous>, transform_indices = @transform_10, window_bounds = array<i64: 128, 128>}, {pipeline_mode = #tpu.pipeline_mode<synchronous>, transform_indices = @transform_11, window_bounds = array<i64: 1, 128>}, {pipeline_mode = #tpu.pipeline_mode<synchronous>, transform_indices = @transform_12, window_bounds = array<i64: 1, 128>}, {transform_indices = @transform_13, window_bounds = array<i64: 4000, 128>}]} {
    %get3A = arith.constant 0 : index
    %get3A_0 = arith.constant 3 : index
    %get3A_1 = vector.load %arg4[%get3A, %get3A_0] : memref<4000x4xf32, #tpu.memory_space<vmem>>, vector<4000x1xf32>
    %get3A_2 = arith.constant 0 : index
    %get3A_3 = arith.constant 0 : index
    %get3A_4 = vector.load %arg4[%get3A_2, %get3A_3] : memref<4000x4xf32, #tpu.memory_space<vmem>>, vector<4000x3xf32>
    %get3A_5 = arith.constant 0 : index
    %get3A_6 = arith.constant 0 : index
    %get3A_7 = vector.load %arg1[%get3A_5, %get3A_6] : memref<4000x128xi32, #tpu.memory_space<vmem>>, vector<4000x64xi32>
    %shift_left3A = arith.constant 16 : i32
    %shift_left3A_8 = vector.broadcast %shift_left3A : i32 to vector<4000x64xi32>
    %shift_left3A_9 = arith.shli %get3A_7, %shift_left3A_8 : vector<4000x64xi32>
    %bitcast_convert_type3A = tpu.bitcast %shift_left3A_9 : vector<4000x64xi32> -> vector<4000x64xf32>
    %get3A_10 = arith.constant 0 : index
    %get3A_11 = arith.constant 0 : index
    %get3A_12 = vector.load %arg1[%get3A_10, %get3A_11] : memref<4000x128xi32, #tpu.memory_space<vmem>>, vector<4000x64xi32>
    %and3A = arith.constant -65536 : i32
    %and3A_13 = vector.broadcast %and3A : i32 to vector<4000x64xi32>
    %and3A_14 = arith.andi %get3A_12, %and3A_13 : vector<4000x64xi32>
    %bitcast_convert_type3A_15 = tpu.bitcast %and3A_14 : vector<4000x64xi32> -> vector<4000x64xf32>
    %get3A_16 = arith.constant 0 : index
    %get3A_17 = arith.constant 0 : index
    %get3A_18 = vector.load %arg2[%get3A_16, %get3A_17] : memref<4000x128xi32, #tpu.memory_space<vmem>>, vector<4000x64xi32>
    %shift_left3A_19 = arith.constant 16 : i32
    %shift_left3A_20 = vector.broadcast %shift_left3A_19 : i32 to vector<4000x64xi32>
    %shift_left3A_21 = arith.shli %get3A_18, %shift_left3A_20 : vector<4000x64xi32>
    %bitcast_convert_type3A_22 = tpu.bitcast %shift_left3A_21 : vector<4000x64xi32> -> vector<4000x64xf32>
    %get3A_23 = arith.constant 0 : index
    %get3A_24 = arith.constant 0 : index
    %get3A_25 = vector.load %arg2[%get3A_23, %get3A_24] : memref<4000x128xi32, #tpu.memory_space<vmem>>, vector<4000x64xi32>
    %and3A_26 = arith.constant -65536 : i32
    %and3A_27 = vector.broadcast %and3A_26 : i32 to vector<4000x64xi32>
    %and3A_28 = arith.andi %get3A_25, %and3A_27 : vector<4000x64xi32>
    %bitcast_convert_type3A_29 = tpu.bitcast %and3A_28 : vector<4000x64xi32> -> vector<4000x64xf32>
    %iota3A = tpu.iota {dimensions = array<i32: 1>} : vector<1x8xi32>
    %eq3A = arith.constant 0 : i32
    %eq3A_30 = vector.broadcast %eq3A : i32 to vector<1x8xi32>
    %eq3A_31 = arith.cmpi eq, %iota3A, %eq3A_30 : vector<1x8xi32>
    %convert_element_type3A = arith.extui %eq3A_31 : vector<1x8xi1> to vector<1x8xi32>
    %convert_element_type3A_32 = arith.sitofp %convert_element_type3A : vector<1x8xi32> to vector<1x8xf32>
    %get3A_33 = arith.constant 0 : index
    %get3A_34 = arith.constant 0 : index
    %get3A_35 = vector.load %arg3[%get3A_33, %get3A_34] : memref<4000x8xf32, #tpu.memory_space<vmem>>, vector<4000x8xf32>
    %mul3A = vector.broadcast %get3A_1 : vector<4000x1xf32> to vector<4000x8xf32>
    %mul3A_36 = vector.broadcast %convert_element_type3A_32 : vector<1x8xf32> to vector<4000x8xf32>
    %mul3A_37 = arith.mulf %mul3A, %mul3A_36 : vector<4000x8xf32>
    %add3A = arith.addf %get3A_35, %mul3A_37 : vector<4000x8xf32>
    %get3A_38 = arith.constant 0 : index
    %get3A_39 = arith.constant 0 : index
    %get3A_40 = vector.load %arg5[%get3A_38, %get3A_39] : memref<64x128xf32, #tpu.memory_space<vmem>>, vector<64x128xf32>
    %dot_general3A = arith.constant dense<0.000000e+00> : vector<4000x128xf32>
    %dot_general3A_41 = tpu.matmul %bitcast_convert_type3A, %get3A_40, %dot_general3A {dimension_numbers = #tpu.dot_dimension_numbers<[1], [0], [0], [1], [0, 0, 1, 1], [], []>, transpose_lhs_hint = false} : vector<4000x64xf32>, vector<64x128xf32>, vector<4000x128xf32> -> vector<4000x128xf32>
    %get3A_42 = arith.constant 0 : index
    %get3A_43 = arith.constant 0 : index
    %get3A_44 = vector.load %arg6[%get3A_42, %get3A_43] : memref<64x128xf32, #tpu.memory_space<vmem>>, vector<64x128xf32>
    %dot_general3A_45 = arith.constant dense<0.000000e+00> : vector<4000x128xf32>
    %dot_general3A_46 = tpu.matmul %bitcast_convert_type3A_15, %get3A_44, %dot_general3A_45 {dimension_numbers = #tpu.dot_dimension_numbers<[1], [0], [0], [1], [0, 0, 1, 1], [], []>, transpose_lhs_hint = false} : vector<4000x64xf32>, vector<64x128xf32>, vector<4000x128xf32> -> vector<4000x128xf32>
    %add3A_47 = arith.addf %dot_general3A_41, %dot_general3A_46 : vector<4000x128xf32>
    %get3A_48 = arith.constant 0 : index
    %get3A_49 = arith.constant 0 : index
    %get3A_50 = vector.load %arg7[%get3A_48, %get3A_49] : memref<64x128xf32, #tpu.memory_space<vmem>>, vector<64x128xf32>
    %dot_general3A_51 = arith.constant dense<0.000000e+00> : vector<4000x128xf32>
    %dot_general3A_52 = tpu.matmul %bitcast_convert_type3A_22, %get3A_50, %dot_general3A_51 {dimension_numbers = #tpu.dot_dimension_numbers<[1], [0], [0], [1], [0, 0, 1, 1], [], []>, transpose_lhs_hint = false} : vector<4000x64xf32>, vector<64x128xf32>, vector<4000x128xf32> -> vector<4000x128xf32>
    %add3A_53 = arith.addf %add3A_47, %dot_general3A_52 : vector<4000x128xf32>
    %get3A_54 = arith.constant 0 : index
    %get3A_55 = arith.constant 0 : index
    %get3A_56 = vector.load %arg8[%get3A_54, %get3A_55] : memref<64x128xf32, #tpu.memory_space<vmem>>, vector<64x128xf32>
    %dot_general3A_57 = arith.constant dense<0.000000e+00> : vector<4000x128xf32>
    %dot_general3A_58 = tpu.matmul %bitcast_convert_type3A_29, %get3A_56, %dot_general3A_57 {dimension_numbers = #tpu.dot_dimension_numbers<[1], [0], [0], [1], [0, 0, 1, 1], [], []>, transpose_lhs_hint = false} : vector<4000x64xf32>, vector<64x128xf32>, vector<4000x128xf32> -> vector<4000x128xf32>
    %add3A_59 = arith.addf %add3A_53, %dot_general3A_58 : vector<4000x128xf32>
    %get3A_60 = arith.constant 0 : index
    %get3A_61 = arith.constant 0 : index
    %get3A_62 = vector.load %arg9[%get3A_60, %get3A_61] : memref<8x128xf32, #tpu.memory_space<vmem>>, vector<8x128xf32>
    %dot_general3A_63 = arith.constant dense<0.000000e+00> : vector<4000x128xf32>
    %dot_general3A_64 = tpu.matmul %add3A, %get3A_62, %dot_general3A_63 {dimension_numbers = #tpu.dot_dimension_numbers<[1], [0], [0], [1], [0, 0, 1, 1], [], []>, transpose_lhs_hint = false} : vector<4000x8xf32>, vector<8x128xf32>, vector<4000x128xf32> -> vector<4000x128xf32>
    %add3A_65 = arith.addf %add3A_59, %dot_general3A_64 : vector<4000x128xf32>
    %get3A_66 = arith.constant 0 : index
    %get3A_67 = arith.constant 0 : index
    %get3A_68 = vector.load %arg10[%get3A_66, %get3A_67] : memref<1x128xf32, #tpu.memory_space<vmem>>, vector<1x128xf32>
    %add3A_69 = vector.broadcast %get3A_68 : vector<1x128xf32> to vector<4000x128xf32>
    %add3A_70 = arith.addf %add3A_65, %add3A_69 : vector<4000x128xf32>
    %logistic3A = arith.negf %add3A_70 : vector<4000x128xf32>
    %logistic3A_71 = math.exp %logistic3A : vector<4000x128xf32>
    %logistic3A_72 = arith.constant 1.000000e+00 : f32
    %logistic3A_73 = vector.broadcast %logistic3A_72 : f32 to vector<4000x128xf32>
    %logistic3A_74 = arith.addf %logistic3A_73, %logistic3A_71 : vector<4000x128xf32>
    %logistic3A_75 = arith.divf %logistic3A_73, %logistic3A_74 : vector<4000x128xf32>
    %mul3A_76 = arith.mulf %add3A_70, %logistic3A_75 : vector<4000x128xf32>
    %get3A_77 = arith.constant 0 : index
    %get3A_78 = arith.constant 0 : index
    %get3A_79 = vector.load %arg11[%get3A_77, %get3A_78] : memref<128x128xf32, #tpu.memory_space<vmem>>, vector<128x128xf32>
    %dot_general3A_80 = arith.constant dense<0.000000e+00> : vector<4000x128xf32>
    %dot_general3A_81 = tpu.matmul %mul3A_76, %get3A_79, %dot_general3A_80 {dimension_numbers = #tpu.dot_dimension_numbers<[1], [0], [0], [1], [0, 0, 1, 1], [], []>, transpose_lhs_hint = false} : vector<4000x128xf32>, vector<128x128xf32>, vector<4000x128xf32> -> vector<4000x128xf32>
    %get3A_82 = arith.constant 0 : index
    %get3A_83 = arith.constant 0 : index
    %get3A_84 = vector.load %arg12[%get3A_82, %get3A_83] : memref<1x128xf32, #tpu.memory_space<vmem>>, vector<1x128xf32>
    %add3A_85 = vector.broadcast %get3A_84 : vector<1x128xf32> to vector<4000x128xf32>
    %add3A_86 = arith.addf %dot_general3A_81, %add3A_85 : vector<4000x128xf32>
    %logistic3A_87 = arith.negf %add3A_86 : vector<4000x128xf32>
    %logistic3A_88 = math.exp %logistic3A_87 : vector<4000x128xf32>
    %logistic3A_89 = arith.constant 1.000000e+00 : f32
    %logistic3A_90 = vector.broadcast %logistic3A_89 : f32 to vector<4000x128xf32>
    %logistic3A_91 = arith.addf %logistic3A_90, %logistic3A_88 : vector<4000x128xf32>
    %logistic3A_92 = arith.divf %logistic3A_90, %logistic3A_91 : vector<4000x128xf32>
    %mul3A_93 = arith.mulf %add3A_86, %logistic3A_92 : vector<4000x128xf32>
    %get3A_94 = arith.constant 0 : index
    %get3A_95 = arith.constant 0 : index
    %get3A_96 = vector.load %arg13[%get3A_94, %get3A_95] : memref<1x128xf32, #tpu.memory_space<vmem>>, vector<1x128xf32>
    %mul3A_97 = vector.broadcast %get3A_96 : vector<1x128xf32> to vector<4000x128xf32>
    %mul3A_98 = arith.mulf %mul3A_93, %mul3A_97 : vector<4000x128xf32>
    %reduce_sum3A = arith.constant dense<0.000000e+00> : vector<4000xf32>
    %reduce_sum3A_99 = vector.multi_reduction <add>, %mul3A_98, %reduce_sum3A [1] : vector<4000x128xf32> to vector<4000xf32>
    %broadcast_in_dim3A = vector.shape_cast %reduce_sum3A_99 : vector<4000xf32> to vector<4000x1xf32>
    %tanh3A = math.tanh %broadcast_in_dim3A : vector<4000x1xf32>
    %mul3A_100 = vector.broadcast %tanh3A : vector<4000x1xf32> to vector<4000x3xf32>
    %mul3A_101 = arith.mulf %get3A_4, %mul3A_100 : vector<4000x3xf32>
    %mul3A_102 = arith.constant 1.500000e+01 : f32
    %mul3A_103 = vector.broadcast %mul3A_102 : f32 to vector<4000x3xf32>
    %mul3A_104 = arith.mulf %mul3A_101, %mul3A_103 : vector<4000x3xf32>
    %broadcast_in_dim3A_105 = arith.constant 0.000000e+00 : f32
    %broadcast_in_dim3A_106 = vector.broadcast %broadcast_in_dim3A_105 : f32 to vector<4000x125xf32>
    %concatenate3A = tpu.concatenate %mul3A_104, %broadcast_in_dim3A_106 in 1 : vector<4000x3xf32>, vector<4000x125xf32> -> vector<4000x128xf32>
    %swap3A = arith.constant 0 : index
    %swap3A_107 = arith.constant 0 : index
    %swap3A_108 = vector.load %arg14[%swap3A, %swap3A_107] : memref<4000x128xf32, #tpu.memory_space<vmem>>, vector<4000x128xf32>
    tpu.vector_store %arg14[%swap3A, %swap3A_107], %concatenate3A {strides = array<i32>} : memref<4000x128xf32, #tpu.memory_space<vmem>>, vector<4000x128xf32>,
    return
  }
  func.func @transform_0(%arg0: i32) -> (i32, i32) {
    %c0_i32 = arith.constant 0 : i32
    %c0_i32_0 = arith.constant 0 : i32
    return %arg0, %c0_i32 : i32, i32
  }
  func.func @transform_1(%arg0: i32) -> (i32, i32) {
    %c0_i32 = arith.constant 0 : i32
    %c0_i32_0 = arith.constant 0 : i32
    return %arg0, %c0_i32 : i32, i32
  }
  func.func @transform_2(%arg0: i32) -> (i32, i32) {
    %c0_i32 = arith.constant 0 : i32
    %c0_i32_0 = arith.constant 0 : i32
    return %arg0, %c0_i32 : i32, i32
  }
  func.func @transform_3(%arg0: i32) -> (i32, i32) {
    %c0_i32 = arith.constant 0 : i32
    %c0_i32_0 = arith.constant 0 : i32
    return %arg0, %c0_i32 : i32, i32
  }
  func.func @transform_4(%arg0: i32) -> (i32, i32) {
    %c0_i32 = arith.constant 0 : i32
    %c0_i32_0 = arith.constant 0 : i32
    %c0_i32_1 = arith.constant 0 : i32
    return %c0_i32, %c0_i32_0 : i32, i32
  }
  func.func @transform_5(%arg0: i32) -> (i32, i32) {
    %c0_i32 = arith.constant 0 : i32
    %c0_i32_0 = arith.constant 0 : i32
    %c0_i32_1 = arith.constant 0 : i32
    return %c0_i32, %c0_i32_0 : i32, i32
  }
  func.func @transform_6(%arg0: i32) -> (i32, i32) {
    %c0_i32 = arith.constant 0 : i32
    %c0_i32_0 = arith.constant 0 : i32
    %c0_i32_1 = arith.constant 0 : i32
    return %c0_i32, %c0_i32_0 : i32, i32
  }
  func.func @transform_7(%arg0: i32) -> (i32, i32) {
    %c0_i32 = arith.constant 0 : i32
    %c0_i32_0 = arith.constant 0 : i32
    %c0_i32_1 = arith.constant 0 : i32
    return %c0_i32, %c0_i32_0 : i32, i32
  }
  func.func @transform_8(%arg0: i32) -> (i32, i32) {
    %c0_i32 = arith.constant 0 : i32
    %c0_i32_0 = arith.constant 0 : i32
    %c0_i32_1 = arith.constant 0 : i32
    return %c0_i32, %c0_i32_0 : i32, i32
  }
  func.func @transform_9(%arg0: i32) -> (i32, i32) {
    %c0_i32 = arith.constant 0 : i32
    %c0_i32_0 = arith.constant 0 : i32
    %c0_i32_1 = arith.constant 0 : i32
    return %c0_i32, %c0_i32_0 : i32, i32
  }
  func.func @transform_10(%arg0: i32) -> (i32, i32) {
    %c0_i32 = arith.constant 0 : i32
    %c0_i32_0 = arith.constant 0 : i32
    %c0_i32_1 = arith.constant 0 : i32
    return %c0_i32, %c0_i32_0 : i32, i32
  }
  func.func @transform_11(%arg0: i32) -> (i32, i32) {
    %c0_i32 = arith.constant 0 : i32
    %c0_i32_0 = arith.constant 0 : i32
    %c0_i32_1 = arith.constant 0 : i32
    return %c0_i32, %c0_i32_0 : i32, i32
  }
  func.func @transform_12(%arg0: i32) -> (i32, i32) {
    %c0_i32 = arith.constant 0 : i32
    %c0_i32_0 = arith.constant 0 : i32
    %c0_i32_1 = arith.constant 0 : i32
    return %c0_i32, %c0_i32_0 : i32, i32
  }
  func.func @transform_13(%arg0: i32) -> (i32, i32) {
    %c0_i32 = arith.constant 0 : i32
    %c0_i32_0 = arith.constant 0 : i32
    return %arg0, %c0_i32 : i32, i32
  }
}

module attributes {stable_mosaic.version = 14 : i64} {
  func.func @_x_body(%arg0: i32, %arg1: memref<1000x3xf32, #tpu.memory_space<vmem>>, %arg2: memref<1000x128xf32, #tpu.memory_space<vmem>>, %arg3: memref<1000x128xf32, #tpu.memory_space<vmem>>, %arg4: memref<1000x3xf32, #tpu.memory_space<vmem>>) attributes {dimension_semantics = [#tpu.dimension_semantics<arbitrary>], iteration_bounds = array<i64: 10>, scalar_prefetch = 0 : i64, scratch_operands = 0 : i64, tpu.core_type = #tpu.core_type<tc>, window_params = [{transform_indices = @transform_0, window_bounds = array<i64: 1000, 3>}, {transform_indices = @transform_1, window_bounds = array<i64: 1000, 128>}, {transform_indices = @transform_2, window_bounds = array<i64: 1000, 128>}, {transform_indices = @transform_3, window_bounds = array<i64: 1000, 3>}]} {
    %get3A = arith.constant 0 : index
    %get3A_0 = arith.constant 0 : index
    %get3A_1 = vector.load %arg1[%get3A, %get3A_0] : memref<1000x3xf32, #tpu.memory_space<vmem>>, vector<1000x3xf32>
    %get3A_2 = arith.constant 0 : index
    %get3A_3 = arith.constant 0 : index
    %get3A_4 = vector.load %arg2[%get3A_2, %get3A_3] : memref<1000x128xf32, #tpu.memory_space<vmem>>, vector<1000x3xf32>
    %get3A_5 = arith.constant 0 : index
    %get3A_6 = arith.constant 0 : index
    %get3A_7 = vector.load %arg3[%get3A_5, %get3A_6] : memref<1000x128xf32, #tpu.memory_space<vmem>>, vector<1000x3xf32>
    %add3A = arith.addf %get3A_4, %get3A_7 : vector<1000x3xf32>
    %mul3A = arith.constant 0.00999999977 : f32
    %mul3A_8 = vector.broadcast %mul3A : f32 to vector<1000x3xf32>
    %mul3A_9 = arith.mulf %add3A, %mul3A_8 : vector<1000x3xf32>
    %add3A_10 = arith.addf %get3A_1, %mul3A_9 : vector<1000x3xf32>
    %swap3A = arith.constant 0 : index
    %swap3A_11 = arith.constant 0 : index
    %swap3A_12 = vector.load %arg4[%swap3A, %swap3A_11] : memref<1000x3xf32, #tpu.memory_space<vmem>>, vector<1000x3xf32>
    tpu.vector_store %arg4[%swap3A, %swap3A_11], %add3A_10 {strides = array<i32>} : memref<1000x3xf32, #tpu.memory_space<vmem>>, vector<1000x3xf32>,
    return
  }
  func.func @transform_0(%arg0: i32) -> (i32, i32) {
    %c0_i32 = arith.constant 0 : i32
    %c0_i32_0 = arith.constant 0 : i32
    return %arg0, %c0_i32 : i32, i32
  }
  func.func @transform_1(%arg0: i32) -> (i32, i32) {
    %c0_i32 = arith.constant 0 : i32
    %c0_i32_0 = arith.constant 0 : i32
    return %arg0, %c0_i32 : i32, i32
  }
  func.func @transform_2(%arg0: i32) -> (i32, i32) {
    %c0_i32 = arith.constant 0 : i32
    %c0_i32_0 = arith.constant 0 : i32
    return %arg0, %c0_i32 : i32, i32
  }
  func.func @transform_3(%arg0: i32) -> (i32, i32) {
    %c0_i32 = arith.constant 0 : i32
    %c0_i32_0 = arith.constant 0 : i32
    return %arg0, %c0_i32 : i32, i32
  }
}

</mosaic_0001>

<sc_bundles>
// kernel: kernel.10.cloned.1.call-start
scs
__scs_entry_jumppad:
0x0: {  	(pc) =	sbr.rel $0x88, $3  }
0x1: {  	(tag) =	ssettag $0x0;
	lr =	simm.s32 $0x1  }
0x2: {  	[smem:$0x3F8E] =	sst lr;
	_ =	strace $0xD0000000  }
0x3: {  	_ = 	snop  }
0x4: {  	_ = 	snop  }
0x5: {  	_ = 	snop  }
0x6: {  	_ = 	snop  }
0x7: {  	_ = 	snop  }
__scs_overlays_trampoline_lowered:
0x8: {  	[smem:$0x3F9D] =	sst s0  }
0x9: {  	[smem:$0x3F9E] =	sst s1  }
0xa: {  	[smem:$0x3F9F] =	sst s2  }
0xb: {  	[smem:$0x3FA0] =	sst s3  }
0xc: {  	[smem:$0x3FA1] =	sst s4  }
0xd: {  	[smem:$0x3FA2] =	sst s5  }
0xe: {  	[smem:$0x3FA3] =	sst s6  }
0xf: {  	[smem:$0x3FA4] =	sst s7  }
0x10: {  	[smem:$0x3FA5] =	sst s8  }
0x11: {  	[smem:$0x3FA6] =	sst s9;
	s0 =	simm.s32 @!p0 $0x0  }
0x12: {  	s1 =	sld [smem:$0x3F8C];
	s0 =	simm.s32 @p0 $0x1  }
0x13: {  	[smem:$0x3FA7] =	sst s0;
	s0 =	simm.s32 @!p1 $0x0  }
0x14: {  	s2 =	sld [smem:$0x3F8B];
	s0 =	simm.s32 @p1 $0x1  }
0x15: {  	[smem:$0x3FA8] =	sst s0;
	s0 =	simm.s32 @!p2 $0x0  }
0x16: {  	s3 =	sld [smem:$0x3FDB];
	s0 =	simm.s32 @p2 $0x1  }
0x17: {  	s4 =	simm.s32 $0x1BF5;
	[smem:$0x3FAA] =	sst s0  }
0x18: {  	s0 =	sld [smem:$0x3F8D];
	_ =	swait.ge [sflag:s4], $0x0  }
0x19: {  	s7 =	sld [smem:$0x3F8E]  }
0x1a: {  	s8 =	sadd.s32 $0xFFFFE003, lr  }
0x1b: {  	s9 =	sadd.s32 $0xFFFFFEF7, lr;
	s5 =	simm.s32 $0xFFFFFFFF;
	p2 =	slt.u32 s8, $0xFFFFF086  }
0x1c: {  	p1 =	slt.u32 s9, $0xF7A;
	s5 =	simm.s32 @!p2 $0x0  }
0x1d: {  	s5 =	simm.s32 @p1 $0x1;
	p0 =	seq.s32 s7, s2  }
0x1e: {  	s7 =	smul.u32 @!p0 $0xF7A, s2;
	p2 =	seq.s32 @!p0 s5, $0x0  }
0x1f: {  	s9 =	smul.u32 $0xF7A, s1;
	s8 =	simm.s32 @!p0 $0x1BF5;
	p2 =	por !p2, p0  }
0x20: {  	[sflag:s8] =	ssyncset.s32 @!p0 $0xFFFFF086;
	s6 =	sadd.s32 @!p0 s3, s7;
	s7 =	simm.s32 @!p0 $0x108  }
0x21: {  	s3 =	sadd.s32 s3, s9;
	s6 =	sadd.s32 @!p0 $0x88, s6;
	s7 =	simm.s32 @p2 $0x1082  }
0x22: {  	[simem:s7], [sflag:s8] =	dma.local @!p0 [hbm:s6], $0xF7A  }
0x23: {  	s9 =	sor.u32 $0xD0000000, s2;
	s6 =	simm.s32 $0x108;
	_ =	swait.ge @!p0 [sflag:s8], $0x0  }
0x24: {  	s3 =	sadd.s32 $0x88, s3;
	s6 =	simm.s32 @!p1 $0x1082;
	[sflag:s4] =	ssyncset.s32 $0xFFFFF086  }
0x25: {  	[simem:s6], [sflag:s4] =	dma.local [hbm:s3], $0xF7A  }
0x26: {  	[smem:$0x3F8E] =	sst s1;
	(tag) =	ssettag s2;
	_ =	strace s9  }
0x27: {  	s1 =	sld [smem:$0x3F9E]  }
0x28: {  	s2 =	sld [smem:$0x3F9F]  }
0x29: {  	s4 =	sld [smem:$0x3FA1]  }
0x2a: {  	p0 =	seq.s32 s5, $0x0;
	s5 =	sld [smem:$0x3FA2]  }
0x2b: {  	s6 =	sld [smem:$0x3FA3]  }
0x2c: {  	s7 =	sld [smem:$0x3FA4]  }
0x2d: {  	s3 =	simm.s32 $0x108;
	s8 =	sld [smem:$0x3FA5]  }
0x2e: {  	s3 =	simm.s32 @!p0 $0x1082;
	s9 =	sld [smem:$0x3FA6]  }
0x2f: {  	lr =	sadd.s32 s0, s3;
	s0 =	sld [smem:$0x3F9D]  }
0x30: {  	s3 =	sld [smem:$0x3FA0]  }
0x31: {  	[smem:$0x3FA9] =	sst s10  }
0x32: {  	s10 =	sld [smem:$0x3FA7];
	_ =	sdelay $0x3  }
0x33: {  	p0 =	seq.s32 s10, $0x1;
	s10 =	sld [smem:$0x3FA9];
	_ =	sdelay $0x3  }
0x34: {  	[smem:$0x3FA9] =	sst s10  }
0x35: {  	s10 =	sld [smem:$0x3FA8];
	_ =	sdelay $0x3  }
0x36: {  	p1 =	seq.s32 s10, $0x1;
	s10 =	sld [smem:$0x3FA9];
	_ =	sdelay $0x3  }
0x37: {  	[smem:$0x3FA9] =	sst s10  }
0x38: {  	s10 =	sld [smem:$0x3FAA]  }
0x39: {  	_ = 	snop;
	(pc) =	sbr.ind lr, $3  }
0x3a: {  	_ = 	snop  }
0x3b: {  	_ = 	snop  }
0x3c: {  	p2 =	seq.s32 s10, $0x1;
	s10 =	sld [smem:$0x3FA9]  }
0x3d: {  	_ =	shalt  }
0x3e: {  	_ =	shalt  }
0x3f: {  	_ =	shalt  }
0x40: {  	_ =	shalt  }
0x41: {  	_ =	shalt  }
0x42: {  	_ =	shalt  }
0x43: {  	_ =	shalt  }
0x44: {  	_ =	shalt  }
0x45: {  	_ =	shalt  }
0x46: {  	_ =	shalt  }
0x47: {  	_ =	shalt  }
0x48: {  	_ =	shalt  }
0x49: {  	_ =	shalt  }
0x4a: {  	_ =	shalt  }
0x4b: {  	_ =	shalt  }
0x4c: {  	_ =	shalt  }
0x4d: {  	_ =	shalt  }
0x4e: {  	_ =	shalt  }
0x4f: {  	_ =	shalt  }
0x50: {  	_ =	shalt  }
0x51: {  	_ =	shalt  }
0x52: {  	_ =	shalt  }
0x53: {  	_ =	shalt  }
0x54: {  	_ =	shalt  }
0x55: {  	_ =	shalt  }
0x56: {  	_ =	shalt  }
0x57: {  	_ =	shalt  }
0x58: {  	_ =	shalt  }
0x59: {  	_ =	shalt  }
0x5a: {  	_ =	shalt  }
0x5b: {  	_ =	shalt  }
0x5c: {  	_ =	shalt  }
0x5d: {  	_ =	shalt  }
0x5e: {  	_ =	shalt  }
0x5f: {  	_ =	shalt  }
0x60: {  	_ =	shalt  }
0x61: {  	_ =	shalt  }
0x62: {  	_ =	shalt  }
0x63: {  	_ =	shalt  }
0x64: {  	_ =	shalt  }
0x65: {  	_ =	shalt  }
0x66: {  	_ =	shalt  }
0x67: {  	_ =	shalt  }
0x68: {  	_ =	shalt  }
0x69: {  	_ =	shalt  }
0x6a: {  	_ =	shalt  }
0x6b: {  	_ =	shalt  }
0x6c: {  	_ =	shalt  }
0x6d: {  	_ =	shalt  }
0x6e: {  	_ =	shalt  }
0x6f: {  	_ =	shalt  }
0x70: {  	_ =	shalt  }
0x71: {  	_ =	shalt  }
0x72: {  	_ =	shalt  }
0x73: {  	_ =	shalt  }
0x74: {  	_ =	shalt  }
0x75: {  	_ =	shalt  }
0x76: {  	_ =	shalt  }
0x77: {  	_ =	shalt  }
0x78: {  	_ =	shalt  }
0x79: {  	_ =	shalt  }
0x7a: {  	_ =	shalt  }
0x7b: {  	_ =	shalt  }
0x7c: {  	_ =	shalt  }
0x7d: {  	_ =	shalt  }
0x7e: {  	_ =	shalt  }
0x7f: {  	_ =	shalt  }
0x80: {  	_ =	shalt  }
0x81: {  	_ =	shalt  }
0x82: {  	_ =	shalt  }
0x83: {  	_ =	shalt  }
0x84: {  	_ =	shalt  }
0x85: {  	_ =	shalt  }
0x86: {  	_ =	shalt  }
0x87: {  	_ =	shalt  }
.Lfunc_end0:
.L_simem_size_0:
called_computation_lowered:
.L_overlay_start_0:
0x88: {  	s2 =	sld [smem:$0x3FD9]  }
0x89: {  	s3 =	sld [smem:$0x3FFE];
	_ =	sdelay $0x1  }
0x8a: {  	s1 =	srdreg.scid  }
0x8b: {  	s0 =	sand.u32 $0x1, s1  }
0x8c: {  	s14 =	sshll.u32 s0, $0xA;
	s2 =	sadd.s32 s3, s2  }
0x8d: {  	s2 =	sadd.s32 s2, s14  }
0x8e: {  	[smem:$0x3FB5] =	sst s2  }
0x8f: {  	_ = 	snop  }
0x90: {  	s2 =	sld [smem:$0x3FD0];
	_ =	sdelay $0x2  }
0x91: {  	s15 =	simm.s32 $0xA;
	s4 =	simm.s32 $0x10  }
0x92: {  	[smem:s4], [sflag:s15] =	dma.local [hbm:s2], $0x1  }
0x93: {  	_ =	swait.eq [sflag:s15], $0x1  }
0x94: {  	[sflag:s15] =	ssyncset.done $0x0  }
0x95: {  	[sflag:s15] =	ssyncadd.s32 $0xFFFFFFFF  }
0x96: {  	s16 =	sld [smem:$0x10];
	(tm) =	ssettm $0x1  }
0x97: {  	s17 =	sld [smem:$0x3FFB];
	_ =	sdelay $0x3  }
0x98: {  	_ =	strace s17  }
0x99: {  	s3 =	sld [smem:$0x3FFC];
	_ =	sdelay $0x3  }
0x9a: {  	_ =	strace s3  }
0x9b: {  	s3 =	sld [smem:$0x3FFD];
	_ =	sdelay $0x3  }
0x9c: {  	_ =	strace s3  }
0x9d: {  	_ =	strace $0x8FFFFFFF  }
0x9e: {  	s18 =	sld [smem:$0x3FDB];
	_ =	sdelay $0x1  }
0x9f: {  	s19 =	simm.s32 $_scs_section_size  }
0xa0: {  	s5 =	simm.s32 $_size__tile_overlayer_lowered;
	s6 =	simm.s32 $_tile_overlayer_lowered  }
0xa1: {  	s22 =	simm.s32 $0x1BFF;
	s21 =	sshll.u32 s6, $0x1;
	s3 =	sadd.s32 s19, s18  }
0xa2: {  	s7 =	simm.s32 $0x0;
	s20 =	sshll.u32 s5, $0x1;
	s5 =	sadd.s32 s21, s3  }
0xa3: {  	[timem:s7], [sflag:s22] =	dma.local [hbm:s5], s20  }
0xa4: {  	_ =	swait.ge [sflag:s22], s20  }
0xa5: {  	s4 =	ssub.s32 $0x0, s20;
	[sflag:s22] =	ssyncset.done $0x0  }
0xa6: {  	[sflag:s22] =	ssyncadd.s32 s4;
	_ =	sdelay $0x1  }
0xa7: {  	s23 =	simm.s32 $0x1B8B  }
0xa8: {  	_ =	swait.ge [sflag:s23], $0x1  }
0xa9: {  	[sflag:s23] =	ssyncset.done $0x0  }
0xaa: {  	s25 =	simm.s32 $0x1B8E;
	s24 =	sld [smem:$0x3FFE];
	[sflag:s23] =	ssyncadd.s32 $0xFFFFFFFF  }
0xab: {  	s26 =	simm.s32 $execute0_lowered;
	[smem:$0x3FD2] =	sst s25  }
0xac: {  	s5 =	sshll.u32 s26, $0x1;
	_ =	strace $0x80000046;
	[dreg:$0x1] =	wrdreg $0xFFFFFFFF  }
0xad: {  	s28 =	simm.s32 $_size_execute0_lowered;
	s3 =	sadd.s32 s3, s5;
	[dreg:$0x0] =	wrdreg $0x0  }
0xae: {  	s5 =	sshll.u32 s28, $0x1;
	[dreg:$0x2] =	wrdreg s3  }
0xaf: {  	[dreg:$0x3] =	wrdreg s5  }
0xb0: {  	[dreg:$0x4] =	wrdreg $0xC0  }
0xb1: {  	_ =	task [dreg:s7], $0x5FFFF  }
0xb2: {  	[dreg:$0x1] =	wrdreg $0xFFFFFFFF  }
0xb3: {  	[dreg:$0x0] =	wrdreg $0x60  }
0xb4: {  	[dreg:$0x2] =	wrdreg s16  }
0xb5: {  	[dreg:$0x3] =	wrdreg s24  }
0xb6: {  	[dreg:$0x4] =	wrdreg $0x9  }
0xb7: {  	_ =	task.clear_ibuf [dreg:s7], $0x5FFFF;
	_ =	strace $0x90000046  }
0xb8: {  	s29 =	simm.s32 $0x9;
	_ =	strace $0x80000048  }
0xb9: {  	_ =	swait.ge [sflag:s29], $0x1  }
0xba: {  	[sflag:s29] =	ssyncadd.s32 $0xFFFFFFFF  }
0xbb: {  	_ =	strace $0x90000048  }
0xbc: {  	_ =	sfence  }
0xbd: {  	s30 =	sld [smem:$0x0];
	_ =	sdelay $0x2  }
0xbe: {  	s31 =	sshll.u32 s1, $0xD;
	s1 =	sshrl.u32 s1, $0x2  }
0xbf: {  	s3 =	sand.u32 $0x4000, s31;
	s1 =	sadd.s32 s1, s30  }
0xc0: {  	s0 =	sor.u32 s3, s0;
	s1 =	sshll.u32 s1, $0x11  }
0xc1: {  	s0 =	sor.u32 s1, s0  }
0xc2: {  	s0 =	sadd.s32 $0x8F2B, s0  }
0xc3: {  	[sflag:s0] =	ssyncadd.remote.s32 $0x1  }
0xc4: {  	_ =	sfence.sel $0xFFFF  }
0xc5: {  	[dreg:$0x0] =	wrdreg $0xFFFFFFFF;
	(pc) =	sbr.abs _section_cstart, $3  }
0xc6: {  	[dreg:$0x1] =	wrdreg $0xFFFFFFFF  }
0xc7: {  	_ =	task.clear_ibuf [dreg:s7], $0x2FFFF;
	_ =	strace $0x9FFFFFFF  }
0xc8: {  	(tm) =	ssettm $0x7FFFFFFF  }
0xc9: {  	_ =	shalt  }
tec
execute0_lowered:
.L_overlay_start_1:
0x0: {  	(tag) =	ssettag $0x1  }
0x1: {  	s1 =	srdreg.scid;
	s2 =	rddreg [dreg:$0x0]  }
0x2: {  	s0 =	stileid.u32;
	s4 =	rddreg [dreg:$0x1]  }
0x3: {  	s3 =	simm.s32 $0x0;
	s14 =	simm.s32 $0x4F00;
	s15 =	simm.s32 $0x7700  }
0x4: {  	s16 =	simm.s32 $0x9F00;
	s17 =	simm.s32 $0xC700;
	s18 =	simm.s32 $0x1  }
0x5: {  	s19 =	simm.s32 $0x2;
	s8 =	sand.u32 $0x1, s1;
	s1 =	rddreg [dreg:$0x2]  }
0x6: {  	s20 =	simm.s32 $0x0;
	s29 =	sshll.u32 s0, $0x1;
	[smem:$0x7FF] =	sst s3  }
0x7: {  	s9 =	sadd.s32 $0x19600, s4;
	s12 =	smul.u32 $0x4E200, s0;
	s5 =	sor.u32 s8, s29  }
0x8: {  	s10 =	sadd.s32 $0x4FB600, s4;
	s7 =	ssub.s32 $0x2, s8;
	s6 =	smul.u32 $0x2710, s5  }
0x9: {  	_ =	strace $0x80000047;
	s5 =	smul.u32 $0x138800, s5;
	s30 =	sshrl.u32 s7, $0x1  }
0xa: {  	s13 =	smul.u32 $0x27100, s8;
	s11 =	ssub.s32 s7, s30;
	s6 =	sshrl.u32 s6, $0x3  }
0xb: {  	s31 =	sshrl.u32 s5, $0x3;
	s8 =	smax.u32 s11, $0x1;
	s6 =	sadd.s32 s6, s4  }
0xc: {  	s11 =	simm.s32 $0x3;
	s7 =	sadd.s32 $0x26C00, s31;
	s4 =	sadd.s32 $0xF800, s6  }
0xd: {  	s5 =	sadd.s32 $0x5A00, s6;
	s6 =	sadd.s32 s9, s7;
	s7 =	sadd.s32 s10, s7  }
0xe: {  	s9 =	sadd.s32 s12, s9;
	s10 =	sadd.s32 s12, s10;
	s12 =	simm.s32 $0x2780  }
0xf: {  	s9 =	sadd.s32 s13, s9;
	s10 =	sadd.s32 s13, s10;
	s13 =	simm.s32 $0x50  }
.LBB2_1:
0x10: {  	[tilespmem:s3], [sflag:$0x3] =	stream.linear.gather [hbm4b:s4+s3], $0x2710, $0x38;
	[tilespmem:$0xEF00] =	vst v63  }
0x11: {  	_ =	swait.ge [sflag:s11], $0x2710  }
0x12: {  	[sflag:s11] =	ssyncset.done $0x0  }
0x13: {  	[sflag:s11] =	ssyncadd.s32 $0xFFFFD8F0  }
0x14: {  	[tilespmem:s12], [sflag:$0x3] =	stream.linear.gather [hbm4b:s5+s3], $0x2710, $0x38;
	[tilespmem:$0xEF00] =	vst v63  }
0x15: {  	_ =	swait.ge [sflag:s11], $0x2710  }
0x16: {  	[sflag:s11] =	ssyncset.done $0x0  }
0x17: {  	[sflag:s11] =	ssyncadd.s32 $0xFFFFD8F0  }
0x18: {  	[tilespmem:s14], [sflag:$0x1] =	stream.indirect.gather [hbm4b:s2+s13], $0x80, s3, s13, $0xb8;
	[tilespmem:$0xEF00] =	vst v63  }
0x19: {  	_ = 	snop  }
0x1a: {  	[tilespmem:s15], [sflag:$0x1] =	stream.indirect.gather [hbm4b:s2+s13], $0x80, s12, s13, $0xb8;
	[tilespmem:$0xEF00] =	vst v63  }
0x1b: {  	s21 =	simm.s32 $0x50  }
0x1c: {  	[tilespmem:s16], [sflag:$0x2] =	stream.indirect.gather [hbm4b:s2+s13], $0x80, s21, s13, $0xb8;
	[tilespmem:$0xEF00] =	vst v63  }
0x1d: {  	s26 =	simm.s32 $0x27D0  }
0x1e: {  	[tilespmem:s17], [sflag:$0x2] =	stream.indirect.gather [hbm4b:s2+s13], $0x80, s26, s13, $0xb8;
	[tilespmem:$0xEF00] =	vst v63  }
0x1f: {  	_ =	swait.ge [sflag:s18], $0x2800  }
0x20: {  	[sflag:s18] =	ssyncset.done $0x0  }
0x21: {  	[sflag:s18] =	ssyncadd.s32 $0xFFFFD800  }
0x22: {  	_ =	swait.ge [sflag:s18], $0x2800  }
0x23: {  	[sflag:s18] =	ssyncset.done $0x0  }
0x24: {  	[sflag:s18] =	ssyncadd.s32 $0xFFFFD800  }
0x25: {  	[hbm4b:s9+s3] =	stream.linear.scatter [tilespmem:s14], [sflag:$0x3], $0x2800, $0x38;
	[tilespmem:$0xEF00] =	vst v63  }
0x26: {  	_ =	swait.ge [sflag:s11], $0x2800  }
0x27: {  	[sflag:s11] =	ssyncset.done $0x0  }
0x28: {  	[sflag:s11] =	ssyncadd.s32 $0xFFFFD800  }
0x29: {  	[hbm4b:s10+s3] =	stream.linear.scatter [tilespmem:s15], [sflag:$0x3], $0x2800, $0x38;
	[tilespmem:$0xEF00] =	vst v63  }
0x2a: {  	_ =	swait.ge [sflag:s11], $0x2800  }
0x2b: {  	[sflag:s11] =	ssyncset.done $0x0  }
0x2c: {  	s28 =	simm.s32 $0xA0;
	[sflag:s11] =	ssyncadd.s32 $0xFFFFD800  }
0x2d: {  	[tilespmem:s14], [sflag:$0x1] =	stream.indirect.gather [hbm4b:s2+s13], $0x80, s28, s13, $0xb8;
	[tilespmem:$0xEF00] =	vst v63  }
0x2e: {  	s29 =	simm.s32 $0x2820  }
0x2f: {  	[tilespmem:s15], [sflag:$0x1] =	stream.indirect.gather [hbm4b:s2+s13], $0x80, s29, s13, $0xb8;
	[tilespmem:$0xEF00] =	vst v63  }
0x30: {  	_ =	swait.ge [sflag:s19], $0x2800  }
0x31: {  	[sflag:s19] =	ssyncset.done $0x0  }
0x32: {  	[sflag:s19] =	ssyncadd.s32 $0xFFFFD800  }
0x33: {  	_ =	swait.ge [sflag:s19], $0x2800  }
0x34: {  	[sflag:s19] =	ssyncset.done $0x0  }
0x35: {  	s30 =	sadd.s32 $0x500, s9;
	[sflag:s19] =	ssyncadd.s32 $0xFFFFD800  }
0x36: {  	[hbm4b:s30+s3] =	stream.linear.scatter [tilespmem:s16], [sflag:$0x3], $0x2800, $0x38;
	[tilespmem:$0xEF00] =	vst v63  }
0x37: {  	_ =	swait.ge [sflag:s11], $0x2800  }
0x38: {  	[sflag:s11] =	ssyncset.done $0x0  }
0x39: {  	s31 =	sadd.s32 $0x500, s10;
	[sflag:s11] =	ssyncadd.s32 $0xFFFFD800  }
0x3a: {  	[hbm4b:s31+s3] =	stream.linear.scatter [tilespmem:s17], [sflag:$0x3], $0x2800, $0x38;
	[tilespmem:$0xEF00] =	vst v63  }
0x3b: {  	s23 =	simm.s32 $0xA0;
	s22 =	sadd.s32 $0xA00, s9;
	_ =	swait.ge [sflag:s11], $0x2800  }
0x3c: {  	s21 =	sadd.s32 $0xA00, s10;
	s26 =	simm.s32 $0x500;
	[sflag:s11] =	ssyncset.done $0x0  }
.LBB2_2:
0x3d: {  	s28 =	sadd.s32 $0x50, s23  }
0x3e: {  	[sflag:s11] =	ssyncadd.s32 $0xFFFFD800;
	s25 =	smov.u32 s26;
	s24 =	sadd.s32 $0x280, s26  }
0x3f: {  	[tilespmem:s16], [sflag:$0x2] =	stream.indirect.gather [hbm4b:s2+s13], $0x80, s28, s13, $0xb8;
	[tilespmem:$0xEF00] =	vst v63  }
0x40: {  	p0 =	sne.s32 s26, $0x9880;
	s26 =	sadd.s32 $0x27D0, s23  }
0x41: {  	[tilespmem:s17], [sflag:$0x2] =	stream.indirect.gather [hbm4b:s2+s13], $0x80, s26, s13, $0xb8;
	[tilespmem:$0xEF00] =	vst v63  }
0x42: {  	_ =	swait.ge [sflag:s18], $0x2800  }
0x43: {  	[sflag:s18] =	ssyncset.done $0x0  }
0x44: {  	[sflag:s18] =	ssyncadd.s32 $0xFFFFD800  }
0x45: {  	_ =	swait.ge [sflag:s18], $0x2800  }
0x46: {  	[sflag:s18] =	ssyncset.done $0x0  }
0x47: {  	[sflag:s18] =	ssyncadd.s32 $0xFFFFD800  }
0x48: {  	[hbm4b:s22+s3] =	stream.linear.scatter [tilespmem:s14], [sflag:$0x3], $0x2800, $0x38;
	[tilespmem:$0xEF00] =	vst v63  }
0x49: {  	_ =	swait.ge [sflag:s11], $0x2800  }
0x4a: {  	[sflag:s11] =	ssyncset.done $0x0  }
0x4b: {  	[sflag:s11] =	ssyncadd.s32 $0xFFFFD800  }
0x4c: {  	[hbm4b:s21+s3] =	stream.linear.scatter [tilespmem:s15], [sflag:$0x3], $0x2800, $0x38;
	[tilespmem:$0xEF00] =	vst v63  }
0x4d: {  	_ =	swait.ge [sflag:s11], $0x2800  }
0x4e: {  	[sflag:s11] =	ssyncset.done $0x0  }
0x4f: {  	s26 =	sadd.s32 $0xA0, s23;
	[sflag:s11] =	ssyncadd.s32 $0xFFFFD800  }
0x50: {  	[tilespmem:s14], [sflag:$0x1] =	stream.indirect.gather [hbm4b:s2+s13], $0x80, s26, s13, $0xb8;
	[tilespmem:$0xEF00] =	vst v63  }
0x51: {  	s23 =	sadd.s32 $0x2820, s23  }
0x52: {  	[tilespmem:s15], [sflag:$0x1] =	stream.indirect.gather [hbm4b:s2+s13], $0x80, s23, s13, $0xb8;
	[tilespmem:$0xEF00] =	vst v63  }
0x53: {  	_ =	swait.ge [sflag:s19], $0x2800  }
0x54: {  	[sflag:s19] =	ssyncset.done $0x0  }
0x55: {  	[sflag:s19] =	ssyncadd.s32 $0xFFFFD800  }
0x56: {  	_ =	swait.ge [sflag:s19], $0x2800  }
0x57: {  	[sflag:s19] =	ssyncset.done $0x0  }
0x58: {  	s23 =	sadd.s32 $0x500, s22;
	[sflag:s19] =	ssyncadd.s32 $0xFFFFD800  }
0x59: {  	[hbm4b:s23+s3] =	stream.linear.scatter [tilespmem:s16], [sflag:$0x3], $0x2800, $0x38;
	[tilespmem:$0xEF00] =	vst v63  }
0x5a: {  	_ =	swait.ge [sflag:s11], $0x2800  }
.Ltmp0:
0x5b: {  	[sflag:s11] =	ssyncset.done $0x0;
	(pc) =	sbr.rel @p0 .LBB2_2-.Ltmp0, $4  }
0x5c: {  	s23 =	sadd.s32 $0x500, s21;
	[sflag:s11] =	ssyncadd.s32 $0xFFFFD800  }
0x5d: {  	[hbm4b:s23+s3] =	stream.linear.scatter [tilespmem:s17], [sflag:$0x3], $0x2800, $0x38;
	[tilespmem:$0xEF00] =	vst v63  }
0x5e: {  	s26 =	smov.u32 s24;
	s21 =	sadd.s32 $0xA00, s21;
	_ =	swait.ge [sflag:s11], $0x2800  }
0x5f: {  	s22 =	sadd.s32 $0xA00, s22;
	s23 =	sshra.s32 s25, $0x2;
	[sflag:s11] =	ssyncset.done $0x0  }
0x60: {  	s24 =	sadd.s32 $0x50, s23;
	[sflag:s11] =	ssyncadd.s32 $0xFFFFD800  }
0x61: {  	[tilespmem:s16], [sflag:$0x2] =	stream.indirect.gather [hbm4b:s2+s13], $0x80, s24, s13, $0xb8;
	[tilespmem:$0xEF00] =	vst v63  }
0x62: {  	s26 =	sadd.s32 $0x27D0, s23  }
0x63: {  	[tilespmem:s17], [sflag:$0x2] =	stream.indirect.gather [hbm4b:s2+s13], $0x80, s26, s13, $0xb8;
	[tilespmem:$0xEF00] =	vst v63  }
0x64: {  	_ =	swait.ge [sflag:s18], $0x2800  }
0x65: {  	[sflag:s18] =	ssyncset.done $0x0  }
0x66: {  	[sflag:s18] =	ssyncadd.s32 $0xFFFFD800  }
0x67: {  	_ =	swait.ge [sflag:s18], $0x2800  }
0x68: {  	[sflag:s18] =	ssyncset.done $0x0  }
0x69: {  	[sflag:s18] =	ssyncadd.s32 $0xFFFFD800  }
0x6a: {  	[hbm4b:s22+s3] =	stream.linear.scatter [tilespmem:s14], [sflag:$0x3], $0x2800, $0x38;
	[tilespmem:$0xEF00] =	vst v63  }
0x6b: {  	_ =	swait.ge [sflag:s11], $0x2800  }
0x6c: {  	[sflag:s11] =	ssyncset.done $0x0  }
0x6d: {  	[sflag:s11] =	ssyncadd.s32 $0xFFFFD800  }
0x6e: {  	[hbm4b:s21+s3] =	stream.linear.scatter [tilespmem:s15], [sflag:$0x3], $0x2800, $0x38;
	[tilespmem:$0xEF00] =	vst v63  }
0x6f: {  	_ =	swait.ge [sflag:s11], $0x2800  }
0x70: {  	[sflag:s11] =	ssyncset.done $0x0  }
0x71: {  	s28 =	sadd.s32 $0xA0, s23;
	[sflag:s11] =	ssyncadd.s32 $0xFFFFD800  }
0x72: {  	[tilespmem:s14], [sflag:$0x1] =	stream.indirect.gather [hbm4b:s2+s13], $0x80, s28, s13, $0xb8;
	[tilespmem:$0xEF00] =	vst v63  }
0x73: {  	s29 =	sadd.s32 $0x2820, s23  }
0x74: {  	[tilespmem:s15], [sflag:$0x1] =	stream.indirect.gather [hbm4b:s2+s13], $0x80, s29, s13, $0xb8;
	[tilespmem:$0xEF00] =	vst v63  }
0x75: {  	_ =	swait.ge [sflag:s19], $0x2800  }
0x76: {  	[sflag:s19] =	ssyncset.done $0x0  }
0x77: {  	[sflag:s19] =	ssyncadd.s32 $0xFFFFD800  }
0x78: {  	_ =	swait.ge [sflag:s19], $0x2800  }
0x79: {  	[sflag:s19] =	ssyncset.done $0x0  }
0x7a: {  	s30 =	sadd.s32 $0x500, s22;
	[sflag:s19] =	ssyncadd.s32 $0xFFFFD800  }
0x7b: {  	[hbm4b:s30+s3] =	stream.linear.scatter [tilespmem:s16], [sflag:$0x3], $0x2800, $0x38;
	[tilespmem:$0xEF00] =	vst v63  }
0x7c: {  	_ =	swait.ge [sflag:s11], $0x2800  }
0x7d: {  	[sflag:s11] =	ssyncset.done $0x0  }
0x7e: {  	s31 =	sadd.s32 $0x500, s21;
	[sflag:s11] =	ssyncadd.s32 $0xFFFFD800  }
0x7f: {  	[hbm4b:s31+s3] =	stream.linear.scatter [tilespmem:s17], [sflag:$0x3], $0x2800, $0x38;
	[tilespmem:$0xEF00] =	vst v63  }
0x80: {  	_ =	swait.ge [sflag:s11], $0x2800  }
0x81: {  	[sflag:s11] =	ssyncset.done $0x0  }
0x82: {  	[sflag:s11] =	ssyncadd.s32 $0xFFFFD800  }
0x83: {  	_ =	swait.ge [sflag:s18], $0x2800  }
0x84: {  	[sflag:s18] =	ssyncset.done $0x0  }
0x85: {  	[sflag:s18] =	ssyncadd.s32 $0xFFFFD800  }
0x86: {  	_ =	swait.ge [sflag:s18], $0x2800  }
0x87: {  	[sflag:s18] =	ssyncset.done $0x0  }
0x88: {  	[sflag:s18] =	ssyncadd.s32 $0xFFFFD800  }
0x89: {  	[hbm4b:s6+s3] =	stream.linear.scatter [tilespmem:s14], [sflag:$0x3], $0x2800, $0x38;
	[tilespmem:$0xEF00] =	vst v63  }
0x8a: {  	s20 =	sadd.s32 $0x1, s20;
	_ =	swait.ge [sflag:s11], $0x2800  }
0x8b: {  	p0 =	sne.s32 s20, s8;
	[sflag:s11] =	ssyncset.done $0x0  }
.Ltmp1:
0x8c: {  	[sflag:s11] =	ssyncadd.s32 $0xFFFFD800;
	(pc) =	sbr.rel @p0 .LBB2_1-.Ltmp1, $4  }
0x8d: {  	[hbm4b:s7+s3] =	stream.linear.scatter [tilespmem:s15], [sflag:$0x3], $0x2800, $0x38;
	[tilespmem:$0xEF00] =	vst v63  }
0x8e: {  	_ =	swait.ge [sflag:s11], $0x2800  }
0x8f: {  	[sflag:s11] =	ssyncset.done $0x0  }
0x90: {  	[sflag:s11] =	ssyncadd.s32 $0xFFFFD800  }
0x91: {  	_ =	sfence.sel $0x180000  }
0x92: {  	[bflag:$0x0] =	sbarrier.arrive $0xFFFF  }
0x93: {  	p0 =	sne.s32 s0, $0x0;
	_ =	strace $0x90000047  }
0x94: {  	s0 =	sadd.s32 @!p0 $0x100000, s1;
	[bflag:$0x2] =	sbarrier.arrive $0xFFFF  }
0x95: {  	[sflag:s0] =	ssyncadd.tile.s32 @!p0 $0x1;
	_ =	shalt  }
.Lfunc_end2:
_tile_overlayer_lowered:
.L_overlay_start_2:
0x96: {  	(tag) =	ssettag $0x2  }
0x97: {  	s0 =	rddreg [dreg:$0x0];
	s2 =	stileid.u32  }
0x98: {  	s1 =	rddreg [dreg:$0x1];
	p0 =	sne.s32 s2, $0x0  }
0x99: {  	s3 =	rddreg [dreg:$0x2];
	[bflag:$0x3] =	sbarrier.arrive $0xFFFF;
	s2 =	simm.s32 @!p0 $0x1C03  }
0x9a: {  	[timem:s3], [sflag:s2] =	dma.local @!p0 [hbm:s0], s1  }
0x9b: {  	s0 =	simm.s32 @!p0 $0x3  }
0x9c: {  	_ =	swait.ge @!p0 [sflag:s0], s1  }
0x9d: {  	s1 =	ssub.s32 @!p0 $0x0, s1;
	[sflag:s0] =	ssyncset.done @!p0 $0x0  }
0x9e: {  	[sflag:s0] =	ssyncadd.s32 @!p0 s1  }
0x9f: {  	[bflag:$0x3] =	sbarrier.arrive $0xFFFF  }
0xa0: {  	_ =	shalt  }

// kernel: kernel.13.cloned.1.call-start
scs
__scs_entry_jumppad:
0x0: {  	(pc) =	sbr.rel $0x88, $3  }
0x1: {  	(tag) =	ssettag $0x0;
	lr =	simm.s32 $0x1  }
0x2: {  	[smem:$0x3F8E] =	sst lr;
	_ =	strace $0xD0000000  }
0x3: {  	_ = 	snop  }
0x4: {  	_ = 	snop  }
0x5: {  	_ = 	snop  }
0x6: {  	_ = 	snop  }
0x7: {  	_ = 	snop  }
__scs_overlays_trampoline_lowered:
0x8: {  	[smem:$0x3F9D] =	sst s0  }
0x9: {  	[smem:$0x3F9E] =	sst s1  }
0xa: {  	[smem:$0x3F9F] =	sst s2  }
0xb: {  	[smem:$0x3FA0] =	sst s3  }
0xc: {  	[smem:$0x3FA1] =	sst s4  }
0xd: {  	[smem:$0x3FA2] =	sst s5  }
0xe: {  	[smem:$0x3FA3] =	sst s6  }
0xf: {  	[smem:$0x3FA4] =	sst s7  }
0x10: {  	[smem:$0x3FA5] =	sst s8  }
0x11: {  	[smem:$0x3FA6] =	sst s9;
	s0 =	simm.s32 @!p0 $0x0  }
0x12: {  	s1 =	sld [smem:$0x3F8C];
	s0 =	simm.s32 @p0 $0x1  }
0x13: {  	[smem:$0x3FA7] =	sst s0;
	s0 =	simm.s32 @!p1 $0x0  }
0x14: {  	s2 =	sld [smem:$0x3F8B];
	s0 =	simm.s32 @p1 $0x1  }
0x15: {  	[smem:$0x3FA8] =	sst s0;
	s0 =	simm.s32 @!p2 $0x0  }
0x16: {  	s3 =	sld [smem:$0x3FDB];
	s0 =	simm.s32 @p2 $0x1  }
0x17: {  	s4 =	simm.s32 $0x1BF5;
	[smem:$0x3FAA] =	sst s0  }
0x18: {  	s0 =	sld [smem:$0x3F8D];
	_ =	swait.ge [sflag:s4], $0x0  }
0x19: {  	s7 =	sld [smem:$0x3F8E]  }
0x1a: {  	s8 =	sadd.s32 $0xFFFFE003, lr  }
0x1b: {  	s9 =	sadd.s32 $0xFFFFFEF7, lr;
	s5 =	simm.s32 $0xFFFFFFFF;
	p2 =	slt.u32 s8, $0xFFFFF086  }
0x1c: {  	p1 =	slt.u32 s9, $0xF7A;
	s5 =	simm.s32 @!p2 $0x0  }
0x1d: {  	s5 =	simm.s32 @p1 $0x1;
	p0 =	seq.s32 s7, s2  }
0x1e: {  	s7 =	smul.u32 @!p0 $0xF7A, s2;
	p2 =	seq.s32 @!p0 s5, $0x0  }
0x1f: {  	s9 =	smul.u32 $0xF7A, s1;
	s8 =	simm.s32 @!p0 $0x1BF5;
	p2 =	por !p2, p0  }
0x20: {  	[sflag:s8] =	ssyncset.s32 @!p0 $0xFFFFF086;
	s6 =	sadd.s32 @!p0 s3, s7;
	s7 =	simm.s32 @!p0 $0x108  }
0x21: {  	s3 =	sadd.s32 s3, s9;
	s6 =	sadd.s32 @!p0 $0x88, s6;
	s7 =	simm.s32 @p2 $0x1082  }
0x22: {  	[simem:s7], [sflag:s8] =	dma.local @!p0 [hbm:s6], $0xF7A  }
0x23: {  	s9 =	sor.u32 $0xD0000000, s2;
	s6 =	simm.s32 $0x108;
	_ =	swait.ge @!p0 [sflag:s8], $0x0  }
0x24: {  	s3 =	sadd.s32 $0x88, s3;
	s6 =	simm.s32 @!p1 $0x1082;
	[sflag:s4] =	ssyncset.s32 $0xFFFFF086  }
0x25: {  	[simem:s6], [sflag:s4] =	dma.local [hbm:s3], $0xF7A  }
0x26: {  	[smem:$0x3F8E] =	sst s1;
	(tag) =	ssettag s2;
	_ =	strace s9  }
0x27: {  	s1 =	sld [smem:$0x3F9E]  }
0x28: {  	s2 =	sld [smem:$0x3F9F]  }
0x29: {  	s4 =	sld [smem:$0x3FA1]  }
0x2a: {  	p0 =	seq.s32 s5, $0x0;
	s5 =	sld [smem:$0x3FA2]  }
0x2b: {  	s6 =	sld [smem:$0x3FA3]  }
0x2c: {  	s7 =	sld [smem:$0x3FA4]  }
0x2d: {  	s3 =	simm.s32 $0x108;
	s8 =	sld [smem:$0x3FA5]  }
0x2e: {  	s3 =	simm.s32 @!p0 $0x1082;
	s9 =	sld [smem:$0x3FA6]  }
0x2f: {  	lr =	sadd.s32 s0, s3;
	s0 =	sld [smem:$0x3F9D]  }
0x30: {  	s3 =	sld [smem:$0x3FA0]  }
0x31: {  	[smem:$0x3FA9] =	sst s10  }
0x32: {  	s10 =	sld [smem:$0x3FA7];
	_ =	sdelay $0x3  }
0x33: {  	p0 =	seq.s32 s10, $0x1;
	s10 =	sld [smem:$0x3FA9];
	_ =	sdelay $0x3  }
0x34: {  	[smem:$0x3FA9] =	sst s10  }
0x35: {  	s10 =	sld [smem:$0x3FA8];
	_ =	sdelay $0x3  }
0x36: {  	p1 =	seq.s32 s10, $0x1;
	s10 =	sld [smem:$0x3FA9];
	_ =	sdelay $0x3  }
0x37: {  	[smem:$0x3FA9] =	sst s10  }
0x38: {  	s10 =	sld [smem:$0x3FAA]  }
0x39: {  	_ = 	snop;
	(pc) =	sbr.ind lr, $3  }
0x3a: {  	_ = 	snop  }
0x3b: {  	_ = 	snop  }
0x3c: {  	p2 =	seq.s32 s10, $0x1;
	s10 =	sld [smem:$0x3FA9]  }
0x3d: {  	_ =	shalt  }
0x3e: {  	_ =	shalt  }
0x3f: {  	_ =	shalt  }
0x40: {  	_ =	shalt  }
0x41: {  	_ =	shalt  }
0x42: {  	_ =	shalt  }
0x43: {  	_ =	shalt  }
0x44: {  	_ =	shalt  }
0x45: {  	_ =	shalt  }
0x46: {  	_ =	shalt  }
0x47: {  	_ =	shalt  }
0x48: {  	_ =	shalt  }
0x49: {  	_ =	shalt  }
0x4a: {  	_ =	shalt  }
0x4b: {  	_ =	shalt  }
0x4c: {  	_ =	shalt  }
0x4d: {  	_ =	shalt  }
0x4e: {  	_ =	shalt  }
0x4f: {  	_ =	shalt  }
0x50: {  	_ =	shalt  }
0x51: {  	_ =	shalt  }
0x52: {  	_ =	shalt  }
0x53: {  	_ =	shalt  }
0x54: {  	_ =	shalt  }
0x55: {  	_ =	shalt  }
0x56: {  	_ =	shalt  }
0x57: {  	_ =	shalt  }
0x58: {  	_ =	shalt  }
0x59: {  	_ =	shalt  }
0x5a: {  	_ =	shalt  }
0x5b: {  	_ =	shalt  }
0x5c: {  	_ =	shalt  }
0x5d: {  	_ =	shalt  }
0x5e: {  	_ =	shalt  }
0x5f: {  	_ =	shalt  }
0x60: {  	_ =	shalt  }
0x61: {  	_ =	shalt  }
0x62: {  	_ =	shalt  }
0x63: {  	_ =	shalt  }
0x64: {  	_ =	shalt  }
0x65: {  	_ =	shalt  }
0x66: {  	_ =	shalt  }
0x67: {  	_ =	shalt  }
0x68: {  	_ =	shalt  }
0x69: {  	_ =	shalt  }
0x6a: {  	_ =	shalt  }
0x6b: {  	_ =	shalt  }
0x6c: {  	_ =	shalt  }
0x6d: {  	_ =	shalt  }
0x6e: {  	_ =	shalt  }
0x6f: {  	_ =	shalt  }
0x70: {  	_ =	shalt  }
0x71: {  	_ =	shalt  }
0x72: {  	_ =	shalt  }
0x73: {  	_ =	shalt  }
0x74: {  	_ =	shalt  }
0x75: {  	_ =	shalt  }
0x76: {  	_ =	shalt  }
0x77: {  	_ =	shalt  }
0x78: {  	_ =	shalt  }
0x79: {  	_ =	shalt  }
0x7a: {  	_ =	shalt  }
0x7b: {  	_ =	shalt  }
0x7c: {  	_ =	shalt  }
0x7d: {  	_ =	shalt  }
0x7e: {  	_ =	shalt  }
0x7f: {  	_ =	shalt  }
0x80: {  	_ =	shalt  }
0x81: {  	_ =	shalt  }
0x82: {  	_ =	shalt  }
0x83: {  	_ =	shalt  }
0x84: {  	_ =	shalt  }
0x85: {  	_ =	shalt  }
0x86: {  	_ =	shalt  }
0x87: {  	_ =	shalt  }
.Lfunc_end0:
.L_simem_size_0:
called_computation.1_lowered:
.L_overlay_start_0:
0x88: {  	s2 =	sld [smem:$0x3FD9]  }
0x89: {  	s3 =	sld [smem:$0x3FFE];
	_ =	sdelay $0x1  }
0x8a: {  	s1 =	srdreg.scid  }
0x8b: {  	s0 =	sand.u32 $0x1, s1  }
0x8c: {  	s16 =	sshll.u32 s0, $0xA;
	s2 =	sadd.s32 s3, s2  }
0x8d: {  	s2 =	sadd.s32 s2, s16  }
0x8e: {  	[smem:$0x3FB5] =	sst s2  }
0x8f: {  	_ = 	snop  }
0x90: {  	(tm) =	ssettm $0x1  }
0x91: {  	s17 =	sld [smem:$0x3FFB];
	_ =	sdelay $0x3  }
0x92: {  	_ =	strace s17  }
0x93: {  	s2 =	sld [smem:$0x3FFC];
	_ =	sdelay $0x3  }
0x94: {  	_ =	strace s2  }
0x95: {  	s2 =	sld [smem:$0x3FFD];
	_ =	sdelay $0x3  }
0x96: {  	_ =	strace s2  }
0x97: {  	_ =	strace $0x8FFFFFFF  }
0x98: {  	s18 =	sld [smem:$0x3FDB];
	_ =	sdelay $0x1  }
0x99: {  	s19 =	simm.s32 $_scs_section_size  }
0x9a: {  	s4 =	simm.s32 $_size__tile_overlayer_lowered;
	s5 =	simm.s32 $_tile_overlayer_lowered  }
0x9b: {  	s22 =	simm.s32 $0x1BFF;
	s21 =	sshll.u32 s5, $0x1;
	s2 =	sadd.s32 s19, s18  }
0x9c: {  	s6 =	simm.s32 $0x0;
	s20 =	sshll.u32 s4, $0x1;
	s4 =	sadd.s32 s21, s2  }
0x9d: {  	[timem:s6], [sflag:s22] =	dma.local [hbm:s4], s20  }
0x9e: {  	_ =	swait.ge [sflag:s22], s20  }
0x9f: {  	s3 =	ssub.s32 $0x0, s20;
	[sflag:s22] =	ssyncset.done $0x0  }
0xa0: {  	[sflag:s22] =	ssyncadd.s32 s3;
	_ =	sdelay $0x1  }
0xa1: {  	s23 =	simm.s32 $0x1B8B  }
0xa2: {  	_ =	swait.ge [sflag:s23], $0x1  }
0xa3: {  	[sflag:s23] =	ssyncset.done $0x0  }
0xa4: {  	s25 =	simm.s32 $0x1B8E;
	s24 =	sld [smem:$0x3FFE];
	[sflag:s23] =	ssyncadd.s32 $0xFFFFFFFF  }
0xa5: {  	s26 =	simm.s32 $execute0_lowered;
	[smem:$0x3FD2] =	sst s25  }
0xa6: {  	s4 =	sshll.u32 s26, $0x1;
	_ =	strace $0x80000049;
	[dreg:$0x1] =	wrdreg $0xFFFFFFFF  }
0xa7: {  	s28 =	simm.s32 $_size_execute0_lowered;
	s2 =	sadd.s32 s2, s4;
	[dreg:$0x0] =	wrdreg $0x0  }
0xa8: {  	s4 =	sshll.u32 s28, $0x1;
	[dreg:$0x2] =	wrdreg s2  }
0xa9: {  	[dreg:$0x3] =	wrdreg s4  }
0xaa: {  	[dreg:$0x4] =	wrdreg $0xC0  }
0xab: {  	_ =	task [dreg:s6], $0x5FFFF  }
0xac: {  	[dreg:$0x1] =	wrdreg $0xFFFFFFFF  }
0xad: {  	[dreg:$0x0] =	wrdreg $0x60  }
0xae: {  	[dreg:$0x2] =	wrdreg s24  }
0xaf: {  	[dreg:$0x3] =	wrdreg $0x161200  }
0xb0: {  	[dreg:$0x4] =	wrdreg $0x9  }
0xb1: {  	_ =	task.clear_ibuf [dreg:s6], $0x5FFFF;
	_ =	strace $0x90000049  }
0xb2: {  	s29 =	simm.s32 $0x9;
	_ =	strace $0x8000004B  }
0xb3: {  	_ =	swait.ge [sflag:s29], $0x1  }
0xb4: {  	[sflag:s29] =	ssyncadd.s32 $0xFFFFFFFF  }
0xb5: {  	_ =	strace $0x9000004B  }
0xb6: {  	_ =	sfence  }
0xb7: {  	s30 =	sld [smem:$0x0];
	_ =	sdelay $0x2  }
0xb8: {  	s31 =	sshll.u32 s1, $0xD;
	s1 =	sshrl.u32 s1, $0x2  }
0xb9: {  	s3 =	sand.u32 $0x4000, s31;
	s1 =	sadd.s32 s1, s30  }
0xba: {  	s0 =	sor.u32 s3, s0;
	s1 =	sshll.u32 s1, $0x11  }
0xbb: {  	s0 =	sor.u32 s1, s0  }
0xbc: {  	s0 =	sadd.s32 $0x8F2B, s0  }
0xbd: {  	[sflag:s0] =	ssyncadd.remote.s32 $0x1  }
0xbe: {  	_ =	sfence.sel $0xFFFF  }
0xbf: {  	[dreg:$0x0] =	wrdreg $0xFFFFFFFF;
	(pc) =	sbr.abs _section_cstart, $3  }
0xc0: {  	[dreg:$0x1] =	wrdreg $0xFFFFFFFF  }
0xc1: {  	_ =	task.clear_ibuf [dreg:s6], $0x2FFFF;
	_ =	strace $0x9FFFFFFF  }
0xc2: {  	(tm) =	ssettm $0x7FFFFFFF  }
0xc3: {  	_ =	shalt  }
tec
execute0_lowered:
.L_overlay_start_1:
0x0: {  	(tag) =	ssettag $0x1  }
0x1: {  	s0 =	rddreg [dreg:$0x0]  }
0x2: {  	s2 =	rddreg [dreg:$0x1]  }
0x3: {  	s3 =	simm.s32 $0x0;
	s1 =	srdreg.scid;
	s4 =	stileid.u32  }
0x4: {  	s28 =	simm.s32 $0xA0;
	s29 =	simm.s32 $0x1;
	s30 =	simm.s32 $0x50  }
0x5: {  	s31 =	simm.s32 $0x14A0;
	[smem:$0x7FF] =	sst s3;
	s5 =	smul.u32 $0x271, s4  }
0x6: {  	s1 =	sand.u32 $0x1, s1;
	s7 =	sadd.s32 $0x9DD600, s0;
	s25 =	smul.u32 $0x27100, s4  }
0x7: {  	s9 =	sadd.s32 $0xF800, s0;
	s8 =	sadd.s32 $0x19600, s0;
	s17 =	smul.u32 $0x2710, s4  }
0x8: {  	_ =	strace $0x8000004A;
	s6 =	smul.u32 $0x2710, s1;
	[dreg:$0x3] =	wrdreg s8  }
0x9: {  	s24 =	sshll.u32 s1, $0x4;
	s26 =	ssub.s32 $0x2, s1;
	s1 =	smul.u32 $0x27100, s1  }
0xa: {  	s12 =	sshrl.u32 s26, $0x1;
	s5 =	sadd.s32 s5, s6;
	s6 =	sor.u32 s4, s24  }
0xb: {  	s8 =	sshrl.u32 s25, $0x2;
	s12 =	ssub.s32 s26, s12;
	s11 =	smul.u32 $0x2710, s6  }
0xc: {  	s1 =	sadd.s32 s17, s1;
	s5 =	sshll.u32 s5, $0x4;
	s13 =	smul.u32 $0x27100, s6  }
0xd: {  	s18 =	smax.u32 s12, $0x1;
	s22 =	sadd.s32 $0x140, s1;
	s1 =	sadd.s32 $0xF0, s1  }
0xe: {  	s10 =	sadd.s32 s5, s0;
	s5 =	sadd.s32 s8, s2;
	s0 =	sadd.s32 $0x9DD608, s0  }
0xf: {  	[dreg:$0x6] =	wrdreg s18;
	s24 =	sshll.u32 s22, $0x4;
	s25 =	sshrl.u32 s22, $0x3  }
0x10: {  	s26 =	sshll.u32 s1, $0x4;
	s1 =	sshrl.u32 s1, $0x3;
	s14 =	sshrl.u32 s11, $0x3  }
0x11: {  	s15 =	sadd.s32 s7, s13;
	s8 =	sadd.s32 $0x1BE00, s10;
	s13 =	sadd.s32 s13, s0  }
0x12: {  	s10 =	sadd.s32 $0x1BE08, s10;
	s6 =	sadd.s32 s9, s14;
	[dreg:$0x4] =	wrdreg s15  }
0x13: {  	s14 =	sadd.s32 $0x50, s11;
	s11 =	sadd.s32 $0xA0, s11;
	[dreg:$0x5] =	wrdreg s13  }
0x14: {  	s16 =	sshrl.u32 s14, $0x3;
	s15 =	sshll.u32 s14, $0x4;
	s20 =	sshrl.u32 s11, $0x3  }
0x15: {  	s11 =	sshll.u32 s11, $0x4;
	s12 =	sadd.s32 s9, s16;
	s19 =	sadd.s32 s7, s15  }
0x16: {  	s14 =	sadd.s32 s9, s20;
	s21 =	sadd.s32 s7, s11;
	s23 =	sadd.s32 s15, s0  }
0x17: {  	s0 =	sadd.s32 s11, s0;
	s16 =	sadd.s32 s24, s7;
	[dreg:$0x7] =	wrdreg s19  }
0x18: {  	s20 =	sadd.s32 s26, s7;
	s24 =	simm.s32 $0x5;
	[dreg:$0x8] =	wrdreg s21  }
0x19: {  	s26 =	simm.s32 $0x80;
	s7 =	simm.s32 $0x4;
	[dreg:$0x9] =	wrdreg s23  }
0x1a: {  	[dreg:$0xa] =	wrdreg s0;
	s19 =	sadd.s32 s25, s9;
	s21 =	sadd.s32 s1, s9  }
0x1b: {  	s22 =	sadd.s32 $0x8, s16;
	s23 =	sadd.s32 $0x8, s20;
	s25 =	simm.s32 $0x40  }
0x1c: {  	s0 =	simm.s32 $0x2;
	s1 =	simm.s32 $0x3;
	s9 =	simm.s32 $0x0  }
.LBB2_1:
0x1d: {  	s11 =	simm.s32 $0x28A0;
	s4 =	rddreg [dreg:$0x3]  }
0x1e: {  	[tilespmem:s11], [sflag:$0x5] =	stream.linear.gather [hbm4b:s4+s3], $0x13880, $0x38;
	[tilespmem:$0x1FD60] =	vst v63  }
0x1f: {  	_ =	swait.ge [sflag:s24], $0x13880  }
0x20: {  	[sflag:s24] =	ssyncset.done $0x0  }
0x21: {  	s13 =	sadd.s32 $0x0, s5;
	[sflag:s24] =	ssyncadd.s32 $0xFFFEC780  }
0x22: {  	[spmem:s13] =	stream.linear.scatter [tilespmem:s11], [sflag:$0x5], $0x40, $0x38;
	[tilespmem:$0x1FD60] =	vst v63  }
0x23: {  	s13 =	simm.s32 $0x100  }
.LBB2_2:
0x24: {  	p0 =	sne.s32 s13, $0x27000  }
.Ltmp0:
0x25: {  	_ = 	snop;
	(pc) =	sbr.rel @p0 .LBB2_2-.Ltmp0, $4  }
0x26: {  	_ = 	snop  }
0x27: {  	s15 =	sshra.s32 s13, $0x2;
	s13 =	sadd.s32 $0x100, s13  }
0x28: {  	s11 =	sadd.s32 $0x80, s11;
	s15 =	sadd.s32 s15, s5  }
0x29: {  	[spmem:s15] =	stream.linear.scatter [tilespmem:s11], [sflag:$0x5], $0x40, $0x38;
	[tilespmem:$0x1FD60] =	vst v63  }
0x2a: {  	_ =	swait.ge [sflag:s24], $0x9C40  }
0x2b: {  	[sflag:s24] =	ssyncset.done $0x0  }
0x2c: {  	[sflag:s24] =	ssyncadd.s32 $0xFFFF63C0  }
0x2d: {  	s11 =	simm.s32 $0x0;
	[bflag:$0x0] =	sbarrier.arrive $0xFFFF  }
0x2e: {  	[tilespmem:s11], [sflag:$0x1] =	stream.linear.gather [hbm4b:s6+s11], $0x50, $0x38;
	[tilespmem:$0x1FD60] =	vst v63  }
0x2f: {  	s4 =	rddreg [dreg:$0x4]  }
0x30: {  	[tilespmem:s28], [sflag:$0x1] =	stream.strided.gather [hbm4b:s4+s25], $0x1400, s26, s25, $0x38;
	[tilespmem:$0x1FD60] =	vst v63  }
0x31: {  	_ =	swait.ge [sflag:s29], $0x50  }
0x32: {  	[sflag:s29] =	ssyncset.done $0x0  }
0x33: {  	[sflag:s29] =	ssyncadd.s32 $0xFFFFFFB0  }
0x34: {  	_ =	swait.ge [sflag:s29], $0x1400  }
0x35: {  	[sflag:s29] =	ssyncset.done $0x0  }
0x36: {  	[sflag:s29] =	ssyncadd.s32 $0xFFFFEC00  }
0x37: {  	[spmem:s2] =	stream.indirect.scatter.add.f32 [tilespmem:s28], [sflag:$0x3], $0x40, s11, s30, $0xb8;
	[tilespmem:$0x1FD60] =	vst v63  }
0x38: {  	_ = 	snop  }
0x39: {  	[tilespmem:s30], [sflag:$0x2] =	stream.linear.gather [hbm4b:s12+s11], $0x50, $0x38;
	[tilespmem:$0x1FD60] =	vst v63  }
0x3a: {  	s13 =	rddreg [dreg:$0x7]  }
0x3b: {  	[tilespmem:s31], [sflag:$0x2] =	stream.strided.gather [hbm4b:s13+s25], $0x1400, s26, s25, $0x38;
	[tilespmem:$0x1FD60] =	vst v63  }
0x3c: {  	_ =	swait.ge [sflag:s0], $0x50  }
0x3d: {  	[sflag:s0] =	ssyncset.done $0x0  }
0x3e: {  	[sflag:s0] =	ssyncadd.s32 $0xFFFFFFB0  }
0x3f: {  	_ =	swait.ge [sflag:s0], $0x1400  }
0x40: {  	[sflag:s0] =	ssyncset.done $0x0  }
0x41: {  	[sflag:s0] =	ssyncadd.s32 $0xFFFFEC00  }
0x42: {  	[spmem:s2] =	stream.indirect.scatter.add.f32 [tilespmem:s31], [sflag:$0x4], $0x40, s30, s30, $0xb8;
	[tilespmem:$0x1FD60] =	vst v63  }
0x43: {  	_ =	swait.ge [sflag:s1], $0x1400  }
0x44: {  	[sflag:s1] =	ssyncset.done $0x0  }
0x45: {  	[sflag:s1] =	ssyncadd.s32 $0xFFFFEC00  }
0x46: {  	[tilespmem:s11], [sflag:$0x1] =	stream.linear.gather [hbm4b:s14+s11], $0x50, $0x38;
	[tilespmem:$0x1FD60] =	vst v63  }
0x47: {  	s15 =	rddreg [dreg:$0x8]  }
0x48: {  	[tilespmem:s28], [sflag:$0x1] =	stream.strided.gather [hbm4b:s15+s25], $0x1400, s26, s25, $0x38;
	[tilespmem:$0x1FD60] =	vst v63  }
0x49: {  	_ =	swait.ge [sflag:s29], $0x50  }
0x4a: {  	[sflag:s29] =	ssyncset.done $0x0  }
0x4b: {  	[sflag:s29] =	ssyncadd.s32 $0xFFFFFFB0  }
0x4c: {  	_ =	swait.ge [sflag:s29], $0x1400  }
0x4d: {  	[sflag:s29] =	ssyncset.done $0x0  }
0x4e: {  	[sflag:s29] =	ssyncadd.s32 $0xFFFFEC00  }
0x4f: {  	[spmem:s2] =	stream.indirect.scatter.add.f32 [tilespmem:s28], [sflag:$0x3], $0x40, s3, s30, $0xb8;
	[tilespmem:$0x1FD60] =	vst v63  }
0x50: {  	_ =	swait.ge [sflag:s7], $0x1400  }
0x51: {  	[sflag:s7] =	ssyncset.done $0x0  }
0x52: {  	s17 =	sadd.s32 $0x0, s21;
	[sflag:s7] =	ssyncadd.s32 $0xFFFFEC00  }
0x53: {  	[tilespmem:s30], [sflag:$0x2] =	stream.linear.gather [hbm4b:s17+s3], $0x50, $0x38;
	[tilespmem:$0x1FD60] =	vst v63  }
0x54: {  	_ = 	snop  }
0x55: {  	[tilespmem:s31], [sflag:$0x2] =	stream.strided.gather [hbm4b:s20+s25], $0x1400, s26, s25, $0x38;
	[tilespmem:$0x1FD60] =	vst v63  }
0x56: {  	_ =	swait.ge [sflag:s0], $0x50  }
0x57: {  	[sflag:s0] =	ssyncset.done $0x0  }
0x58: {  	[sflag:s0] =	ssyncadd.s32 $0xFFFFFFB0  }
0x59: {  	_ =	swait.ge [sflag:s0], $0x1400  }
0x5a: {  	[sflag:s0] =	ssyncset.done $0x0  }
0x5b: {  	[sflag:s0] =	ssyncadd.s32 $0xFFFFEC00  }
0x5c: {  	[spmem:s2] =	stream.indirect.scatter.add.f32 [tilespmem:s31], [sflag:$0x4], $0x40, s30, s30, $0xb8;
	[tilespmem:$0x1FD60] =	vst v63  }
0x5d: {  	_ =	swait.ge [sflag:s1], $0x1400  }
0x5e: {  	[sflag:s1] =	ssyncset.done $0x0  }
0x5f: {  	s18 =	sadd.s32 $0x0, s19;
	s13 =	sadd.s32 $0xA00, s16;
	[sflag:s1] =	ssyncadd.s32 $0xFFFFEC00  }
0x60: {  	[tilespmem:s3], [sflag:$0x1] =	stream.linear.gather [hbm4b:s18+s3], $0x50, $0x38;
	[tilespmem:$0x1FD60] =	vst v63  }
0x61: {  	s11 =	simm.s32 $0x14;
	s15 =	sadd.s32 $0xA00, s20;
	s18 =	smov.u32 s16  }
.LBB2_4:
0x62: {  	[tilespmem:s28], [sflag:$0x1] =	stream.strided.gather [hbm4b:s18+s25], $0x1400, s26, s25, $0x38;
	[tilespmem:$0x1FD60] =	vst v63  }
0x63: {  	s17 =	smov.u32 s11;
	s18 =	smov.u32 s13  }
0x64: {  	p0 =	sne.s32 s11, $0x4B0;
	s11 =	sadd.s32 $0x14, s11;
	_ =	swait.ge [sflag:s29], $0x50  }
0x65: {  	[sflag:s29] =	ssyncset.done $0x0  }
0x66: {  	[sflag:s29] =	ssyncadd.s32 $0xFFFFFFB0  }
0x67: {  	_ =	swait.ge [sflag:s29], $0x1400  }
0x68: {  	[sflag:s29] =	ssyncset.done $0x0  }
0x69: {  	[sflag:s29] =	ssyncadd.s32 $0xFFFFEC00  }
0x6a: {  	[spmem:s2] =	stream.indirect.scatter.add.f32 [tilespmem:s28], [sflag:$0x3], $0x40, s3, s30, $0xb8;
	[tilespmem:$0x1FD60] =	vst v63  }
0x6b: {  	_ =	swait.ge [sflag:s7], $0x1400  }
0x6c: {  	[sflag:s7] =	ssyncset.done $0x0  }
0x6d: {  	s4 =	sadd.s32 s17, s21;
	[sflag:s7] =	ssyncadd.s32 $0xFFFFEC00  }
0x6e: {  	[tilespmem:s30], [sflag:$0x2] =	stream.linear.gather [hbm4b:s4+s3], $0x50, $0x38;
	[tilespmem:$0x1FD60] =	vst v63  }
0x6f: {  	_ = 	snop  }
0x70: {  	[tilespmem:s31], [sflag:$0x2] =	stream.strided.gather [hbm4b:s15+s25], $0x1400, s26, s25, $0x38;
	[tilespmem:$0x1FD60] =	vst v63  }
0x71: {  	_ =	swait.ge [sflag:s0], $0x50  }
0x72: {  	[sflag:s0] =	ssyncset.done $0x0  }
0x73: {  	[sflag:s0] =	ssyncadd.s32 $0xFFFFFFB0  }
0x74: {  	_ =	swait.ge [sflag:s0], $0x1400  }
0x75: {  	[sflag:s0] =	ssyncset.done $0x0  }
0x76: {  	[sflag:s0] =	ssyncadd.s32 $0xFFFFEC00  }
0x77: {  	[spmem:s2] =	stream.indirect.scatter.add.f32 [tilespmem:s31], [sflag:$0x4], $0x40, s30, s30, $0xb8;
	[tilespmem:$0x1FD60] =	vst v63  }
.Ltmp1:
0x78: {  	_ =	swait.ge [sflag:s1], $0x1400;
	(pc) =	sbr.rel @p0 .LBB2_4-.Ltmp1, $4  }
0x79: {  	[sflag:s1] =	ssyncset.done $0x0  }
0x7a: {  	s4 =	sadd.s32 s17, s19;
	[sflag:s1] =	ssyncadd.s32 $0xFFFFEC00  }
0x7b: {  	[tilespmem:s3], [sflag:$0x1] =	stream.linear.gather [hbm4b:s4+s3], $0x50, $0x38;
	[tilespmem:$0x1FD60] =	vst v63  }
0x7c: {  	s13 =	sadd.s32 $0xA00, s13;
	s15 =	sadd.s32 $0xA00, s15  }
0x7d: {  	[tilespmem:s28], [sflag:$0x1] =	stream.strided.gather [hbm4b:s18+s25], $0x1400, s26, s25, $0x38;
	[tilespmem:$0x1FD60] =	vst v63  }
0x7e: {  	_ =	swait.ge [sflag:s29], $0x50  }
0x7f: {  	[sflag:s29] =	ssyncset.done $0x0  }
0x80: {  	[sflag:s29] =	ssyncadd.s32 $0xFFFFFFB0  }
0x81: {  	_ =	swait.ge [sflag:s29], $0x1400  }
0x82: {  	[sflag:s29] =	ssyncset.done $0x0  }
0x83: {  	s4 =	simm.s32 $0x0;
	[sflag:s29] =	ssyncadd.s32 $0xFFFFEC00  }
0x84: {  	[spmem:s2] =	stream.indirect.scatter.add.f32 [tilespmem:s28], [sflag:$0x3], $0x40, s4, s30, $0xb8;
	[tilespmem:$0x1FD60] =	vst v63  }
0x85: {  	_ =	swait.ge [sflag:s7], $0x1400  }
0x86: {  	[sflag:s7] =	ssyncset.done $0x0  }
0x87: {  	[sflag:s7] =	ssyncadd.s32 $0xFFFFEC00  }
0x88: {  	_ =	swait.ge [sflag:s1], $0x1400  }
0x89: {  	[sflag:s1] =	ssyncset.done $0x0  }
0x8a: {  	s11 =	simm.s32 $0x28A0;
	[sflag:s1] =	ssyncadd.s32 $0xFFFFEC00  }
0x8b: {  	s18 =	sadd.s32 $0x0, s5;
	s13 =	simm.s32 $0x100;
	[bflag:$0x0] =	sbarrier.arrive $0xFFFF  }
0x8c: {  	[tilespmem:s11], [sflag:$0x5] =	stream.linear.gather [spmem:s18], $0x40, $0x38;
	[tilespmem:$0x1FD60] =	vst v63  }
.LBB2_6:
0x8d: {  	p0 =	sne.s32 s13, $0x27000  }
.Ltmp2:
0x8e: {  	_ = 	snop;
	(pc) =	sbr.rel @p0 .LBB2_6-.Ltmp2, $4  }
0x8f: {  	_ = 	snop  }
0x90: {  	s4 =	sshra.s32 s13, $0x2;
	s13 =	sadd.s32 $0x100, s13  }
0x91: {  	s11 =	sadd.s32 $0x80, s11;
	s4 =	sadd.s32 s4, s5  }
0x92: {  	[tilespmem:s11], [sflag:$0x5] =	stream.linear.gather [spmem:s4], $0x40, $0x38;
	[tilespmem:$0x1FD60] =	vst v63  }
0x93: {  	_ =	swait.ge [sflag:s24], $0x9C40  }
0x94: {  	s11 =	simm.s32 $0x28A0;
	s13 =	simm.s32 $0x10;
	[sflag:s24] =	ssyncset.done $0x0  }
0x95: {  	s18 =	sadd.s32 $0x0, s8;
	s15 =	simm.s32 $0x2920;
	[sflag:s24] =	ssyncadd.s32 $0xFFFF63C0  }
.LBB2_8:
0x96: {  	[hbm4b:s18+s3] =	stream.linear.scatter [tilespmem:s11], [sflag:$0x5], $0x40, $0x38;
	[tilespmem:$0x1FD60] =	vst v63  }
0x97: {  	s4 =	smov.u32 s13;
	s11 =	smov.u32 s15;
	p0 =	sne.s32 s13, $0x2700  }
.Ltmp3:
0x98: {  	s13 =	sadd.s32 $0x10, s13;
	(pc) =	sbr.rel @p0 .LBB2_8-.Ltmp3, $2  }
0x99: {  	_ =	sdelay $0x2  }
0x9a: {  	s15 =	sadd.s32 $0x80, s15;
	s18 =	sadd.s32 s4, s8  }
0x9b: {  	[hbm4b:s18+s3] =	stream.linear.scatter [tilespmem:s11], [sflag:$0x5], $0x40, $0x38;
	[tilespmem:$0x1FD60] =	vst v63  }
0x9c: {  	_ =	swait.ge [sflag:s24], $0x9C40  }
0x9d: {  	s4 =	simm.s32 $0x0;
	[sflag:s24] =	ssyncset.done $0x0  }
0x9e: {  	s11 =	simm.s32 $0x28A0;
	s13 =	rddreg [dreg:$0x3];
	[sflag:s24] =	ssyncadd.s32 $0xFFFF63C0  }
0x9f: {  	[tilespmem:s11], [sflag:$0x5] =	stream.linear.gather [hbm4b:s13+s4], $0x13880, $0x38;
	[tilespmem:$0x1FD60] =	vst v63  }
0xa0: {  	_ =	swait.ge [sflag:s24], $0x13880  }
0xa1: {  	[sflag:s24] =	ssyncset.done $0x0  }
0xa2: {  	s18 =	sadd.s32 $0x0, s5;
	s13 =	simm.s32 $0x100;
	[sflag:s24] =	ssyncadd.s32 $0xFFFEC780  }
0xa3: {  	[spmem:s18] =	stream.linear.scatter [tilespmem:s11], [sflag:$0x5], $0x40, $0x38;
	[tilespmem:$0x1FD60] =	vst v63  }
.LBB2_10:
0xa4: {  	p0 =	sne.s32 s13, $0x27000  }
.Ltmp4:
0xa5: {  	_ = 	snop;
	(pc) =	sbr.rel @p0 .LBB2_10-.Ltmp4, $4  }
0xa6: {  	_ = 	snop  }
0xa7: {  	s4 =	sshra.s32 s13, $0x2;
	s13 =	sadd.s32 $0x100, s13  }
0xa8: {  	s11 =	sadd.s32 $0x80, s11;
	s4 =	sadd.s32 s4, s5  }
0xa9: {  	[spmem:s4] =	stream.linear.scatter [tilespmem:s11], [sflag:$0x5], $0x40, $0x38;
	[tilespmem:$0x1FD60] =	vst v63  }
0xaa: {  	_ =	swait.ge [sflag:s24], $0x9C40  }
0xab: {  	[sflag:s24] =	ssyncset.done $0x0  }
0xac: {  	[sflag:s24] =	ssyncadd.s32 $0xFFFF63C0  }
0xad: {  	s4 =	simm.s32 $0x0;
	[bflag:$0x0] =	sbarrier.arrive $0xFFFF  }
0xae: {  	[tilespmem:s4], [sflag:$0x1] =	stream.linear.gather [hbm4b:s6+s4], $0x50, $0x38;
	[tilespmem:$0x1FD60] =	vst v63  }
0xaf: {  	s11 =	rddreg [dreg:$0x5]  }
0xb0: {  	[tilespmem:s28], [sflag:$0x1] =	stream.strided.gather [hbm4b:s11+s25], $0x1400, s26, s25, $0x38;
	[tilespmem:$0x1FD60] =	vst v63  }
0xb1: {  	_ =	swait.ge [sflag:s29], $0x50  }
0xb2: {  	[sflag:s29] =	ssyncset.done $0x0  }
0xb3: {  	[sflag:s29] =	ssyncadd.s32 $0xFFFFFFB0  }
0xb4: {  	_ =	swait.ge [sflag:s29], $0x1400  }
0xb5: {  	[sflag:s29] =	ssyncset.done $0x0  }
0xb6: {  	[sflag:s29] =	ssyncadd.s32 $0xFFFFEC00  }
0xb7: {  	[spmem:s2] =	stream.indirect.scatter.add.f32 [tilespmem:s28], [sflag:$0x3], $0x40, s4, s30, $0xb8;
	[tilespmem:$0x1FD60] =	vst v63  }
0xb8: {  	_ = 	snop  }
0xb9: {  	[tilespmem:s30], [sflag:$0x2] =	stream.linear.gather [hbm4b:s12+s4], $0x50, $0x38;
	[tilespmem:$0x1FD60] =	vst v63  }
0xba: {  	s13 =	rddreg [dreg:$0x9]  }
0xbb: {  	[tilespmem:s31], [sflag:$0x2] =	stream.strided.gather [hbm4b:s13+s25], $0x1400, s26, s25, $0x38;
	[tilespmem:$0x1FD60] =	vst v63  }
0xbc: {  	_ =	swait.ge [sflag:s0], $0x50  }
0xbd: {  	[sflag:s0] =	ssyncset.done $0x0  }
0xbe: {  	[sflag:s0] =	ssyncadd.s32 $0xFFFFFFB0  }
0xbf: {  	_ =	swait.ge [sflag:s0], $0x1400  }
0xc0: {  	[sflag:s0] =	ssyncset.done $0x0  }
0xc1: {  	[sflag:s0] =	ssyncadd.s32 $0xFFFFEC00  }
0xc2: {  	[spmem:s2] =	stream.indirect.scatter.add.f32 [tilespmem:s31], [sflag:$0x4], $0x40, s30, s30, $0xb8;
	[tilespmem:$0x1FD60] =	vst v63  }
0xc3: {  	_ =	swait.ge [sflag:s1], $0x1400  }
0xc4: {  	[sflag:s1] =	ssyncset.done $0x0  }
0xc5: {  	[sflag:s1] =	ssyncadd.s32 $0xFFFFEC00  }
0xc6: {  	[tilespmem:s4], [sflag:$0x1] =	stream.linear.gather [hbm4b:s14+s4], $0x50, $0x38;
	[tilespmem:$0x1FD60] =	vst v63  }
0xc7: {  	s15 =	rddreg [dreg:$0xa]  }
0xc8: {  	[tilespmem:s28], [sflag:$0x1] =	stream.strided.gather [hbm4b:s15+s25], $0x1400, s26, s25, $0x38;
	[tilespmem:$0x1FD60] =	vst v63  }
0xc9: {  	_ =	swait.ge [sflag:s29], $0x50  }
0xca: {  	[sflag:s29] =	ssyncset.done $0x0  }
0xcb: {  	[sflag:s29] =	ssyncadd.s32 $0xFFFFFFB0  }
0xcc: {  	_ =	swait.ge [sflag:s29], $0x1400  }
0xcd: {  	[sflag:s29] =	ssyncset.done $0x0  }
0xce: {  	[sflag:s29] =	ssyncadd.s32 $0xFFFFEC00  }
0xcf: {  	[spmem:s2] =	stream.indirect.scatter.add.f32 [tilespmem:s28], [sflag:$0x3], $0x40, s3, s30, $0xb8;
	[tilespmem:$0x1FD60] =	vst v63  }
0xd0: {  	_ =	swait.ge [sflag:s7], $0x1400  }
0xd1: {  	[sflag:s7] =	ssyncset.done $0x0  }
0xd2: {  	s17 =	sadd.s32 $0x0, s21;
	[sflag:s7] =	ssyncadd.s32 $0xFFFFEC00  }
0xd3: {  	[tilespmem:s30], [sflag:$0x2] =	stream.linear.gather [hbm4b:s17+s3], $0x50, $0x38;
	[tilespmem:$0x1FD60] =	vst v63  }
0xd4: {  	_ = 	snop  }
0xd5: {  	[tilespmem:s31], [sflag:$0x2] =	stream.strided.gather [hbm4b:s23+s25], $0x1400, s26, s25, $0x38;
	[tilespmem:$0x1FD60] =	vst v63  }
0xd6: {  	_ =	swait.ge [sflag:s0], $0x50  }
0xd7: {  	[sflag:s0] =	ssyncset.done $0x0  }
0xd8: {  	[sflag:s0] =	ssyncadd.s32 $0xFFFFFFB0  }
0xd9: {  	_ =	swait.ge [sflag:s0], $0x1400  }
0xda: {  	[sflag:s0] =	ssyncset.done $0x0  }
0xdb: {  	[sflag:s0] =	ssyncadd.s32 $0xFFFFEC00  }
0xdc: {  	[spmem:s2] =	stream.indirect.scatter.add.f32 [tilespmem:s31], [sflag:$0x4], $0x40, s30, s30, $0xb8;
	[tilespmem:$0x1FD60] =	vst v63  }
0xdd: {  	_ =	swait.ge [sflag:s1], $0x1400  }
0xde: {  	[sflag:s1] =	ssyncset.done $0x0  }
0xdf: {  	s18 =	sadd.s32 $0x0, s19;
	s11 =	simm.s32 $0x14;
	[sflag:s1] =	ssyncadd.s32 $0xFFFFEC00  }
0xe0: {  	[tilespmem:s3], [sflag:$0x1] =	stream.linear.gather [hbm4b:s18+s3], $0x50, $0x38;
	[tilespmem:$0x1FD60] =	vst v63  }
0xe1: {  	s13 =	sadd.s32 $0xA00, s22;
	s15 =	sadd.s32 $0xA00, s23;
	s18 =	smov.u32 s22  }
.LBB2_12:
0xe2: {  	[tilespmem:s28], [sflag:$0x1] =	stream.strided.gather [hbm4b:s18+s25], $0x1400, s26, s25, $0x38;
	[tilespmem:$0x1FD60] =	vst v63  }
0xe3: {  	s4 =	smov.u32 s11;
	s18 =	smov.u32 s13  }
0xe4: {  	p0 =	sne.s32 s11, $0x4B0;
	s11 =	sadd.s32 $0x14, s11;
	_ =	swait.ge [sflag:s29], $0x50  }
0xe5: {  	[sflag:s29] =	ssyncset.done $0x0  }
0xe6: {  	[sflag:s29] =	ssyncadd.s32 $0xFFFFFFB0  }
0xe7: {  	_ =	swait.ge [sflag:s29], $0x1400  }
0xe8: {  	[sflag:s29] =	ssyncset.done $0x0  }
0xe9: {  	[sflag:s29] =	ssyncadd.s32 $0xFFFFEC00  }
0xea: {  	[spmem:s2] =	stream.indirect.scatter.add.f32 [tilespmem:s28], [sflag:$0x3], $0x40, s3, s30, $0xb8;
	[tilespmem:$0x1FD60] =	vst v63  }
0xeb: {  	_ =	swait.ge [sflag:s7], $0x1400  }
0xec: {  	[sflag:s7] =	ssyncset.done $0x0  }
0xed: {  	s17 =	sadd.s32 s4, s21;
	[sflag:s7] =	ssyncadd.s32 $0xFFFFEC00  }
0xee: {  	[tilespmem:s30], [sflag:$0x2] =	stream.linear.gather [hbm4b:s17+s3], $0x50, $0x38;
	[tilespmem:$0x1FD60] =	vst v63  }
0xef: {  	_ = 	snop  }
0xf0: {  	[tilespmem:s31], [sflag:$0x2] =	stream.strided.gather [hbm4b:s15+s25], $0x1400, s26, s25, $0x38;
	[tilespmem:$0x1FD60] =	vst v63  }
0xf1: {  	_ =	swait.ge [sflag:s0], $0x50  }
0xf2: {  	[sflag:s0] =	ssyncset.done $0x0  }
0xf3: {  	[sflag:s0] =	ssyncadd.s32 $0xFFFFFFB0  }
0xf4: {  	_ =	swait.ge [sflag:s0], $0x1400  }
0xf5: {  	[sflag:s0] =	ssyncset.done $0x0  }
0xf6: {  	[sflag:s0] =	ssyncadd.s32 $0xFFFFEC00  }
0xf7: {  	[spmem:s2] =	stream.indirect.scatter.add.f32 [tilespmem:s31], [sflag:$0x4], $0x40, s30, s30, $0xb8;
	[tilespmem:$0x1FD60] =	vst v63  }
.Ltmp5:
0xf8: {  	_ =	swait.ge [sflag:s1], $0x1400;
	(pc) =	sbr.rel @p0 .LBB2_12-.Ltmp5, $4  }
0xf9: {  	[sflag:s1] =	ssyncset.done $0x0  }
0xfa: {  	s4 =	sadd.s32 s4, s19;
	[sflag:s1] =	ssyncadd.s32 $0xFFFFEC00  }
0xfb: {  	[tilespmem:s3], [sflag:$0x1] =	stream.linear.gather [hbm4b:s4+s3], $0x50, $0x38;
	[tilespmem:$0x1FD60] =	vst v63  }
0xfc: {  	s13 =	sadd.s32 $0xA00, s13;
	s15 =	sadd.s32 $0xA00, s15  }
0xfd: {  	[tilespmem:s28], [sflag:$0x1] =	stream.strided.gather [hbm4b:s18+s25], $0x1400, s26, s25, $0x38;
	[tilespmem:$0x1FD60] =	vst v63  }
0xfe: {  	_ =	swait.ge [sflag:s29], $0x50  }
0xff: {  	[sflag:s29] =	ssyncset.done $0x0  }
0x100: {  	[sflag:s29] =	ssyncadd.s32 $0xFFFFFFB0  }
0x101: {  	_ =	swait.ge [sflag:s29], $0x1400  }
0x102: {  	[sflag:s29] =	ssyncset.done $0x0  }
0x103: {  	s4 =	simm.s32 $0x0;
	[sflag:s29] =	ssyncadd.s32 $0xFFFFEC00  }
0x104: {  	[spmem:s2] =	stream.indirect.scatter.add.f32 [tilespmem:s28], [sflag:$0x3], $0x40, s4, s30, $0xb8;
	[tilespmem:$0x1FD60] =	vst v63  }
0x105: {  	_ =	swait.ge [sflag:s7], $0x1400  }
0x106: {  	[sflag:s7] =	ssyncset.done $0x0  }
0x107: {  	[sflag:s7] =	ssyncadd.s32 $0xFFFFEC00  }
0x108: {  	_ =	swait.ge [sflag:s1], $0x1400  }
0x109: {  	[sflag:s1] =	ssyncset.done $0x0  }
0x10a: {  	s11 =	simm.s32 $0x28A0;
	[sflag:s1] =	ssyncadd.s32 $0xFFFFEC00  }
0x10b: {  	s18 =	sadd.s32 $0x0, s5;
	s13 =	simm.s32 $0x100;
	[bflag:$0x0] =	sbarrier.arrive $0xFFFF  }
0x10c: {  	[tilespmem:s11], [sflag:$0x5] =	stream.linear.gather [spmem:s18], $0x40, $0x38;
	[tilespmem:$0x1FD60] =	vst v63  }
.LBB2_14:
0x10d: {  	p0 =	sne.s32 s13, $0x27000  }
.Ltmp6:
0x10e: {  	_ = 	snop;
	(pc) =	sbr.rel @p0 .LBB2_14-.Ltmp6, $4  }
0x10f: {  	_ = 	snop  }
0x110: {  	s4 =	sshra.s32 s13, $0x2;
	s13 =	sadd.s32 $0x100, s13  }
0x111: {  	s11 =	sadd.s32 $0x80, s11;
	s4 =	sadd.s32 s4, s5  }
0x112: {  	[tilespmem:s11], [sflag:$0x5] =	stream.linear.gather [spmem:s4], $0x40, $0x38;
	[tilespmem:$0x1FD60] =	vst v63  }
0x113: {  	_ =	swait.ge [sflag:s24], $0x9C40  }
0x114: {  	s11 =	simm.s32 $0x28A0;
	s13 =	simm.s32 $0x10;
	[sflag:s24] =	ssyncset.done $0x0  }
0x115: {  	s18 =	sadd.s32 $0x0, s10;
	s15 =	simm.s32 $0x2920;
	[sflag:s24] =	ssyncadd.s32 $0xFFFF63C0  }
.LBB2_16:
0x116: {  	[hbm4b:s18+s3] =	stream.linear.scatter [tilespmem:s11], [sflag:$0x5], $0x40, $0x38;
	[tilespmem:$0x1FD60] =	vst v63  }
0x117: {  	s4 =	smov.u32 s13;
	s11 =	smov.u32 s15;
	p0 =	sne.s32 s13, $0x2700  }
.Ltmp7:
0x118: {  	s13 =	sadd.s32 $0x10, s13;
	(pc) =	sbr.rel @p0 .LBB2_16-.Ltmp7, $2  }
0x119: {  	_ =	sdelay $0x2  }
0x11a: {  	s15 =	sadd.s32 $0x80, s15;
	s18 =	sadd.s32 s4, s10  }
0x11b: {  	[hbm4b:s18+s3] =	stream.linear.scatter [tilespmem:s11], [sflag:$0x5], $0x40, $0x38;
	[tilespmem:$0x1FD60] =	vst v63  }
0x11c: {  	_ =	swait.ge [sflag:s24], $0x9C40  }
0x11d: {  	s9 =	sadd.s32 $0x1, s9;
	s4 =	rddreg [dreg:$0x6]  }
0x11e: {  	p0 =	sne.s32 s9, s4  }
.Ltmp8:
0x11f: {  	_ = 	snop;
	(pc) =	sbr.rel @p0 .LBB2_1-.Ltmp8, $3  }
0x120: {  	_ =	sdelay $0x1  }
0x121: {  	[sflag:s24] =	ssyncset.done $0x0  }
0x122: {  	[sflag:s24] =	ssyncadd.s32 $0xFFFF63C0  }
0x123: {  	_ =	sfence.sel $0x180000  }
0x124: {  	[bflag:$0x0] =	sbarrier.arrive $0xFFFF  }
0x125: {  	_ =	strace $0x9000004A  }
0x126: {  	s0 =	stileid.u32;
	[bflag:$0x2] =	sbarrier.arrive $0xFFFF  }
0x127: {  	p0 =	sne.s32 s0, $0x0;
	s0 =	rddreg [dreg:$0x2]  }
0x128: {  	s0 =	sadd.s32 @!p0 $0x100000, s0  }
0x129: {  	[sflag:s0] =	ssyncadd.tile.s32 @!p0 $0x1;
	_ =	shalt  }
.Lfunc_end2:
_tile_overlayer_lowered:
.L_overlay_start_2:
0x12a: {  	(tag) =	ssettag $0x2  }
0x12b: {  	s0 =	rddreg [dreg:$0x0];
	s2 =	stileid.u32  }
0x12c: {  	s1 =	rddreg [dreg:$0x1];
	p0 =	sne.s32 s2, $0x0  }
0x12d: {  	s3 =	rddreg [dreg:$0x2];
	[bflag:$0x3] =	sbarrier.arrive $0xFFFF;
	s2 =	simm.s32 @!p0 $0x1C05  }
0x12e: {  	[timem:s3], [sflag:s2] =	dma.local @!p0 [hbm:s0], s1  }
0x12f: {  	s0 =	simm.s32 @!p0 $0x5  }
0x130: {  	_ =	swait.ge @!p0 [sflag:s0], s1  }
0x131: {  	s1 =	ssub.s32 @!p0 $0x0, s1;
	[sflag:s0] =	ssyncset.done @!p0 $0x0  }
0x132: {  	[sflag:s0] =	ssyncadd.s32 @!p0 s1  }
0x133: {  	[bflag:$0x3] =	sbarrier.arrive $0xFFFF  }
0x134: {  	_ =	shalt  }

// kernel: kernel.16.cloned.1.call-start
scs
__scs_entry_jumppad:
0x0: {  	(pc) =	sbr.rel $0x88, $3  }
0x1: {  	(tag) =	ssettag $0x0;
	lr =	simm.s32 $0x1  }
0x2: {  	[smem:$0x3F8E] =	sst lr;
	_ =	strace $0xD0000000  }
0x3: {  	_ = 	snop  }
0x4: {  	_ = 	snop  }
0x5: {  	_ = 	snop  }
0x6: {  	_ = 	snop  }
0x7: {  	_ = 	snop  }
__scs_overlays_trampoline_lowered:
0x8: {  	[smem:$0x3F9D] =	sst s0  }
0x9: {  	[smem:$0x3F9E] =	sst s1  }
0xa: {  	[smem:$0x3F9F] =	sst s2  }
0xb: {  	[smem:$0x3FA0] =	sst s3  }
0xc: {  	[smem:$0x3FA1] =	sst s4  }
0xd: {  	[smem:$0x3FA2] =	sst s5  }
0xe: {  	[smem:$0x3FA3] =	sst s6  }
0xf: {  	[smem:$0x3FA4] =	sst s7  }
0x10: {  	[smem:$0x3FA5] =	sst s8  }
0x11: {  	[smem:$0x3FA6] =	sst s9;
	s0 =	simm.s32 @!p0 $0x0  }
0x12: {  	s1 =	sld [smem:$0x3F8C];
	s0 =	simm.s32 @p0 $0x1  }
0x13: {  	[smem:$0x3FA7] =	sst s0;
	s0 =	simm.s32 @!p1 $0x0  }
0x14: {  	s2 =	sld [smem:$0x3F8B];
	s0 =	simm.s32 @p1 $0x1  }
0x15: {  	[smem:$0x3FA8] =	sst s0;
	s0 =	simm.s32 @!p2 $0x0  }
0x16: {  	s3 =	sld [smem:$0x3FDB];
	s0 =	simm.s32 @p2 $0x1  }
0x17: {  	s4 =	simm.s32 $0x1BF5;
	[smem:$0x3FAA] =	sst s0  }
0x18: {  	s0 =	sld [smem:$0x3F8D];
	_ =	swait.ge [sflag:s4], $0x0  }
0x19: {  	s7 =	sld [smem:$0x3F8E]  }
0x1a: {  	s8 =	sadd.s32 $0xFFFFE003, lr  }
0x1b: {  	s9 =	sadd.s32 $0xFFFFFEF7, lr;
	s5 =	simm.s32 $0xFFFFFFFF;
	p2 =	slt.u32 s8, $0xFFFFF086  }
0x1c: {  	p1 =	slt.u32 s9, $0xF7A;
	s5 =	simm.s32 @!p2 $0x0  }
0x1d: {  	s5 =	simm.s32 @p1 $0x1;
	p0 =	seq.s32 s7, s2  }
0x1e: {  	s7 =	smul.u32 @!p0 $0xF7A, s2;
	p2 =	seq.s32 @!p0 s5, $0x0  }
0x1f: {  	s9 =	smul.u32 $0xF7A, s1;
	s8 =	simm.s32 @!p0 $0x1BF5;
	p2 =	por !p2, p0  }
0x20: {  	[sflag:s8] =	ssyncset.s32 @!p0 $0xFFFFF086;
	s6 =	sadd.s32 @!p0 s3, s7;
	s7 =	simm.s32 @!p0 $0x108  }
0x21: {  	s3 =	sadd.s32 s3, s9;
	s6 =	sadd.s32 @!p0 $0x88, s6;
	s7 =	simm.s32 @p2 $0x1082  }
0x22: {  	[simem:s7], [sflag:s8] =	dma.local @!p0 [hbm:s6], $0xF7A  }
0x23: {  	s9 =	sor.u32 $0xD0000000, s2;
	s6 =	simm.s32 $0x108;
	_ =	swait.ge @!p0 [sflag:s8], $0x0  }
0x24: {  	s3 =	sadd.s32 $0x88, s3;
	s6 =	simm.s32 @!p1 $0x1082;
	[sflag:s4] =	ssyncset.s32 $0xFFFFF086  }
0x25: {  	[simem:s6], [sflag:s4] =	dma.local [hbm:s3], $0xF7A  }
0x26: {  	[smem:$0x3F8E] =	sst s1;
	(tag) =	ssettag s2;
	_ =	strace s9  }
0x27: {  	s1 =	sld [smem:$0x3F9E]  }
0x28: {  	s2 =	sld [smem:$0x3F9F]  }
0x29: {  	s4 =	sld [smem:$0x3FA1]  }
0x2a: {  	p0 =	seq.s32 s5, $0x0;
	s5 =	sld [smem:$0x3FA2]  }
0x2b: {  	s6 =	sld [smem:$0x3FA3]  }
0x2c: {  	s7 =	sld [smem:$0x3FA4]  }
0x2d: {  	s3 =	simm.s32 $0x108;
	s8 =	sld [smem:$0x3FA5]  }
0x2e: {  	s3 =	simm.s32 @!p0 $0x1082;
	s9 =	sld [smem:$0x3FA6]  }
0x2f: {  	lr =	sadd.s32 s0, s3;
	s0 =	sld [smem:$0x3F9D]  }
0x30: {  	s3 =	sld [smem:$0x3FA0]  }
0x31: {  	[smem:$0x3FA9] =	sst s10  }
0x32: {  	s10 =	sld [smem:$0x3FA7];
	_ =	sdelay $0x3  }
0x33: {  	p0 =	seq.s32 s10, $0x1;
	s10 =	sld [smem:$0x3FA9];
	_ =	sdelay $0x3  }
0x34: {  	[smem:$0x3FA9] =	sst s10  }
0x35: {  	s10 =	sld [smem:$0x3FA8];
	_ =	sdelay $0x3  }
0x36: {  	p1 =	seq.s32 s10, $0x1;
	s10 =	sld [smem:$0x3FA9];
	_ =	sdelay $0x3  }
0x37: {  	[smem:$0x3FA9] =	sst s10  }
0x38: {  	s10 =	sld [smem:$0x3FAA]  }
0x39: {  	_ = 	snop;
	(pc) =	sbr.ind lr, $3  }
0x3a: {  	_ = 	snop  }
0x3b: {  	_ = 	snop  }
0x3c: {  	p2 =	seq.s32 s10, $0x1;
	s10 =	sld [smem:$0x3FA9]  }
0x3d: {  	_ =	shalt  }
0x3e: {  	_ =	shalt  }
0x3f: {  	_ =	shalt  }
0x40: {  	_ =	shalt  }
0x41: {  	_ =	shalt  }
0x42: {  	_ =	shalt  }
0x43: {  	_ =	shalt  }
0x44: {  	_ =	shalt  }
0x45: {  	_ =	shalt  }
0x46: {  	_ =	shalt  }
0x47: {  	_ =	shalt  }
0x48: {  	_ =	shalt  }
0x49: {  	_ =	shalt  }
0x4a: {  	_ =	shalt  }
0x4b: {  	_ =	shalt  }
0x4c: {  	_ =	shalt  }
0x4d: {  	_ =	shalt  }
0x4e: {  	_ =	shalt  }
0x4f: {  	_ =	shalt  }
0x50: {  	_ =	shalt  }
0x51: {  	_ =	shalt  }
0x52: {  	_ =	shalt  }
0x53: {  	_ =	shalt  }
0x54: {  	_ =	shalt  }
0x55: {  	_ =	shalt  }
0x56: {  	_ =	shalt  }
0x57: {  	_ =	shalt  }
0x58: {  	_ =	shalt  }
0x59: {  	_ =	shalt  }
0x5a: {  	_ =	shalt  }
0x5b: {  	_ =	shalt  }
0x5c: {  	_ =	shalt  }
0x5d: {  	_ =	shalt  }
0x5e: {  	_ =	shalt  }
0x5f: {  	_ =	shalt  }
0x60: {  	_ =	shalt  }
0x61: {  	_ =	shalt  }
0x62: {  	_ =	shalt  }
0x63: {  	_ =	shalt  }
0x64: {  	_ =	shalt  }
0x65: {  	_ =	shalt  }
0x66: {  	_ =	shalt  }
0x67: {  	_ =	shalt  }
0x68: {  	_ =	shalt  }
0x69: {  	_ =	shalt  }
0x6a: {  	_ =	shalt  }
0x6b: {  	_ =	shalt  }
0x6c: {  	_ =	shalt  }
0x6d: {  	_ =	shalt  }
0x6e: {  	_ =	shalt  }
0x6f: {  	_ =	shalt  }
0x70: {  	_ =	shalt  }
0x71: {  	_ =	shalt  }
0x72: {  	_ =	shalt  }
0x73: {  	_ =	shalt  }
0x74: {  	_ =	shalt  }
0x75: {  	_ =	shalt  }
0x76: {  	_ =	shalt  }
0x77: {  	_ =	shalt  }
0x78: {  	_ =	shalt  }
0x79: {  	_ =	shalt  }
0x7a: {  	_ =	shalt  }
0x7b: {  	_ =	shalt  }
0x7c: {  	_ =	shalt  }
0x7d: {  	_ =	shalt  }
0x7e: {  	_ =	shalt  }
0x7f: {  	_ =	shalt  }
0x80: {  	_ =	shalt  }
0x81: {  	_ =	shalt  }
0x82: {  	_ =	shalt  }
0x83: {  	_ =	shalt  }
0x84: {  	_ =	shalt  }
0x85: {  	_ =	shalt  }
0x86: {  	_ =	shalt  }
0x87: {  	_ =	shalt  }
.Lfunc_end0:
.L_simem_size_0:
called_computation.2_lowered:
.L_overlay_start_0:
0x88: {  	s2 =	sld [smem:$0x3FD9]  }
0x89: {  	s3 =	sld [smem:$0x3FFE];
	_ =	sdelay $0x1  }
0x8a: {  	s1 =	srdreg.scid  }
0x8b: {  	s0 =	sand.u32 $0x1, s1  }
0x8c: {  	s16 =	sshll.u32 s0, $0xA;
	s2 =	sadd.s32 s3, s2  }
0x8d: {  	s2 =	sadd.s32 s2, s16  }
0x8e: {  	[smem:$0x3FB5] =	sst s2  }
0x8f: {  	_ = 	snop  }
0x90: {  	(tm) =	ssettm $0x1  }
0x91: {  	s17 =	sld [smem:$0x3FFB];
	_ =	sdelay $0x3  }
0x92: {  	_ =	strace s17  }
0x93: {  	s2 =	sld [smem:$0x3FFC];
	_ =	sdelay $0x3  }
0x94: {  	_ =	strace s2  }
0x95: {  	s2 =	sld [smem:$0x3FFD];
	_ =	sdelay $0x3  }
0x96: {  	_ =	strace s2  }
0x97: {  	_ =	strace $0x8FFFFFFF  }
0x98: {  	s18 =	sld [smem:$0x3FDB];
	_ =	sdelay $0x1  }
0x99: {  	s19 =	simm.s32 $_scs_section_size  }
0x9a: {  	s4 =	simm.s32 $_size__tile_overlayer_lowered;
	s5 =	simm.s32 $_tile_overlayer_lowered  }
0x9b: {  	s22 =	simm.s32 $0x1BFF;
	s21 =	sshll.u32 s5, $0x1;
	s2 =	sadd.s32 s19, s18  }
0x9c: {  	s6 =	simm.s32 $0x0;
	s20 =	sshll.u32 s4, $0x1;
	s4 =	sadd.s32 s21, s2  }
0x9d: {  	[timem:s6], [sflag:s22] =	dma.local [hbm:s4], s20  }
0x9e: {  	_ =	swait.ge [sflag:s22], s20  }
0x9f: {  	s3 =	ssub.s32 $0x0, s20;
	[sflag:s22] =	ssyncset.done $0x0  }
0xa0: {  	[sflag:s22] =	ssyncadd.s32 s3;
	_ =	sdelay $0x1  }
0xa1: {  	s23 =	simm.s32 $0x1B8B  }
0xa2: {  	_ =	swait.ge [sflag:s23], $0x1  }
0xa3: {  	[sflag:s23] =	ssyncset.done $0x0  }
0xa4: {  	s25 =	simm.s32 $0x1B8E;
	s24 =	sld [smem:$0x3FFE];
	[sflag:s23] =	ssyncadd.s32 $0xFFFFFFFF  }
0xa5: {  	s26 =	simm.s32 $execute0_lowered;
	[smem:$0x3FD2] =	sst s25  }
0xa6: {  	s4 =	sshll.u32 s26, $0x1;
	_ =	strace $0x8000004C;
	[dreg:$0x1] =	wrdreg $0xFFFFFFFF  }
0xa7: {  	s28 =	simm.s32 $_size_execute0_lowered;
	s2 =	sadd.s32 s2, s4;
	[dreg:$0x0] =	wrdreg $0x0  }
0xa8: {  	s4 =	sshll.u32 s28, $0x1;
	[dreg:$0x2] =	wrdreg s2  }
0xa9: {  	[dreg:$0x3] =	wrdreg s4  }
0xaa: {  	[dreg:$0x4] =	wrdreg $0xC0  }
0xab: {  	_ =	task [dreg:s6], $0x5FFFF  }
0xac: {  	[dreg:$0x1] =	wrdreg $0xFFFFFFFF  }
0xad: {  	[dreg:$0x0] =	wrdreg $0x60  }
0xae: {  	[dreg:$0x2] =	wrdreg s24  }
0xaf: {  	[dreg:$0x3] =	wrdreg $0x9  }
0xb0: {  	_ =	task.clear_ibuf [dreg:s6], $0x4FFFF;
	_ =	strace $0x9000004C  }
0xb1: {  	s29 =	simm.s32 $0x9;
	_ =	strace $0x8000004E  }
0xb2: {  	_ =	swait.ge [sflag:s29], $0x1  }
0xb3: {  	[sflag:s29] =	ssyncadd.s32 $0xFFFFFFFF  }
0xb4: {  	_ =	strace $0x9000004E  }
0xb5: {  	_ =	sfence  }
0xb6: {  	s30 =	sld [smem:$0x0];
	_ =	sdelay $0x2  }
0xb7: {  	s31 =	sshll.u32 s1, $0xD;
	s1 =	sshrl.u32 s1, $0x2  }
0xb8: {  	s3 =	sand.u32 $0x4000, s31;
	s1 =	sadd.s32 s1, s30  }
0xb9: {  	s0 =	sor.u32 s3, s0;
	s1 =	sshll.u32 s1, $0x11  }
0xba: {  	s0 =	sor.u32 s1, s0  }
0xbb: {  	s0 =	sadd.s32 $0x8F2B, s0  }
0xbc: {  	[sflag:s0] =	ssyncadd.remote.s32 $0x1  }
0xbd: {  	_ =	sfence.sel $0xFFFF  }
0xbe: {  	[dreg:$0x0] =	wrdreg $0xFFFFFFFF;
	(pc) =	sbr.abs _section_cstart, $3  }
0xbf: {  	[dreg:$0x1] =	wrdreg $0xFFFFFFFF  }
0xc0: {  	_ =	task.clear_ibuf [dreg:s6], $0x2FFFF;
	_ =	strace $0x9FFFFFFF  }
0xc1: {  	(tm) =	ssettm $0x7FFFFFFF  }
tec
execute0_lowered:
.L_overlay_start_1:
0x0: {  	(tag) =	ssettag $0x1  }
0x1: {  	s1 =	srdreg.scid  }
0x2: {  	s0 =	stileid.u32;
	s4 =	rddreg [dreg:$0x0];
	s2 =	simm.s32 $0x0  }
0x3: {  	s14 =	simm.s32 $0x4F00;
	s15 =	simm.s32 $0x7700;
	s16 =	simm.s32 $0x9F00  }
0x4: {  	s17 =	simm.s32 $0xC700;
	s18 =	simm.s32 $0x1;
	s19 =	simm.s32 $0x2  }
0x5: {  	s20 =	simm.s32 $0x0;
	s8 =	sand.u32 $0x1, s1;
	s1 =	rddreg [dreg:$0x1]  }
0x6: {  	s29 =	sshll.u32 s0, $0x1;
	[smem:$0x7FF] =	sst s2;
	s3 =	sadd.s32 $0x1BE00, s4  }
0x7: {  	s9 =	sadd.s32 $0x43000, s4;
	s12 =	smul.u32 $0x4E200, s0;
	s5 =	sor.u32 s8, s29  }
0x8: {  	s10 =	sadd.s32 $0x525000, s4;
	s7 =	ssub.s32 $0x2, s8;
	s6 =	smul.u32 $0x2710, s5  }
0x9: {  	_ =	strace $0x8000004D;
	s5 =	smul.u32 $0x138800, s5;
	s30 =	sshrl.u32 s7, $0x1  }
0xa: {  	s13 =	smul.u32 $0x27100, s8;
	s11 =	ssub.s32 s7, s30;
	s6 =	sshrl.u32 s6, $0x3  }
0xb: {  	s31 =	sshrl.u32 s5, $0x3;
	s8 =	smax.u32 s11, $0x1;
	s6 =	sadd.s32 s6, s4  }
0xc: {  	s11 =	simm.s32 $0x3;
	s7 =	sadd.s32 $0x26C00, s31;
	s4 =	sadd.s32 $0xF800, s6  }
0xd: {  	s5 =	sadd.s32 $0x5A00, s6;
	s6 =	sadd.s32 s9, s7;
	s7 =	sadd.s32 s10, s7  }
0xe: {  	s9 =	sadd.s32 s12, s9;
	s10 =	sadd.s32 s12, s10;
	s12 =	simm.s32 $0x2780  }
0xf: {  	s9 =	sadd.s32 s13, s9;
	s10 =	sadd.s32 s13, s10;
	s13 =	simm.s32 $0x50  }
.LBB2_1:
0x10: {  	[tilespmem:s2], [sflag:$0x3] =	stream.linear.gather [hbm4b:s4+s2], $0x2710, $0x38;
	[tilespmem:$0xEF00] =	vst v63  }
0x11: {  	_ =	swait.ge [sflag:s11], $0x2710  }
0x12: {  	[sflag:s11] =	ssyncset.done $0x0  }
0x13: {  	[sflag:s11] =	ssyncadd.s32 $0xFFFFD8F0  }
0x14: {  	[tilespmem:s12], [sflag:$0x3] =	stream.linear.gather [hbm4b:s5+s2], $0x2710, $0x38;
	[tilespmem:$0xEF00] =	vst v63  }
0x15: {  	_ =	swait.ge [sflag:s11], $0x2710  }
0x16: {  	[sflag:s11] =	ssyncset.done $0x0  }
0x17: {  	[sflag:s11] =	ssyncadd.s32 $0xFFFFD8F0  }
0x18: {  	[tilespmem:s14], [sflag:$0x1] =	stream.indirect.gather [hbm4b:s3+s13], $0x80, s2, s13, $0xb8;
	[tilespmem:$0xEF00] =	vst v63  }
0x19: {  	_ = 	snop  }
0x1a: {  	[tilespmem:s15], [sflag:$0x1] =	stream.indirect.gather [hbm4b:s3+s13], $0x80, s12, s13, $0xb8;
	[tilespmem:$0xEF00] =	vst v63  }
0x1b: {  	s21 =	simm.s32 $0x50  }
0x1c: {  	[tilespmem:s16], [sflag:$0x2] =	stream.indirect.gather [hbm4b:s3+s13], $0x80, s21, s13, $0xb8;
	[tilespmem:$0xEF00] =	vst v63  }
0x1d: {  	s26 =	simm.s32 $0x27D0  }
0x1e: {  	[tilespmem:s17], [sflag:$0x2] =	stream.indirect.gather [hbm4b:s3+s13], $0x80, s26, s13, $0xb8;
	[tilespmem:$0xEF00] =	vst v63  }
0x1f: {  	_ =	swait.ge [sflag:s18], $0x2800  }
0x20: {  	[sflag:s18] =	ssyncset.done $0x0  }
0x21: {  	[sflag:s18] =	ssyncadd.s32 $0xFFFFD800  }
0x22: {  	_ =	swait.ge [sflag:s18], $0x2800  }
0x23: {  	[sflag:s18] =	ssyncset.done $0x0  }
0x24: {  	[sflag:s18] =	ssyncadd.s32 $0xFFFFD800  }
0x25: {  	[hbm4b:s9+s2] =	stream.linear.scatter [tilespmem:s14], [sflag:$0x3], $0x2800, $0x38;
	[tilespmem:$0xEF00] =	vst v63  }
0x26: {  	_ =	swait.ge [sflag:s11], $0x2800  }
0x27: {  	[sflag:s11] =	ssyncset.done $0x0  }
0x28: {  	[sflag:s11] =	ssyncadd.s32 $0xFFFFD800  }
0x29: {  	[hbm4b:s10+s2] =	stream.linear.scatter [tilespmem:s15], [sflag:$0x3], $0x2800, $0x38;
	[tilespmem:$0xEF00] =	vst v63  }
0x2a: {  	_ =	swait.ge [sflag:s11], $0x2800  }
0x2b: {  	[sflag:s11] =	ssyncset.done $0x0  }
0x2c: {  	s28 =	simm.s32 $0xA0;
	[sflag:s11] =	ssyncadd.s32 $0xFFFFD800  }
0x2d: {  	[tilespmem:s14], [sflag:$0x1] =	stream.indirect.gather [hbm4b:s3+s13], $0x80, s28, s13, $0xb8;
	[tilespmem:$0xEF00] =	vst v63  }
0x2e: {  	s29 =	simm.s32 $0x2820  }
0x2f: {  	[tilespmem:s15], [sflag:$0x1] =	stream.indirect.gather [hbm4b:s3+s13], $0x80, s29, s13, $0xb8;
	[tilespmem:$0xEF00] =	vst v63  }
0x30: {  	_ =	swait.ge [sflag:s19], $0x2800  }
0x31: {  	[sflag:s19] =	ssyncset.done $0x0  }
0x32: {  	[sflag:s19] =	ssyncadd.s32 $0xFFFFD800  }
0x33: {  	_ =	swait.ge [sflag:s19], $0x2800  }
0x34: {  	[sflag:s19] =	ssyncset.done $0x0  }
0x35: {  	s30 =	sadd.s32 $0x500, s9;
	[sflag:s19] =	ssyncadd.s32 $0xFFFFD800  }
0x36: {  	[hbm4b:s30+s2] =	stream.linear.scatter [tilespmem:s16], [sflag:$0x3], $0x2800, $0x38;
	[tilespmem:$0xEF00] =	vst v63  }
0x37: {  	_ =	swait.ge [sflag:s11], $0x2800  }
0x38: {  	[sflag:s11] =	ssyncset.done $0x0  }
0x39: {  	s31 =	sadd.s32 $0x500, s10;
	[sflag:s11] =	ssyncadd.s32 $0xFFFFD800  }
0x3a: {  	[hbm4b:s31+s2] =	stream.linear.scatter [tilespmem:s17], [sflag:$0x3], $0x2800, $0x38;
	[tilespmem:$0xEF00] =	vst v63  }
0x3b: {  	s23 =	simm.s32 $0xA0;
	s22 =	sadd.s32 $0xA00, s9;
	_ =	swait.ge [sflag:s11], $0x2800  }
0x3c: {  	s21 =	sadd.s32 $0xA00, s10;
	s26 =	simm.s32 $0x500;
	[sflag:s11] =	ssyncset.done $0x0  }
.LBB2_2:
0x3d: {  	s28 =	sadd.s32 $0x50, s23  }
0x3e: {  	[sflag:s11] =	ssyncadd.s32 $0xFFFFD800;
	s25 =	smov.u32 s26;
	s24 =	sadd.s32 $0x280, s26  }
0x3f: {  	[tilespmem:s16], [sflag:$0x2] =	stream.indirect.gather [hbm4b:s3+s13], $0x80, s28, s13, $0xb8;
	[tilespmem:$0xEF00] =	vst v63  }
0x40: {  	p0 =	sne.s32 s26, $0x9880;
	s26 =	sadd.s32 $0x27D0, s23  }
0x41: {  	[tilespmem:s17], [sflag:$0x2] =	stream.indirect.gather [hbm4b:s3+s13], $0x80, s26, s13, $0xb8;
	[tilespmem:$0xEF00] =	vst v63  }
0x42: {  	_ =	swait.ge [sflag:s18], $0x2800  }
0x43: {  	[sflag:s18] =	ssyncset.done $0x0  }
0x44: {  	[sflag:s18] =	ssyncadd.s32 $0xFFFFD800  }
0x45: {  	_ =	swait.ge [sflag:s18], $0x2800  }
0x46: {  	[sflag:s18] =	ssyncset.done $0x0  }
0x47: {  	[sflag:s18] =	ssyncadd.s32 $0xFFFFD800  }
0x48: {  	[hbm4b:s22+s2] =	stream.linear.scatter [tilespmem:s14], [sflag:$0x3], $0x2800, $0x38;
	[tilespmem:$0xEF00] =	vst v63  }
0x49: {  	_ =	swait.ge [sflag:s11], $0x2800  }
0x4a: {  	[sflag:s11] =	ssyncset.done $0x0  }
0x4b: {  	[sflag:s11] =	ssyncadd.s32 $0xFFFFD800  }
0x4c: {  	[hbm4b:s21+s2] =	stream.linear.scatter [tilespmem:s15], [sflag:$0x3], $0x2800, $0x38;
	[tilespmem:$0xEF00] =	vst v63  }
0x4d: {  	_ =	swait.ge [sflag:s11], $0x2800  }
0x4e: {  	[sflag:s11] =	ssyncset.done $0x0  }
0x4f: {  	s26 =	sadd.s32 $0xA0, s23;
	[sflag:s11] =	ssyncadd.s32 $0xFFFFD800  }
0x50: {  	[tilespmem:s14], [sflag:$0x1] =	stream.indirect.gather [hbm4b:s3+s13], $0x80, s26, s13, $0xb8;
	[tilespmem:$0xEF00] =	vst v63  }
0x51: {  	s23 =	sadd.s32 $0x2820, s23  }
0x52: {  	[tilespmem:s15], [sflag:$0x1] =	stream.indirect.gather [hbm4b:s3+s13], $0x80, s23, s13, $0xb8;
	[tilespmem:$0xEF00] =	vst v63  }
0x53: {  	_ =	swait.ge [sflag:s19], $0x2800  }
0x54: {  	[sflag:s19] =	ssyncset.done $0x0  }
0x55: {  	[sflag:s19] =	ssyncadd.s32 $0xFFFFD800  }
0x56: {  	_ =	swait.ge [sflag:s19], $0x2800  }
0x57: {  	[sflag:s19] =	ssyncset.done $0x0  }
0x58: {  	s23 =	sadd.s32 $0x500, s22;
	[sflag:s19] =	ssyncadd.s32 $0xFFFFD800  }
0x59: {  	[hbm4b:s23+s2] =	stream.linear.scatter [tilespmem:s16], [sflag:$0x3], $0x2800, $0x38;
	[tilespmem:$0xEF00] =	vst v63  }
0x5a: {  	_ =	swait.ge [sflag:s11], $0x2800  }
.Ltmp0:
0x5b: {  	[sflag:s11] =	ssyncset.done $0x0;
	(pc) =	sbr.rel @p0 .LBB2_2-.Ltmp0, $4  }
0x5c: {  	s23 =	sadd.s32 $0x500, s21;
	[sflag:s11] =	ssyncadd.s32 $0xFFFFD800  }
0x5d: {  	[hbm4b:s23+s2] =	stream.linear.scatter [tilespmem:s17], [sflag:$0x3], $0x2800, $0x38;
	[tilespmem:$0xEF00] =	vst v63  }
0x5e: {  	s26 =	smov.u32 s24;
	s21 =	sadd.s32 $0xA00, s21;
	_ =	swait.ge [sflag:s11], $0x2800  }
0x5f: {  	s22 =	sadd.s32 $0xA00, s22;
	s23 =	sshra.s32 s25, $0x2;
	[sflag:s11] =	ssyncset.done $0x0  }
0x60: {  	s24 =	sadd.s32 $0x50, s23;
	[sflag:s11] =	ssyncadd.s32 $0xFFFFD800  }
0x61: {  	[tilespmem:s16], [sflag:$0x2] =	stream.indirect.gather [hbm4b:s3+s13], $0x80, s24, s13, $0xb8;
	[tilespmem:$0xEF00] =	vst v63  }
0x62: {  	s26 =	sadd.s32 $0x27D0, s23  }
0x63: {  	[tilespmem:s17], [sflag:$0x2] =	stream.indirect.gather [hbm4b:s3+s13], $0x80, s26, s13, $0xb8;
	[tilespmem:$0xEF00] =	vst v63  }
0x64: {  	_ =	swait.ge [sflag:s18], $0x2800  }
0x65: {  	[sflag:s18] =	ssyncset.done $0x0  }
0x66: {  	[sflag:s18] =	ssyncadd.s32 $0xFFFFD800  }
0x67: {  	_ =	swait.ge [sflag:s18], $0x2800  }
0x68: {  	[sflag:s18] =	ssyncset.done $0x0  }
0x69: {  	[sflag:s18] =	ssyncadd.s32 $0xFFFFD800  }
0x6a: {  	[hbm4b:s22+s2] =	stream.linear.scatter [tilespmem:s14], [sflag:$0x3], $0x2800, $0x38;
	[tilespmem:$0xEF00] =	vst v63  }
0x6b: {  	_ =	swait.ge [sflag:s11], $0x2800  }
0x6c: {  	[sflag:s11] =	ssyncset.done $0x0  }
0x6d: {  	[sflag:s11] =	ssyncadd.s32 $0xFFFFD800  }
0x6e: {  	[hbm4b:s21+s2] =	stream.linear.scatter [tilespmem:s15], [sflag:$0x3], $0x2800, $0x38;
	[tilespmem:$0xEF00] =	vst v63  }
0x6f: {  	_ =	swait.ge [sflag:s11], $0x2800  }
0x70: {  	[sflag:s11] =	ssyncset.done $0x0  }
0x71: {  	s28 =	sadd.s32 $0xA0, s23;
	[sflag:s11] =	ssyncadd.s32 $0xFFFFD800  }
0x72: {  	[tilespmem:s14], [sflag:$0x1] =	stream.indirect.gather [hbm4b:s3+s13], $0x80, s28, s13, $0xb8;
	[tilespmem:$0xEF00] =	vst v63  }
0x73: {  	s29 =	sadd.s32 $0x2820, s23  }
0x74: {  	[tilespmem:s15], [sflag:$0x1] =	stream.indirect.gather [hbm4b:s3+s13], $0x80, s29, s13, $0xb8;
	[tilespmem:$0xEF00] =	vst v63  }
0x75: {  	_ =	swait.ge [sflag:s19], $0x2800  }
0x76: {  	[sflag:s19] =	ssyncset.done $0x0  }
0x77: {  	[sflag:s19] =	ssyncadd.s32 $0xFFFFD800  }
0x78: {  	_ =	swait.ge [sflag:s19], $0x2800  }
0x79: {  	[sflag:s19] =	ssyncset.done $0x0  }
0x7a: {  	s30 =	sadd.s32 $0x500, s22;
	[sflag:s19] =	ssyncadd.s32 $0xFFFFD800  }
0x7b: {  	[hbm4b:s30+s2] =	stream.linear.scatter [tilespmem:s16], [sflag:$0x3], $0x2800, $0x38;
	[tilespmem:$0xEF00] =	vst v63  }
0x7c: {  	_ =	swait.ge [sflag:s11], $0x2800  }
0x7d: {  	[sflag:s11] =	ssyncset.done $0x0  }
0x7e: {  	s31 =	sadd.s32 $0x500, s21;
	[sflag:s11] =	ssyncadd.s32 $0xFFFFD800  }
0x7f: {  	[hbm4b:s31+s2] =	stream.linear.scatter [tilespmem:s17], [sflag:$0x3], $0x2800, $0x38;
	[tilespmem:$0xEF00] =	vst v63  }
0x80: {  	_ =	swait.ge [sflag:s11], $0x2800  }
0x81: {  	[sflag:s11] =	ssyncset.done $0x0  }
0x82: {  	[sflag:s11] =	ssyncadd.s32 $0xFFFFD800  }
0x83: {  	_ =	swait.ge [sflag:s18], $0x2800  }
0x84: {  	[sflag:s18] =	ssyncset.done $0x0  }
0x85: {  	[sflag:s18] =	ssyncadd.s32 $0xFFFFD800  }
0x86: {  	_ =	swait.ge [sflag:s18], $0x2800  }
0x87: {  	[sflag:s18] =	ssyncset.done $0x0  }
0x88: {  	[sflag:s18] =	ssyncadd.s32 $0xFFFFD800  }
0x89: {  	[hbm4b:s6+s2] =	stream.linear.scatter [tilespmem:s14], [sflag:$0x3], $0x2800, $0x38;
	[tilespmem:$0xEF00] =	vst v63  }
0x8a: {  	s20 =	sadd.s32 $0x1, s20;
	_ =	swait.ge [sflag:s11], $0x2800  }
0x8b: {  	p0 =	sne.s32 s20, s8;
	[sflag:s11] =	ssyncset.done $0x0  }
.Ltmp1:
0x8c: {  	[sflag:s11] =	ssyncadd.s32 $0xFFFFD800;
	(pc) =	sbr.rel @p0 .LBB2_1-.Ltmp1, $4  }
0x8d: {  	[hbm4b:s7+s2] =	stream.linear.scatter [tilespmem:s15], [sflag:$0x3], $0x2800, $0x38;
	[tilespmem:$0xEF00] =	vst v63  }
0x8e: {  	_ =	swait.ge [sflag:s11], $0x2800  }
0x8f: {  	[sflag:s11] =	ssyncset.done $0x0  }
0x90: {  	[sflag:s11] =	ssyncadd.s32 $0xFFFFD800  }
0x91: {  	_ =	sfence.sel $0x180000  }
0x92: {  	[bflag:$0x0] =	sbarrier.arrive $0xFFFF  }
0x93: {  	p0 =	sne.s32 s0, $0x0;
	_ =	strace $0x9000004D  }
0x94: {  	s0 =	sadd.s32 @!p0 $0x100000, s1;
	[bflag:$0x2] =	sbarrier.arrive $0xFFFF  }
0x95: {  	[sflag:s0] =	ssyncadd.tile.s32 @!p0 $0x1;
	_ =	shalt  }
.Lfunc_end2:
_tile_overlayer_lowered:
.L_overlay_start_2:
0x96: {  	(tag) =	ssettag $0x2  }
0x97: {  	s0 =	rddreg [dreg:$0x0];
	s2 =	stileid.u32  }
0x98: {  	s1 =	rddreg [dreg:$0x1];
	p0 =	sne.s32 s2, $0x0  }
0x99: {  	s3 =	rddreg [dreg:$0x2];
	[bflag:$0x3] =	sbarrier.arrive $0xFFFF;
	s2 =	simm.s32 @!p0 $0x1C03  }
0x9a: {  	[timem:s3], [sflag:s2] =	dma.local @!p0 [hbm:s0], s1  }
0x9b: {  	s0 =	simm.s32 @!p0 $0x3  }
0x9c: {  	_ =	swait.ge @!p0 [sflag:s0], s1  }
0x9d: {  	s1 =	ssub.s32 @!p0 $0x0, s1;
	[sflag:s0] =	ssyncset.done @!p0 $0x0  }
0x9e: {  	[sflag:s0] =	ssyncadd.s32 @!p0 s1  }
0x9f: {  	[bflag:$0x3] =	sbarrier.arrive $0xFFFF  }
0xa0: {  	_ =	shalt  }

// kernel: kernel.19.cloned.1.call-start
scs
__scs_entry_jumppad:
0x0: {  	(pc) =	sbr.rel $0x88, $3  }
0x1: {  	(tag) =	ssettag $0x0;
	lr =	simm.s32 $0x1  }
0x2: {  	[smem:$0x3F8E] =	sst lr;
	_ =	strace $0xD0000000  }
0x3: {  	_ = 	snop  }
0x4: {  	_ = 	snop  }
0x5: {  	_ = 	snop  }
0x6: {  	_ = 	snop  }
0x7: {  	_ = 	snop  }
__scs_overlays_trampoline_lowered:
0x8: {  	[smem:$0x3F9D] =	sst s0  }
0x9: {  	[smem:$0x3F9E] =	sst s1  }
0xa: {  	[smem:$0x3F9F] =	sst s2  }
0xb: {  	[smem:$0x3FA0] =	sst s3  }
0xc: {  	[smem:$0x3FA1] =	sst s4  }
0xd: {  	[smem:$0x3FA2] =	sst s5  }
0xe: {  	[smem:$0x3FA3] =	sst s6  }
0xf: {  	[smem:$0x3FA4] =	sst s7  }
0x10: {  	[smem:$0x3FA5] =	sst s8  }
0x11: {  	[smem:$0x3FA6] =	sst s9;
	s0 =	simm.s32 @!p0 $0x0  }
0x12: {  	s1 =	sld [smem:$0x3F8C];
	s0 =	simm.s32 @p0 $0x1  }
0x13: {  	[smem:$0x3FA7] =	sst s0;
	s0 =	simm.s32 @!p1 $0x0  }
0x14: {  	s2 =	sld [smem:$0x3F8B];
	s0 =	simm.s32 @p1 $0x1  }
0x15: {  	[smem:$0x3FA8] =	sst s0;
	s0 =	simm.s32 @!p2 $0x0  }
0x16: {  	s3 =	sld [smem:$0x3FDB];
	s0 =	simm.s32 @p2 $0x1  }
0x17: {  	s4 =	simm.s32 $0x1BF5;
	[smem:$0x3FAA] =	sst s0  }
0x18: {  	s0 =	sld [smem:$0x3F8D];
	_ =	swait.ge [sflag:s4], $0x0  }
0x19: {  	s7 =	sld [smem:$0x3F8E]  }
0x1a: {  	s8 =	sadd.s32 $0xFFFFE003, lr  }
0x1b: {  	s9 =	sadd.s32 $0xFFFFFEF7, lr;
	s5 =	simm.s32 $0xFFFFFFFF;
	p2 =	slt.u32 s8, $0xFFFFF086  }
0x1c: {  	p1 =	slt.u32 s9, $0xF7A;
	s5 =	simm.s32 @!p2 $0x0  }
0x1d: {  	s5 =	simm.s32 @p1 $0x1;
	p0 =	seq.s32 s7, s2  }
0x1e: {  	s7 =	smul.u32 @!p0 $0xF7A, s2;
	p2 =	seq.s32 @!p0 s5, $0x0  }
0x1f: {  	s9 =	smul.u32 $0xF7A, s1;
	s8 =	simm.s32 @!p0 $0x1BF5;
	p2 =	por !p2, p0  }
0x20: {  	[sflag:s8] =	ssyncset.s32 @!p0 $0xFFFFF086;
	s6 =	sadd.s32 @!p0 s3, s7;
	s7 =	simm.s32 @!p0 $0x108  }
0x21: {  	s3 =	sadd.s32 s3, s9;
	s6 =	sadd.s32 @!p0 $0x88, s6;
	s7 =	simm.s32 @p2 $0x1082  }
0x22: {  	[simem:s7], [sflag:s8] =	dma.local @!p0 [hbm:s6], $0xF7A  }
0x23: {  	s9 =	sor.u32 $0xD0000000, s2;
	s6 =	simm.s32 $0x108;
	_ =	swait.ge @!p0 [sflag:s8], $0x0  }
0x24: {  	s3 =	sadd.s32 $0x88, s3;
	s6 =	simm.s32 @!p1 $0x1082;
	[sflag:s4] =	ssyncset.s32 $0xFFFFF086  }
0x25: {  	[simem:s6], [sflag:s4] =	dma.local [hbm:s3], $0xF7A  }
0x26: {  	[smem:$0x3F8E] =	sst s1;
	(tag) =	ssettag s2;
	_ =	strace s9  }
0x27: {  	s1 =	sld [smem:$0x3F9E]  }
0x28: {  	s2 =	sld [smem:$0x3F9F]  }
0x29: {  	s4 =	sld [smem:$0x3FA1]  }
0x2a: {  	p0 =	seq.s32 s5, $0x0;
	s5 =	sld [smem:$0x3FA2]  }
0x2b: {  	s6 =	sld [smem:$0x3FA3]  }
0x2c: {  	s7 =	sld [smem:$0x3FA4]  }
0x2d: {  	s3 =	simm.s32 $0x108;
	s8 =	sld [smem:$0x3FA5]  }
0x2e: {  	s3 =	simm.s32 @!p0 $0x1082;
	s9 =	sld [smem:$0x3FA6]  }
0x2f: {  	lr =	sadd.s32 s0, s3;
	s0 =	sld [smem:$0x3F9D]  }
0x30: {  	s3 =	sld [smem:$0x3FA0]  }
0x31: {  	[smem:$0x3FA9] =	sst s10  }
0x32: {  	s10 =	sld [smem:$0x3FA7];
	_ =	sdelay $0x3  }
0x33: {  	p0 =	seq.s32 s10, $0x1;
	s10 =	sld [smem:$0x3FA9];
	_ =	sdelay $0x3  }
0x34: {  	[smem:$0x3FA9] =	sst s10  }
0x35: {  	s10 =	sld [smem:$0x3FA8];
	_ =	sdelay $0x3  }
0x36: {  	p1 =	seq.s32 s10, $0x1;
	s10 =	sld [smem:$0x3FA9];
	_ =	sdelay $0x3  }
0x37: {  	[smem:$0x3FA9] =	sst s10  }
0x38: {  	s10 =	sld [smem:$0x3FAA]  }
0x39: {  	_ = 	snop;
	(pc) =	sbr.ind lr, $3  }
0x3a: {  	_ = 	snop  }
0x3b: {  	_ = 	snop  }
0x3c: {  	p2 =	seq.s32 s10, $0x1;
	s10 =	sld [smem:$0x3FA9]  }
0x3d: {  	_ =	shalt  }
0x3e: {  	_ =	shalt  }
0x3f: {  	_ =	shalt  }
0x40: {  	_ =	shalt  }
0x41: {  	_ =	shalt  }
0x42: {  	_ =	shalt  }
0x43: {  	_ =	shalt  }
0x44: {  	_ =	shalt  }
0x45: {  	_ =	shalt  }
0x46: {  	_ =	shalt  }
0x47: {  	_ =	shalt  }
0x48: {  	_ =	shalt  }
0x49: {  	_ =	shalt  }
0x4a: {  	_ =	shalt  }
0x4b: {  	_ =	shalt  }
0x4c: {  	_ =	shalt  }
0x4d: {  	_ =	shalt  }
0x4e: {  	_ =	shalt  }
0x4f: {  	_ =	shalt  }
0x50: {  	_ =	shalt  }
0x51: {  	_ =	shalt  }
0x52: {  	_ =	shalt  }
0x53: {  	_ =	shalt  }
0x54: {  	_ =	shalt  }
0x55: {  	_ =	shalt  }
0x56: {  	_ =	shalt  }
0x57: {  	_ =	shalt  }
0x58: {  	_ =	shalt  }
0x59: {  	_ =	shalt  }
0x5a: {  	_ =	shalt  }
0x5b: {  	_ =	shalt  }
0x5c: {  	_ =	shalt  }
0x5d: {  	_ =	shalt  }
0x5e: {  	_ =	shalt  }
0x5f: {  	_ =	shalt  }
0x60: {  	_ =	shalt  }
0x61: {  	_ =	shalt  }
0x62: {  	_ =	shalt  }
0x63: {  	_ =	shalt  }
0x64: {  	_ =	shalt  }
0x65: {  	_ =	shalt  }
0x66: {  	_ =	shalt  }
0x67: {  	_ =	shalt  }
0x68: {  	_ =	shalt  }
0x69: {  	_ =	shalt  }
0x6a: {  	_ =	shalt  }
0x6b: {  	_ =	shalt  }
0x6c: {  	_ =	shalt  }
0x6d: {  	_ =	shalt  }
0x6e: {  	_ =	shalt  }
0x6f: {  	_ =	shalt  }
0x70: {  	_ =	shalt  }
0x71: {  	_ =	shalt  }
0x72: {  	_ =	shalt  }
0x73: {  	_ =	shalt  }
0x74: {  	_ =	shalt  }
0x75: {  	_ =	shalt  }
0x76: {  	_ =	shalt  }
0x77: {  	_ =	shalt  }
0x78: {  	_ =	shalt  }
0x79: {  	_ =	shalt  }
0x7a: {  	_ =	shalt  }
0x7b: {  	_ =	shalt  }
0x7c: {  	_ =	shalt  }
0x7d: {  	_ =	shalt  }
0x7e: {  	_ =	shalt  }
0x7f: {  	_ =	shalt  }
0x80: {  	_ =	shalt  }
0x81: {  	_ =	shalt  }
0x82: {  	_ =	shalt  }
0x83: {  	_ =	shalt  }
0x84: {  	_ =	shalt  }
0x85: {  	_ =	shalt  }
0x86: {  	_ =	shalt  }
0x87: {  	_ =	shalt  }
.Lfunc_end0:
.L_simem_size_0:
called_computation.3_lowered:
.L_overlay_start_0:
0x88: {  	s2 =	sld [smem:$0x3FD9]  }
0x89: {  	s3 =	sld [smem:$0x3FFE];
	_ =	sdelay $0x1  }
0x8a: {  	s1 =	srdreg.scid  }
0x8b: {  	s0 =	sand.u32 $0x1, s1  }
0x8c: {  	s16 =	sshll.u32 s0, $0xA;
	s2 =	sadd.s32 s3, s2  }
0x8d: {  	s2 =	sadd.s32 s2, s16  }
0x8e: {  	[smem:$0x3FB5] =	sst s2  }
0x8f: {  	_ = 	snop  }
0x90: {  	(tm) =	ssettm $0x1  }
0x91: {  	s17 =	sld [smem:$0x3FFB];
	_ =	sdelay $0x3  }
0x92: {  	_ =	strace s17  }
0x93: {  	s2 =	sld [smem:$0x3FFC];
	_ =	sdelay $0x3  }
0x94: {  	_ =	strace s2  }
0x95: {  	s2 =	sld [smem:$0x3FFD];
	_ =	sdelay $0x3  }
0x96: {  	_ =	strace s2  }
0x97: {  	_ =	strace $0x8FFFFFFF  }
0x98: {  	s18 =	sld [smem:$0x3FDB];
	_ =	sdelay $0x1  }
0x99: {  	s19 =	simm.s32 $_scs_section_size  }
0x9a: {  	s4 =	simm.s32 $_size__tile_overlayer_lowered;
	s5 =	simm.s32 $_tile_overlayer_lowered  }
0x9b: {  	s22 =	simm.s32 $0x1BFF;
	s21 =	sshll.u32 s5, $0x1;
	s2 =	sadd.s32 s19, s18  }
0x9c: {  	s6 =	simm.s32 $0x0;
	s20 =	sshll.u32 s4, $0x1;
	s4 =	sadd.s32 s21, s2  }
0x9d: {  	[timem:s6], [sflag:s22] =	dma.local [hbm:s4], s20  }
0x9e: {  	_ =	swait.ge [sflag:s22], s20  }
0x9f: {  	s3 =	ssub.s32 $0x0, s20;
	[sflag:s22] =	ssyncset.done $0x0  }
0xa0: {  	[sflag:s22] =	ssyncadd.s32 s3;
	_ =	sdelay $0x1  }
0xa1: {  	s23 =	simm.s32 $0x1B8B  }
0xa2: {  	_ =	swait.ge [sflag:s23], $0x1  }
0xa3: {  	[sflag:s23] =	ssyncset.done $0x0  }
0xa4: {  	s25 =	simm.s32 $0x1B8E;
	s24 =	sld [smem:$0x3FFE];
	[sflag:s23] =	ssyncadd.s32 $0xFFFFFFFF  }
0xa5: {  	s26 =	simm.s32 $execute0_lowered;
	[smem:$0x3FD2] =	sst s25  }
0xa6: {  	s4 =	sshll.u32 s26, $0x1;
	_ =	strace $0x8000004F;
	[dreg:$0x1] =	wrdreg $0xFFFFFFFF  }
0xa7: {  	s28 =	simm.s32 $_size_execute0_lowered;
	s2 =	sadd.s32 s2, s4;
	[dreg:$0x0] =	wrdreg $0x0  }
0xa8: {  	s4 =	sshll.u32 s28, $0x1;
	[dreg:$0x2] =	wrdreg s2  }
0xa9: {  	[dreg:$0x3] =	wrdreg s4  }
0xaa: {  	[dreg:$0x4] =	wrdreg $0xC0  }
0xab: {  	_ =	task [dreg:s6], $0x5FFFF  }
0xac: {  	[dreg:$0x1] =	wrdreg $0xFFFFFFFF  }
0xad: {  	[dreg:$0x0] =	wrdreg $0x60  }
0xae: {  	[dreg:$0x2] =	wrdreg s24  }
0xaf: {  	[dreg:$0x3] =	wrdreg $0x143200  }
0xb0: {  	[dreg:$0x4] =	wrdreg $0x9  }
0xb1: {  	_ =	task.clear_ibuf [dreg:s6], $0x5FFFF;
	_ =	strace $0x9000004F  }
0xb2: {  	s29 =	simm.s32 $0x9;
	_ =	strace $0x80000051  }
0xb3: {  	_ =	swait.ge [sflag:s29], $0x1  }
0xb4: {  	[sflag:s29] =	ssyncadd.s32 $0xFFFFFFFF  }
0xb5: {  	_ =	strace $0x90000051  }
0xb6: {  	_ =	sfence  }
0xb7: {  	s30 =	sld [smem:$0x0];
	_ =	sdelay $0x2  }
0xb8: {  	s31 =	sshll.u32 s1, $0xD;
	s1 =	sshrl.u32 s1, $0x2  }
0xb9: {  	s3 =	sand.u32 $0x4000, s31;
	s1 =	sadd.s32 s1, s30  }
0xba: {  	s0 =	sor.u32 s3, s0;
	s1 =	sshll.u32 s1, $0x11  }
0xbb: {  	s0 =	sor.u32 s1, s0  }
0xbc: {  	s0 =	sadd.s32 $0x8F2B, s0  }
0xbd: {  	[sflag:s0] =	ssyncadd.remote.s32 $0x1  }
0xbe: {  	_ =	sfence.sel $0xFFFF  }
0xbf: {  	[dreg:$0x0] =	wrdreg $0xFFFFFFFF;
	(pc) =	sbr.abs _section_cstart, $3  }
0xc0: {  	[dreg:$0x1] =	wrdreg $0xFFFFFFFF  }
0xc1: {  	_ =	task.clear_ibuf [dreg:s6], $0x2FFFF;
	_ =	strace $0x9FFFFFFF  }
0xc2: {  	(tm) =	ssettm $0x7FFFFFFF  }
0xc3: {  	_ =	shalt  }
tec
execute0_lowered:
.L_overlay_start_1:
0x0: {  	(tag) =	ssettag $0x1  }
0x1: {  	s0 =	rddreg [dreg:$0x0]  }
0x2: {  	s1 =	rddreg [dreg:$0x1];
	s3 =	simm.s32 $0x0  }
0x3: {  	s2 =	srdreg.scid;
	s9 =	stileid.u32;
	s28 =	simm.s32 $0x4  }
0x4: {  	s29 =	simm.s32 $0x0;
	[smem:$0x7FF] =	sst s3;
	s2 =	sand.u32 $0x1, s2  }
0x5: {  	s5 =	smul.u32 $0x2710, s9;
	s14 =	sadd.s32 $0x1883600, s0;
	s17 =	sadd.s32 $0xF800, s0  }
0x6: {  	s15 =	sadd.s32 $0x19600, s0;
	s16 =	smul.u32 $0x9C40, s9;
	s4 =	sshll.u32 s2, $0x4  }
0x7: {  	_ =	strace $0x80000050;
	s6 =	smul.u32 $0x27100, s2;
	s7 =	sor.u32 s9, s4  }
0x8: {  	[dreg:$0x3] =	wrdreg s15;
	s2 =	ssub.s32 $0x2, s2;
	s8 =	smul.u32 $0x2710, s7  }
0x9: {  	s18 =	sshrl.u32 s2, $0x1;
	s15 =	sadd.s32 s5, s6;
	s7 =	smul.u32 $0x27100, s7  }
0xa: {  	s2 =	ssub.s32 s2, s18;
	s5 =	sshrl.u32 s16, $0x2;
	s0 =	sadd.s32 s15, s0  }
0xb: {  	s5 =	sadd.s32 s5, s1;
	s9 =	smax.u32 s2, $0x1;
	s16 =	sadd.s32 $0x140, s15  }
0xc: {  	s18 =	sadd.s32 $0xF0, s15;
	s19 =	sshrl.u32 s8, $0x3;
	s7 =	sadd.s32 s14, s7  }
0xd: {  	s10 =	sadd.s32 $0x50, s8;
	s13 =	sadd.s32 $0xA0, s8;
	s8 =	sadd.s32 $0x1BE00, s0  }
0xe: {  	s25 =	sshll.u32 s16, $0x4;
	s26 =	sshrl.u32 s16, $0x3;
	s30 =	sshll.u32 s18, $0x4  }
0xf: {  	s31 =	sshrl.u32 s18, $0x3;
	s18 =	simm.s32 $0x5;
	s20 =	sadd.s32 s17, s19  }
0x10: {  	s21 =	sshrl.u32 s10, $0x3;
	s22 =	sshll.u32 s10, $0x4;
	s23 =	sshrl.u32 s13, $0x3  }
0x11: {  	s24 =	sshll.u32 s13, $0x4;
	s2 =	sadd.s32 s25, s14;
	s15 =	sadd.s32 s26, s17  }
0x12: {  	s16 =	sadd.s32 s30, s14;
	s19 =	simm.s32 $0x10;
	s25 =	simm.s32 $0x2  }
0x13: {  	s26 =	simm.s32 $0x3;
	[dreg:$0x4] =	wrdreg s20;
	s10 =	sadd.s32 s17, s21  }
0x14: {  	s11 =	sadd.s32 s14, s22;
	s12 =	sadd.s32 s17, s23;
	s13 =	sadd.s32 s14, s24  }
0x15: {  	s17 =	sadd.s32 s31, s17;
	s20 =	simm.s32 $0x80;
	s21 =	simm.s32 $0xA0  }
0x16: {  	s22 =	simm.s32 $0x1;
	s23 =	simm.s32 $0x50;
	s24 =	simm.s32 $0x5A0  }
.LBB2_1:
0x17: {  	s0 =	simm.s32 $0xAA0;
	s4 =	rddreg [dreg:$0x3]  }
0x18: {  	[tilespmem:s0], [sflag:$0x5] =	stream.linear.gather [hbm4b:s4+s3], $0x13880, $0x38;
	[tilespmem:$0x16A30] =	vst v63  }
0x19: {  	_ =	swait.ge [sflag:s18], $0x13880  }
0x1a: {  	[sflag:s18] =	ssyncset.done $0x0  }
0x1b: {  	s14 =	sadd.s32 $0x0, s5;
	[sflag:s18] =	ssyncadd.s32 $0xFFFEC780  }
0x1c: {  	[spmem:s14] =	stream.linear.scatter [tilespmem:s0], [sflag:$0x5], $0x10, $0x38;
	[tilespmem:$0x16A30] =	vst v63  }
0x1d: {  	s14 =	simm.s32 $0x40  }
.LBB2_2:
0x1e: {  	p0 =	sne.s32 s14, $0x9C00  }
.Ltmp0:
0x1f: {  	_ = 	snop;
	(pc) =	sbr.rel @p0 .LBB2_2-.Ltmp0, $4  }
0x20: {  	_ = 	snop  }
0x21: {  	s30 =	sshra.s32 s14, $0x2;
	s14 =	sadd.s32 $0x40, s14  }
0x22: {  	s0 =	sadd.s32 $0x80, s0;
	s30 =	sadd.s32 s30, s5  }
0x23: {  	[spmem:s30] =	stream.linear.scatter [tilespmem:s0], [sflag:$0x5], $0x10, $0x38;
	[tilespmem:$0x16A30] =	vst v63  }
0x24: {  	_ =	swait.ge [sflag:s18], $0x2710  }
0x25: {  	[sflag:s18] =	ssyncset.done $0x0  }
0x26: {  	[sflag:s18] =	ssyncadd.s32 $0xFFFFD8F0  }
0x27: {  	[bflag:$0x0] =	sbarrier.arrive $0xFFFF  }
0x28: {  	s0 =	simm.s32 $0x0;
	s4 =	rddreg [dreg:$0x4]  }
0x29: {  	[tilespmem:s0], [sflag:$0x1] =	stream.linear.gather [hbm4b:s4+s0], $0x50, $0x38;
	[tilespmem:$0x16A30] =	vst v63  }
0x2a: {  	_ = 	snop  }
0x2b: {  	[tilespmem:s21], [sflag:$0x1] =	stream.strided.gather [hbm4b:s7+s19], $0x500, s20, s19, $0x38;
	[tilespmem:$0x16A30] =	vst v63  }
0x2c: {  	_ =	swait.ge [sflag:s22], $0x50  }
0x2d: {  	[sflag:s22] =	ssyncset.done $0x0  }
0x2e: {  	[sflag:s22] =	ssyncadd.s32 $0xFFFFFFB0  }
0x2f: {  	_ =	swait.ge [sflag:s22], $0x500  }
0x30: {  	[sflag:s22] =	ssyncset.done $0x0  }
0x31: {  	[sflag:s22] =	ssyncadd.s32 $0xFFFFFB00  }
0x32: {  	[spmem:s1] =	stream.indirect.scatter.add.f32 [tilespmem:s21], [sflag:$0x3], $0x10, s0, s23, $0xb8;
	[tilespmem:$0x16A30] =	vst v63  }
0x33: {  	_ = 	snop  }
0x34: {  	[tilespmem:s23], [sflag:$0x2] =	stream.linear.gather [hbm4b:s10+s0], $0x50, $0x38;
	[tilespmem:$0x16A30] =	vst v63  }
0x35: {  	_ = 	snop  }
0x36: {  	[tilespmem:s24], [sflag:$0x2] =	stream.strided.gather [hbm4b:s11+s19], $0x500, s20, s19, $0x38;
	[tilespmem:$0x16A30] =	vst v63  }
0x37: {  	_ =	swait.ge [sflag:s25], $0x50  }
0x38: {  	[sflag:s25] =	ssyncset.done $0x0  }
0x39: {  	[sflag:s25] =	ssyncadd.s32 $0xFFFFFFB0  }
0x3a: {  	_ =	swait.ge [sflag:s25], $0x500  }
0x3b: {  	[sflag:s25] =	ssyncset.done $0x0  }
0x3c: {  	[sflag:s25] =	ssyncadd.s32 $0xFFFFFB00  }
0x3d: {  	[spmem:s1] =	stream.indirect.scatter.add.f32 [tilespmem:s24], [sflag:$0x4], $0x10, s23, s23, $0xb8;
	[tilespmem:$0x16A30] =	vst v63  }
0x3e: {  	_ =	swait.ge [sflag:s26], $0x500  }
0x3f: {  	[sflag:s26] =	ssyncset.done $0x0  }
0x40: {  	[sflag:s26] =	ssyncadd.s32 $0xFFFFFB00  }
0x41: {  	[tilespmem:s0], [sflag:$0x1] =	stream.linear.gather [hbm4b:s12+s0], $0x50, $0x38;
	[tilespmem:$0x16A30] =	vst v63  }
0x42: {  	_ = 	snop  }
0x43: {  	[tilespmem:s21], [sflag:$0x1] =	stream.strided.gather [hbm4b:s13+s19], $0x500, s20, s19, $0x38;
	[tilespmem:$0x16A30] =	vst v63  }
0x44: {  	_ =	swait.ge [sflag:s22], $0x50  }
0x45: {  	[sflag:s22] =	ssyncset.done $0x0  }
0x46: {  	[sflag:s22] =	ssyncadd.s32 $0xFFFFFFB0  }
0x47: {  	_ =	swait.ge [sflag:s22], $0x500  }
0x48: {  	[sflag:s22] =	ssyncset.done $0x0  }
0x49: {  	[sflag:s22] =	ssyncadd.s32 $0xFFFFFB00  }
0x4a: {  	[spmem:s1] =	stream.indirect.scatter.add.f32 [tilespmem:s21], [sflag:$0x3], $0x10, s3, s23, $0xb8;
	[tilespmem:$0x16A30] =	vst v63  }
0x4b: {  	_ =	swait.ge [sflag:s28], $0x500  }
0x4c: {  	[sflag:s28] =	ssyncset.done $0x0  }
0x4d: {  	s6 =	sadd.s32 $0x0, s17;
	[sflag:s28] =	ssyncadd.s32 $0xFFFFFB00  }
0x4e: {  	[tilespmem:s23], [sflag:$0x2] =	stream.linear.gather [hbm4b:s6+s3], $0x50, $0x38;
	[tilespmem:$0x16A30] =	vst v63  }
0x4f: {  	_ = 	snop  }
0x50: {  	[tilespmem:s24], [sflag:$0x2] =	stream.strided.gather [hbm4b:s16+s19], $0x500, s20, s19, $0x38;
	[tilespmem:$0x16A30] =	vst v63  }
0x51: {  	_ =	swait.ge [sflag:s25], $0x50  }
0x52: {  	[sflag:s25] =	ssyncset.done $0x0  }
0x53: {  	[sflag:s25] =	ssyncadd.s32 $0xFFFFFFB0  }
0x54: {  	_ =	swait.ge [sflag:s25], $0x500  }
0x55: {  	[sflag:s25] =	ssyncset.done $0x0  }
0x56: {  	[sflag:s25] =	ssyncadd.s32 $0xFFFFFB00  }
0x57: {  	[spmem:s1] =	stream.indirect.scatter.add.f32 [tilespmem:s24], [sflag:$0x4], $0x10, s23, s23, $0xb8;
	[tilespmem:$0x16A30] =	vst v63  }
0x58: {  	_ =	swait.ge [sflag:s26], $0x500  }
0x59: {  	[sflag:s26] =	ssyncset.done $0x0  }
0x5a: {  	s14 =	sadd.s32 $0x0, s15;
	s30 =	simm.s32 $0x14;
	[sflag:s26] =	ssyncadd.s32 $0xFFFFFB00  }
0x5b: {  	[tilespmem:s3], [sflag:$0x1] =	stream.linear.gather [hbm4b:s14+s3], $0x50, $0x38;
	[tilespmem:$0x16A30] =	vst v63  }
0x5c: {  	s31 =	sadd.s32 $0xA00, s2;
	s0 =	sadd.s32 $0xA00, s16;
	s14 =	smov.u32 s2  }
.LBB2_4:
0x5d: {  	[tilespmem:s21], [sflag:$0x1] =	stream.strided.gather [hbm4b:s14+s19], $0x500, s20, s19, $0x38;
	[tilespmem:$0x16A30] =	vst v63  }
0x5e: {  	s4 =	smov.u32 s30;
	s14 =	smov.u32 s31  }
0x5f: {  	p0 =	sne.s32 s30, $0x4B0;
	s30 =	sadd.s32 $0x14, s30;
	_ =	swait.ge [sflag:s22], $0x50  }
0x60: {  	[sflag:s22] =	ssyncset.done $0x0  }
0x61: {  	[sflag:s22] =	ssyncadd.s32 $0xFFFFFFB0  }
0x62: {  	_ =	swait.ge [sflag:s22], $0x500  }
0x63: {  	[sflag:s22] =	ssyncset.done $0x0  }
0x64: {  	[sflag:s22] =	ssyncadd.s32 $0xFFFFFB00  }
0x65: {  	[spmem:s1] =	stream.indirect.scatter.add.f32 [tilespmem:s21], [sflag:$0x3], $0x10, s3, s23, $0xb8;
	[tilespmem:$0x16A30] =	vst v63  }
0x66: {  	_ =	swait.ge [sflag:s28], $0x500  }
0x67: {  	[sflag:s28] =	ssyncset.done $0x0  }
0x68: {  	s6 =	sadd.s32 s4, s17;
	[sflag:s28] =	ssyncadd.s32 $0xFFFFFB00  }
0x69: {  	[tilespmem:s23], [sflag:$0x2] =	stream.linear.gather [hbm4b:s6+s3], $0x50, $0x38;
	[tilespmem:$0x16A30] =	vst v63  }
0x6a: {  	_ = 	snop  }
0x6b: {  	[tilespmem:s24], [sflag:$0x2] =	stream.strided.gather [hbm4b:s0+s19], $0x500, s20, s19, $0x38;
	[tilespmem:$0x16A30] =	vst v63  }
0x6c: {  	_ =	swait.ge [sflag:s25], $0x50  }
0x6d: {  	[sflag:s25] =	ssyncset.done $0x0  }
0x6e: {  	[sflag:s25] =	ssyncadd.s32 $0xFFFFFFB0  }
0x6f: {  	_ =	swait.ge [sflag:s25], $0x500  }
0x70: {  	[sflag:s25] =	ssyncset.done $0x0  }
0x71: {  	[sflag:s25] =	ssyncadd.s32 $0xFFFFFB00  }
0x72: {  	[spmem:s1] =	stream.indirect.scatter.add.f32 [tilespmem:s24], [sflag:$0x4], $0x10, s23, s23, $0xb8;
	[tilespmem:$0x16A30] =	vst v63  }
.Ltmp1:
0x73: {  	_ =	swait.ge [sflag:s26], $0x500;
	(pc) =	sbr.rel @p0 .LBB2_4-.Ltmp1, $4  }
0x74: {  	[sflag:s26] =	ssyncset.done $0x0  }
0x75: {  	s4 =	sadd.s32 s4, s15;
	[sflag:s26] =	ssyncadd.s32 $0xFFFFFB00  }
0x76: {  	[tilespmem:s3], [sflag:$0x1] =	stream.linear.gather [hbm4b:s4+s3], $0x50, $0x38;
	[tilespmem:$0x16A30] =	vst v63  }
0x77: {  	s31 =	sadd.s32 $0xA00, s31;
	s0 =	sadd.s32 $0xA00, s0  }
0x78: {  	[tilespmem:s21], [sflag:$0x1] =	stream.strided.gather [hbm4b:s14+s19], $0x500, s20, s19, $0x38;
	[tilespmem:$0x16A30] =	vst v63  }
0x79: {  	_ =	swait.ge [sflag:s22], $0x50  }
0x7a: {  	[sflag:s22] =	ssyncset.done $0x0  }
0x7b: {  	[sflag:s22] =	ssyncadd.s32 $0xFFFFFFB0  }
0x7c: {  	_ =	swait.ge [sflag:s22], $0x500  }
0x7d: {  	[sflag:s22] =	ssyncset.done $0x0  }
0x7e: {  	s0 =	simm.s32 $0x0;
	[sflag:s22] =	ssyncadd.s32 $0xFFFFFB00  }
0x7f: {  	[spmem:s1] =	stream.indirect.scatter.add.f32 [tilespmem:s21], [sflag:$0x3], $0x10, s0, s23, $0xb8;
	[tilespmem:$0x16A30] =	vst v63  }
0x80: {  	_ =	swait.ge [sflag:s28], $0x500  }
0x81: {  	[sflag:s28] =	ssyncset.done $0x0  }
0x82: {  	[sflag:s28] =	ssyncadd.s32 $0xFFFFFB00  }
0x83: {  	_ =	swait.ge [sflag:s26], $0x500  }
0x84: {  	[sflag:s26] =	ssyncset.done $0x0  }
0x85: {  	s4 =	sadd.s32 $0x0, s5;
	[sflag:s26] =	ssyncadd.s32 $0xFFFFFB00  }
0x86: {  	s14 =	simm.s32 $0x40;
	s0 =	simm.s32 $0xAA0;
	[bflag:$0x0] =	sbarrier.arrive $0xFFFF  }
0x87: {  	[tilespmem:s0], [sflag:$0x5] =	stream.linear.gather [spmem:s4], $0x10, $0x38;
	[tilespmem:$0x16A30] =	vst v63  }
.LBB2_6:
0x88: {  	p0 =	sne.s32 s14, $0x9C00  }
.Ltmp2:
0x89: {  	_ = 	snop;
	(pc) =	sbr.rel @p0 .LBB2_6-.Ltmp2, $4  }
0x8a: {  	_ = 	snop  }
0x8b: {  	s4 =	sshra.s32 s14, $0x2;
	s14 =	sadd.s32 $0x40, s14  }
0x8c: {  	s0 =	sadd.s32 $0x80, s0;
	s4 =	sadd.s32 s4, s5  }
0x8d: {  	[tilespmem:s0], [sflag:$0x5] =	stream.linear.gather [spmem:s4], $0x10, $0x38;
	[tilespmem:$0x16A30] =	vst v63  }
0x8e: {  	_ =	swait.ge [sflag:s18], $0x2710  }
0x8f: {  	s0 =	simm.s32 $0xAA0;
	s14 =	simm.s32 $0x10;
	[sflag:s18] =	ssyncset.done $0x0  }
0x90: {  	s31 =	sadd.s32 $0x0, s8;
	s30 =	simm.s32 $0xB20;
	[sflag:s18] =	ssyncadd.s32 $0xFFFFD8F0  }
.LBB2_8:
0x91: {  	[hbm4b:s31+s3] =	stream.linear.scatter [tilespmem:s0], [sflag:$0x5], $0x10, $0x38;
	[tilespmem:$0x16A30] =	vst v63  }
0x92: {  	s4 =	smov.u32 s14;
	s0 =	smov.u32 s30;
	p0 =	sne.s32 s14, $0x2700  }
.Ltmp3:
0x93: {  	s14 =	sadd.s32 $0x10, s14;
	(pc) =	sbr.rel @p0 .LBB2_8-.Ltmp3, $2  }
0x94: {  	_ =	sdelay $0x2  }
0x95: {  	s30 =	sadd.s32 $0x80, s30;
	s31 =	sadd.s32 s4, s8  }
0x96: {  	s29 =	sadd.s32 $0x1, s29  }
0x97: {  	p0 =	sne.s32 s29, s9  }
.Ltmp4:
0x98: {  	_ = 	snop;
	(pc) =	sbr.rel @p0 .LBB2_1-.Ltmp4, $4  }
0x99: {  	[hbm4b:s31+s3] =	stream.linear.scatter [tilespmem:s0], [sflag:$0x5], $0x10, $0x38;
	[tilespmem:$0x16A30] =	vst v63  }
0x9a: {  	_ =	swait.ge [sflag:s18], $0x2710  }
0x9b: {  	[sflag:s18] =	ssyncset.done $0x0  }
0x9c: {  	[sflag:s18] =	ssyncadd.s32 $0xFFFFD8F0  }
0x9d: {  	_ =	sfence.sel $0x180000  }
0x9e: {  	[bflag:$0x0] =	sbarrier.arrive $0xFFFF  }
0x9f: {  	_ =	strace $0x90000050  }
0xa0: {  	s0 =	stileid.u32;
	[bflag:$0x2] =	sbarrier.arrive $0xFFFF  }
0xa1: {  	p0 =	sne.s32 s0, $0x0;
	s0 =	rddreg [dreg:$0x2]  }
0xa2: {  	s0 =	sadd.s32 @!p0 $0x100000, s0  }
0xa3: {  	[sflag:s0] =	ssyncadd.tile.s32 @!p0 $0x1;
	_ =	shalt  }
.Lfunc_end2:
_tile_overlayer_lowered:
.L_overlay_start_2:
0xa4: {  	(tag) =	ssettag $0x2  }
0xa5: {  	s0 =	rddreg [dreg:$0x0];
	s2 =	stileid.u32  }
0xa6: {  	s1 =	rddreg [dreg:$0x1];
	p0 =	sne.s32 s2, $0x0  }
0xa7: {  	s3 =	rddreg [dreg:$0x2];
	[bflag:$0x3] =	sbarrier.arrive $0xFFFF;
	s2 =	simm.s32 @!p0 $0x1C05  }
0xa8: {  	[timem:s3], [sflag:s2] =	dma.local @!p0 [hbm:s0], s1  }
0xa9: {  	s0 =	simm.s32 @!p0 $0x5  }
0xaa: {  	_ =	swait.ge @!p0 [sflag:s0], s1  }
0xab: {  	s1 =	ssub.s32 @!p0 $0x0, s1;
	[sflag:s0] =	ssyncset.done @!p0 $0x0  }
0xac: {  	[sflag:s0] =	ssyncadd.s32 @!p0 s1  }
0xad: {  	[bflag:$0x3] =	sbarrier.arrive $0xFFFF  }
0xae: {  	_ =	shalt  }

</sc_bundles>
